<compile_context>
chip_gen: v7x
topology: tpu7x:2x2x1
jax: 0.10.2.dev20260603
libtpu: 0.0.44.dev20260713+nightly
codegen_flags: <defaults>
</compile_context>

<pallas_src>
import functools

import jax
import jax.numpy as jnp
from jax import lax
from jax.experimental import pallas as pl
from jax.experimental.pallas import tpu as pltpu
from jax.experimental.pallas import tpu_sc as plsc

N = 10000
NP = 10240
SUB_ROWS = NP // 16
E = 320000
CH = 128
E_PAD = 327680
C_A = E_PAD // (32 * CH)
C_B = (2 * E_PAD) // (32 * CH)
TRASH = NP - 1
BM = 256
GRID = NP // BM

_mesh = functools.partial(
    plsc.VectorSubcoreMesh, core_axis_name="c", subcore_axis_name="s")


IB = 16
BB = 1


def _make_prop(C):
  assert C % IB == 0

  @functools.partial(
      pl.kernel,
      out_type=jax.ShapeDtypeStruct((32, SUB_ROWS, 128), jnp.float32),
      mesh=_mesh(),
      scratch_types=[
          pltpu.VMEM_SHARED((NP, 128), jnp.float32),
          pltpu.VMEM((IB * CH,), jnp.int32),
          pltpu.VMEM((IB * CH,), jnp.int32),
          pltpu.VMEM((CH, 128), jnp.float32),
          pltpu.VMEM((CH, 128), jnp.float32),
          pltpu.SemaphoreType.DMA,
          pltpu.SemaphoreType.DMA,
      ],
  )
  def prop(table, src_idx, dst_idx, zeros, out,
           acc, src_v, dst_v, buf0, buf1, sem0, sem1):
    c = lax.axis_index("c")
    s = lax.axis_index("s")
    wid = c * 16 + s
    my_src = src_idx.at[wid]
    my_dst = dst_idx.at[wid]
    pltpu.sync_copy(zeros, acc.at[pl.ds(s * SUB_ROWS, SUB_ROWS)])
    plsc.subcore_barrier()

    @pl.loop(0, C, step=IB)
    def _(j0):
      pltpu.sync_copy(my_src.at[pl.ds(j0 * CH, IB * CH)], src_v)
      pltpu.sync_copy(my_dst.at[pl.ds(j0 * CH, IB * CH)], dst_v)

      @pl.loop(0, IB, step=2)
      def _(t):
        cp0 = pltpu.async_copy(
            table.at[src_v.at[pl.ds(t * CH, CH)]], buf0, sem0)
        cp1 = pltpu.async_copy(
            table.at[src_v.at[pl.ds((t + 1) * CH, CH)]], buf1, sem1)
        cp0.wait()
        pltpu.sync_copy(buf0, acc.at[dst_v.at[pl.ds(t * CH, CH)]], add=True)
        cp1.wait()
        pltpu.sync_copy(
            buf1, acc.at[dst_v.at[pl.ds((t + 1) * CH, CH)]], add=True)

    plsc.subcore_barrier()
    pltpu.sync_copy(acc.at[pl.ds(s * SUB_ROWS, SUB_ROWS)], out.at[wid])

  return prop


_prop_half_edges = _make_prop(C_A)
_prop_half_cols = _make_prop(C_B)


@functools.partial(
    pl.kernel,
    out_type=jax.ShapeDtypeStruct((32, SUB_ROWS, 16), jnp.float32),
    mesh=_mesh(),
    scratch_types=[
        pltpu.VMEM_SHARED((NP, 16), jnp.float32),
        pltpu.VMEM((C_A * CH,), jnp.int32),
        pltpu.VMEM((CH, 16), jnp.float32),
        pltpu.SemaphoreType.DMA,
    ],
)
def _deg_kernel(dst_idx, zeros16, ones16, out, acc, dst_v, ones_v, dsem):
  c = lax.axis_index("c")
  s = lax.axis_index("s")
  wid = c * 16 + s
  pltpu.sync_copy(dst_idx.at[wid], dst_v)
  pltpu.sync_copy(ones16, ones_v)
  pltpu.sync_copy(zeros16, acc.at[pl.ds(s * SUB_ROWS, SUB_ROWS)])
  plsc.subcore_barrier()

  @pl.loop(0, C_A, step=8)
  def _(j):
    hs = []
    for k in range(8):
      hs.append(
          pltpu.async_copy(
              ones_v, acc.at[dst_v.at[pl.ds((j + k) * CH, CH)]], dsem,
              add=True))
    for h in hs:
      h.wait()

  plsc.subcore_barrier()
  pltpu.sync_copy(acc.at[pl.ds(s * SUB_ROWS, SUB_ROWS)], out.at[wid])


def _dis_of(deg):
  return lax.rsqrt(deg[0, :, :1] + deg[1, :, :1] + 1.0)


def _k1_body(deg_ref, x_ref, o_ref):
  o_ref[...] = x_ref[...] * _dis_of(deg_ref[...])


def _k2_body(deg_ref, acc_ref, xt_ref, w1_ref, b1_ref, o_ref):
  dis = _dis_of(deg_ref[...])
  a = acc_ref[...]
  z = (a[0] + a[1] + xt_ref[...]) * dis
  h = jnp.dot(z, w1_ref[...], preferred_element_type=jnp.float32)
  h = jnp.maximum(h + b1_ref[...], 0.0)
  ht = h * dis
  o_ref[...] = jnp.stack([ht[:, :128], ht[:, 128:]])


def _k3_body(deg_ref, acc_ref, ht_ref, w2_ref, b2_ref, w3_ref, o_ref):
  dis = _dis_of(deg_ref[...])
  a = acc_ref[...]
  ht = ht_ref[...]
  z = jnp.concatenate([(a[0] + ht[0]) * dis, (a[1] + ht[1]) * dis], axis=1)
  h = jnp.dot(z, w2_ref[...], preferred_element_type=jnp.float32)
  h = jnp.maximum(h + b2_ref[...], 0.0)
  g = jnp.dot(h, w3_ref[...], preferred_element_type=jnp.float32)
  o_ref[...] = g * dis


def _k4_body(deg_ref, acc_ref, gt_ref, b3_ref, o_ref):
  dis = _dis_of(deg_ref[...])
  a = acc_ref[...]
  y = (a[0] + a[1] + gt_ref[...]) * dis + b3_ref[...]
  o_ref[...] = jnp.maximum(y, 0.0)


_DEG_SPEC = pl.BlockSpec((2, BM, 16), lambda i: (0, i, 0))
_ROW_SPEC = pl.BlockSpec((BM, 128), lambda i: (i, 0))
_ACC_SPEC = pl.BlockSpec((2, BM, 128), lambda i: (0, i, 0))


def _full(shape):
  return pl.BlockSpec(shape, lambda i: tuple(0 for _ in shape))


def kernel(x, edge_index, W1, b1, W2, b2, W3, b3):
  f32 = jnp.float32
  xp = jnp.pad(x, ((0, NP - N), (0, 0)))
  src = edge_index[0]
  dst = edge_index[1]
  padv = jnp.full((E_PAD - E,), TRASH, dtype=src.dtype)
  srcp = jnp.concatenate([src, padv])
  dstp = jnp.concatenate([dst, padv])
  srcA = srcp.reshape(32, C_A * CH)
  dstA = dstp.reshape(32, C_A * CH)
  srcB = jnp.concatenate([srcp, srcp + NP]).reshape(32, C_B * CH)
  dstB = jnp.concatenate([dstp, dstp]).reshape(32, C_B * CH)
  z128 = jnp.zeros((SUB_ROWS, 128), f32)
  z16 = jnp.zeros((SUB_ROWS, 16), f32)
  o16 = jnp.ones((CH, 16), f32)

  deg = _deg_kernel(dstA, z16, o16).reshape(2, NP, 16)

  xt = pl.pallas_call(
      _k1_body, grid=(GRID,),
      in_specs=[_DEG_SPEC, _ROW_SPEC],
      out_specs=_ROW_SPEC,
      out_shape=jax.ShapeDtypeStruct((NP, 128), f32),
  )(deg, xp)

  accA = _prop_half_edges(xt, srcA, dstA, z128).reshape(2, NP, 128)

  h1t = pl.pallas_call(
      _k2_body, grid=(GRID,),
      in_specs=[_DEG_SPEC, _ACC_SPEC, _ROW_SPEC,
                _full((128, 256)), _full((1, 256))],
      out_specs=_ACC_SPEC,
      out_shape=jax.ShapeDtypeStruct((2, NP, 128), f32),
  )(deg, accA, xt, W1, b1.reshape(1, 256))

  acc2 = _prop_half_cols(
      h1t.reshape(2 * NP, 128), srcB, dstB, z128).reshape(2, NP, 128)

  gt = pl.pallas_call(
      _k3_body, grid=(GRID,),
      in_specs=[_DEG_SPEC, _ACC_SPEC, _ACC_SPEC,
                _full((256, 256)), _full((1, 256)), _full((256, 128))],
      out_specs=_ROW_SPEC,
      out_shape=jax.ShapeDtypeStruct((NP, 128), f32),
  )(deg, acc2, h1t, W2, b2.reshape(1, 256), W3)

  acc3 = _prop_half_edges(gt, srcA, dstA, z128).reshape(2, NP, 128)

  out = pl.pallas_call(
      _k4_body, grid=(GRID,),
      in_specs=[_DEG_SPEC, _ACC_SPEC, _ROW_SPEC, _full((1, 128))],
      out_specs=_ROW_SPEC,
      out_shape=jax.ShapeDtypeStruct((NP, 128), f32),
  )(deg, acc3, gt, b3.reshape(1, 128))

  return out[:N]

# --- scband reference (transcript-rebuilt; emitter-appended) ---
"""Pipeline reference for scband-gnn-1228360647039 (READ-ONLY COPY).

The authoritative reference and input builder live on the scoring server;
editing this copy changes nothing except your own understanding.
"""

import jax, jax.numpy as jnp
import numpy as np

N = 10000
E = 320000
IN_C = 128
HID = 256
OUT_C = 128


def setup_inputs(seed: int = 0) -> dict:
    key = jax.random.key(seed)
    ks = jax.random.split(key, 8)
    x = jax.random.normal(ks[0], (N, IN_C), dtype=jnp.float32)
    edge_index = jax.random.randint(ks[1], (2, E), 0, N, dtype=jnp.int32)
    W1 = jax.random.normal(ks[2], (IN_C, HID), dtype=jnp.float32) * (1.0 / np.sqrt(IN_C))
    b1 = jnp.zeros((HID,), dtype=jnp.float32)
    W2 = jax.random.normal(ks[3], (HID, HID), dtype=jnp.float32) * (1.0 / np.sqrt(HID))
    b2 = jnp.zeros((HID,), dtype=jnp.float32)
    W3 = jax.random.normal(ks[4], (HID, OUT_C), dtype=jnp.float32) * (1.0 / np.sqrt(HID))
    b3 = jnp.zeros((OUT_C,), dtype=jnp.float32)
    return {"x": x, "edge_index": edge_index, "W1": W1, "b1": b1, "W2": W2, "b2": b2, "W3": W3, "b3": b3}


def reference(x, edge_index, W1, b1, W2, b2, W3, b3):
    n = x.shape[0]
    loops = jnp.arange(n, dtype=edge_index.dtype)
    src = jnp.concatenate([edge_index[0], loops])
    dst = jnp.concatenate([edge_index[1], loops])
    # symmetric GCN normalization with added self-loops (PyG GCNConv default)
    deg = jnp.zeros((n,), dtype=x.dtype).at[dst].add(1.0)
    dis = jax.lax.rsqrt(jnp.maximum(deg, 1e-12))
    norm = (dis[src] * dis[dst])[:, None]

    def gcn_conv(h, W, b):
        h = h @ W
        msg = h[src] * norm
        out = jnp.zeros((n, W.shape[1]), dtype=h.dtype).at[dst].add(msg)
        return out + b

    h = jax.nn.relu(gcn_conv(x, W1, b1))
    h = jax.nn.relu(gcn_conv(h, W2, b2))
    h = jax.nn.relu(gcn_conv(h, W3, b3))
    return h

if __name__ == "__main__":
    import jax
    _d = setup_inputs()
    print(jax.jit(kernel)(*tuple(_d.values())))

</pallas_src>

<mosaic_0001>
#map = affine_map<(d0, d1) -> (0, 0)>
#map1 = affine_map<(d0, d1) -> (0, 0, 0)>
module attributes {stable_mosaic.version = 14 : i64} {
  func.func @_deg_kernel(%arg0: i32, %arg1: i32, %arg2: memref<32x10240xi32, #tpu.memory_space<hbm>>, %arg3: memref<640x16xf32, #tpu.memory_space<hbm>>, %arg4: memref<128x16xf32, #tpu.memory_space<hbm>>, %arg5: memref<32x640x16xf32, #tpu.memory_space<hbm>>, %arg6: memref<10240x16xf32, #tpu.memory_space<vmem_shared>>, %arg7: memref<10240xi32, #tpu.memory_space<vmem>>, %arg8: memref<128x16xf32, #tpu.memory_space<vmem>>, %arg9: memref<!tpu.dma_semaphore, #tpu.memory_space<semaphore_mem>>) attributes {dimension_semantics = [#tpu.dimension_semantics<core_parallel>, #tpu.dimension_semantics<subcore_parallel>], iteration_bounds = array<i64: 2, 16>, scalar_prefetch = 0 : i64, scratch_operands = 4 : i64, tpu.core_type = #tpu.core_type<sc_vector_subcore>, window_params = [{transform_indices = #map}, {transform_indices = #map}, {transform_indices = #map}, {transform_indices = #map1}]} {
    %mul3A = arith.constant 16 : i32
    %mul3A_0 = arith.muli %arg0, %mul3A : i32
    %add3A = arith.addi %mul3A_0, %arg1 : i32
    "tpu.region"() ({
      %run_scoped3A = tpu.sem_alloc : memref<!tpu.dma_semaphore, #tpu.memory_space<semaphore_mem>>
      %dma_start3A = arith.constant 0 : i32
      %dma_start3A_10 = tpu.memref_slice %arg2[%add3A, %dma_start3A] : memref<32x10240xi32, #tpu.memory_space<hbm>> -> memref<1x10240xi32, #tpu.memory_space<hbm>>
      %dma_start3A_11 = tpu.memref_squeeze %dma_start3A_10 : memref<1x10240xi32, #tpu.memory_space<hbm>> -> memref<10240xi32, #tpu.memory_space<hbm>>
      %dma_start3A_12 = arith.constant 0 : i32
      %dma_start3A_13 = tpu.memref_slice %arg2[%add3A, %dma_start3A_12] : memref<32x10240xi32, #tpu.memory_space<hbm>> -> memref<1x10240xi32, #tpu.memory_space<hbm>>
      %dma_start3A_14 = tpu.memref_squeeze %dma_start3A_13 : memref<1x10240xi32, #tpu.memory_space<hbm>> -> memref<10240xi32, #tpu.memory_space<hbm>>
      tpu.enqueue_dma source(%dma_start3A_14 : memref<10240xi32, #tpu.memory_space<hbm>>) target(%arg7 : memref<10240xi32, #tpu.memory_space<vmem>>) target_semaphore(%run_scoped3A : memref<!tpu.dma_semaphore, #tpu.memory_space<semaphore_mem>>)
      %dma_wait3A = arith.constant 0 : i32
      %dma_wait3A_15 = tpu.memref_slice %arg2[%add3A, %dma_wait3A] : memref<32x10240xi32, #tpu.memory_space<hbm>> -> memref<1x10240xi32, #tpu.memory_space<hbm>>
      %dma_wait3A_16 = tpu.memref_squeeze %dma_wait3A_15 : memref<1x10240xi32, #tpu.memory_space<hbm>> -> memref<10240xi32, #tpu.memory_space<hbm>>
      %dma_wait3A_17 = arith.constant 0 : i32
      %dma_wait3A_18 = tpu.memref_slice %arg2[%add3A, %dma_wait3A_17] : memref<32x10240xi32, #tpu.memory_space<hbm>> -> memref<1x10240xi32, #tpu.memory_space<hbm>>
      %dma_wait3A_19 = tpu.memref_squeeze %dma_wait3A_18 : memref<1x10240xi32, #tpu.memory_space<hbm>> -> memref<10240xi32, #tpu.memory_space<hbm>>
      tpu.wait_dma2 semaphore(%run_scoped3A : memref<!tpu.dma_semaphore, #tpu.memory_space<semaphore_mem>>) src(%dma_wait3A_19 : memref<10240xi32, #tpu.memory_space<hbm>>) dst(%arg7 : memref<10240xi32, #tpu.memory_space<vmem>>)
      tpu.yield
    }) : () -> ()
    "tpu.region"() ({
      %run_scoped3A = tpu.sem_alloc : memref<!tpu.dma_semaphore, #tpu.memory_space<semaphore_mem>>
      tpu.enqueue_dma source(%arg4 : memref<128x16xf32, #tpu.memory_space<hbm>>) target(%arg8 : memref<128x16xf32, #tpu.memory_space<vmem>>) target_semaphore(%run_scoped3A : memref<!tpu.dma_semaphore, #tpu.memory_space<semaphore_mem>>)
      tpu.wait_dma2 semaphore(%run_scoped3A : memref<!tpu.dma_semaphore, #tpu.memory_space<semaphore_mem>>) src(%arg4 : memref<128x16xf32, #tpu.memory_space<hbm>>) dst(%arg8 : memref<128x16xf32, #tpu.memory_space<vmem>>)
      tpu.yield
    }) : () -> ()
    %mul3A_1 = arith.constant 640 : i32
    %mul3A_2 = arith.muli %arg1, %mul3A_1 : i32
    "tpu.region"() ({
      %run_scoped3A = tpu.sem_alloc : memref<!tpu.dma_semaphore, #tpu.memory_space<semaphore_mem>>
      %dma_start3A = arith.constant 0 : i32
      %dma_start3A_10 = tpu.memref_slice %arg6[%mul3A_2, %dma_start3A] : memref<10240x16xf32, #tpu.memory_space<vmem_shared>> -> memref<640x16xf32, #tpu.memory_space<vmem_shared>>
      tpu.enqueue_dma source(%arg3 : memref<640x16xf32, #tpu.memory_space<hbm>>) target(%dma_start3A_10 : memref<640x16xf32, #tpu.memory_space<vmem_shared>>) target_semaphore(%run_scoped3A : memref<!tpu.dma_semaphore, #tpu.memory_space<semaphore_mem>>)
      %dma_wait3A = arith.constant 0 : i32
      %dma_wait3A_11 = tpu.memref_slice %arg6[%mul3A_2, %dma_wait3A] : memref<10240x16xf32, #tpu.memory_space<vmem_shared>> -> memref<640x16xf32, #tpu.memory_space<vmem_shared>>
      tpu.wait_dma2 semaphore(%run_scoped3A : memref<!tpu.dma_semaphore, #tpu.memory_space<semaphore_mem>>) src(%arg3 : memref<640x16xf32, #tpu.memory_space<hbm>>) dst(%dma_wait3A_11 : memref<640x16xf32, #tpu.memory_space<vmem_shared>>)
      tpu.yield
    }) : () -> ()
    %barrier3A = arith.constant 0 : index
    tpu.barrier barrier_id(%barrier3A)
    %scan3A = arith.constant 0 : i32
    %scan3A_3 = arith.constant 10 : i32
    %scan3A_4 = arith.addi %scan3A, %scan3A_3 : i32
    %scan3A_5 = arith.constant 1 : i32
    scf.for %scan3A_10 = %scan3A to %scan3A_4 step %scan3A_5  : i32 {
      %mul3A_11 = arith.constant 8 : i32
      %mul3A_12 = arith.muli %scan3A_10, %mul3A_11 : i32
      %add3A_13 = arith.constant 0 : i32
      %add3A_14 = arith.addi %add3A_13, %mul3A_12 : i32
      %add3A_15 = arith.constant 0 : i32
      %add3A_16 = arith.addi %add3A_14, %add3A_15 : i32
      %mul3A_17 = arith.constant 128 : i32
      %mul3A_18 = arith.muli %add3A_16, %mul3A_17 : i32
      %dma_start3A = tpu.memref_slice %arg7[%mul3A_18] : memref<10240xi32, #tpu.memory_space<vmem>> -> memref<128xi32, #tpu.memory_space<vmem>>
      %dma_start3A_19 = arith.constant 0 : i32
      %dma_start3A_20 = arith.constant 0 : i32
      %dma_start3A_21 = tpu.memref_slice %arg6[%dma_start3A_19, %dma_start3A_20] : memref<10240x16xf32, #tpu.memory_space<vmem_shared>> -> memref<10240x16xf32, #tpu.memory_space<vmem_shared>>
      tpu.enqueue_indirect_dma source(%arg8 : memref<128x16xf32, #tpu.memory_space<vmem>>) target(%dma_start3A_21 : memref<10240x16xf32, #tpu.memory_space<vmem_shared>>) offsets(%dma_start3A : memref<128xi32, #tpu.memory_space<vmem>>) semaphore(%arg9 : memref<!tpu.dma_semaphore, #tpu.memory_space<semaphore_mem>>) {add = true}
      %add3A_22 = arith.constant 1 : i32
      %add3A_23 = arith.addi %add3A_14, %add3A_22 : i32
      %mul3A_24 = arith.constant 128 : i32
      %mul3A_25 = arith.muli %add3A_23, %mul3A_24 : i32
      %dma_start3A_26 = tpu.memref_slice %arg7[%mul3A_25] : memref<10240xi32, #tpu.memory_space<vmem>> -> memref<128xi32, #tpu.memory_space<vmem>>
      %dma_start3A_27 = arith.constant 0 : i32
      %dma_start3A_28 = arith.constant 0 : i32
      %dma_start3A_29 = tpu.memref_slice %arg6[%dma_start3A_27, %dma_start3A_28] : memref<10240x16xf32, #tpu.memory_space<vmem_shared>> -> memref<10240x16xf32, #tpu.memory_space<vmem_shared>>
      tpu.enqueue_indirect_dma source(%arg8 : memref<128x16xf32, #tpu.memory_space<vmem>>) target(%dma_start3A_29 : memref<10240x16xf32, #tpu.memory_space<vmem_shared>>) offsets(%dma_start3A_26 : memref<128xi32, #tpu.memory_space<vmem>>) semaphore(%arg9 : memref<!tpu.dma_semaphore, #tpu.memory_space<semaphore_mem>>) {add = true}
      %add3A_30 = arith.constant 2 : i32
      %add3A_31 = arith.addi %add3A_14, %add3A_30 : i32
      %mul3A_32 = arith.constant 128 : i32
      %mul3A_33 = arith.muli %add3A_31, %mul3A_32 : i32
      %dma_start3A_34 = tpu.memref_slice %arg7[%mul3A_33] : memref<10240xi32, #tpu.memory_space<vmem>> -> memref<128xi32, #tpu.memory_space<vmem>>
      %dma_start3A_35 = arith.constant 0 : i32
      %dma_start3A_36 = arith.constant 0 : i32
      %dma_start3A_37 = tpu.memref_slice %arg6[%dma_start3A_35, %dma_start3A_36] : memref<10240x16xf32, #tpu.memory_space<vmem_shared>> -> memref<10240x16xf32, #tpu.memory_space<vmem_shared>>
      tpu.enqueue_indirect_dma source(%arg8 : memref<128x16xf32, #tpu.memory_space<vmem>>) target(%dma_start3A_37 : memref<10240x16xf32, #tpu.memory_space<vmem_shared>>) offsets(%dma_start3A_34 : memref<128xi32, #tpu.memory_space<vmem>>) semaphore(%arg9 : memref<!tpu.dma_semaphore, #tpu.memory_space<semaphore_mem>>) {add = true}
      %add3A_38 = arith.constant 3 : i32
      %add3A_39 = arith.addi %add3A_14, %add3A_38 : i32
      %mul3A_40 = arith.constant 128 : i32
      %mul3A_41 = arith.muli %add3A_39, %mul3A_40 : i32
      %dma_start3A_42 = tpu.memref_slice %arg7[%mul3A_41] : memref<10240xi32, #tpu.memory_space<vmem>> -> memref<128xi32, #tpu.memory_space<vmem>>
      %dma_start3A_43 = arith.constant 0 : i32
      %dma_start3A_44 = arith.constant 0 : i32
      %dma_start3A_45 = tpu.memref_slice %arg6[%dma_start3A_43, %dma_start3A_44] : memref<10240x16xf32, #tpu.memory_space<vmem_shared>> -> memref<10240x16xf32, #tpu.memory_space<vmem_shared>>
      tpu.enqueue_indirect_dma source(%arg8 : memref<128x16xf32, #tpu.memory_space<vmem>>) target(%dma_start3A_45 : memref<10240x16xf32, #tpu.memory_space<vmem_shared>>) offsets(%dma_start3A_42 : memref<128xi32, #tpu.memory_space<vmem>>) semaphore(%arg9 : memref<!tpu.dma_semaphore, #tpu.memory_space<semaphore_mem>>) {add = true}
      %add3A_46 = arith.constant 4 : i32
      %add3A_47 = arith.addi %add3A_14, %add3A_46 : i32
      %mul3A_48 = arith.constant 128 : i32
      %mul3A_49 = arith.muli %add3A_47, %mul3A_48 : i32
      %dma_start3A_50 = tpu.memref_slice %arg7[%mul3A_49] : memref<10240xi32, #tpu.memory_space<vmem>> -> memref<128xi32, #tpu.memory_space<vmem>>
      %dma_start3A_51 = arith.constant 0 : i32
      %dma_start3A_52 = arith.constant 0 : i32
      %dma_start3A_53 = tpu.memref_slice %arg6[%dma_start3A_51, %dma_start3A_52] : memref<10240x16xf32, #tpu.memory_space<vmem_shared>> -> memref<10240x16xf32, #tpu.memory_space<vmem_shared>>
      tpu.enqueue_indirect_dma source(%arg8 : memref<128x16xf32, #tpu.memory_space<vmem>>) target(%dma_start3A_53 : memref<10240x16xf32, #tpu.memory_space<vmem_shared>>) offsets(%dma_start3A_50 : memref<128xi32, #tpu.memory_space<vmem>>) semaphore(%arg9 : memref<!tpu.dma_semaphore, #tpu.memory_space<semaphore_mem>>) {add = true}
      %add3A_54 = arith.constant 5 : i32
      %add3A_55 = arith.addi %add3A_14, %add3A_54 : i32
      %mul3A_56 = arith.constant 128 : i32
      %mul3A_57 = arith.muli %add3A_55, %mul3A_56 : i32
      %dma_start3A_58 = tpu.memref_slice %arg7[%mul3A_57] : memref<10240xi32, #tpu.memory_space<vmem>> -> memref<128xi32, #tpu.memory_space<vmem>>
      %dma_start3A_59 = arith.constant 0 : i32
      %dma_start3A_60 = arith.constant 0 : i32
      %dma_start3A_61 = tpu.memref_slice %arg6[%dma_start3A_59, %dma_start3A_60] : memref<10240x16xf32, #tpu.memory_space<vmem_shared>> -> memref<10240x16xf32, #tpu.memory_space<vmem_shared>>
      tpu.enqueue_indirect_dma source(%arg8 : memref<128x16xf32, #tpu.memory_space<vmem>>) target(%dma_start3A_61 : memref<10240x16xf32, #tpu.memory_space<vmem_shared>>) offsets(%dma_start3A_58 : memref<128xi32, #tpu.memory_space<vmem>>) semaphore(%arg9 : memref<!tpu.dma_semaphore, #tpu.memory_space<semaphore_mem>>) {add = true}
      %add3A_62 = arith.constant 6 : i32
      %add3A_63 = arith.addi %add3A_14, %add3A_62 : i32
      %mul3A_64 = arith.constant 128 : i32
      %mul3A_65 = arith.muli %add3A_63, %mul3A_64 : i32
      %dma_start3A_66 = tpu.memref_slice %arg7[%mul3A_65] : memref<10240xi32, #tpu.memory_space<vmem>> -> memref<128xi32, #tpu.memory_space<vmem>>
      %dma_start3A_67 = arith.constant 0 : i32
      %dma_start3A_68 = arith.constant 0 : i32
      %dma_start3A_69 = tpu.memref_slice %arg6[%dma_start3A_67, %dma_start3A_68] : memref<10240x16xf32, #tpu.memory_space<vmem_shared>> -> memref<10240x16xf32, #tpu.memory_space<vmem_shared>>
      tpu.enqueue_indirect_dma source(%arg8 : memref<128x16xf32, #tpu.memory_space<vmem>>) target(%dma_start3A_69 : memref<10240x16xf32, #tpu.memory_space<vmem_shared>>) offsets(%dma_start3A_66 : memref<128xi32, #tpu.memory_space<vmem>>) semaphore(%arg9 : memref<!tpu.dma_semaphore, #tpu.memory_space<semaphore_mem>>) {add = true}
      %add3A_70 = arith.constant 7 : i32
      %add3A_71 = arith.addi %add3A_14, %add3A_70 : i32
      %mul3A_72 = arith.constant 128 : i32
      %mul3A_73 = arith.muli %add3A_71, %mul3A_72 : i32
      %dma_start3A_74 = tpu.memref_slice %arg7[%mul3A_73] : memref<10240xi32, #tpu.memory_space<vmem>> -> memref<128xi32, #tpu.memory_space<vmem>>
      %dma_start3A_75 = arith.constant 0 : i32
      %dma_start3A_76 = arith.constant 0 : i32
      %dma_start3A_77 = tpu.memref_slice %arg6[%dma_start3A_75, %dma_start3A_76] : memref<10240x16xf32, #tpu.memory_space<vmem_shared>> -> memref<10240x16xf32, #tpu.memory_space<vmem_shared>>
      tpu.enqueue_indirect_dma source(%arg8 : memref<128x16xf32, #tpu.memory_space<vmem>>) target(%dma_start3A_77 : memref<10240x16xf32, #tpu.memory_space<vmem_shared>>) offsets(%dma_start3A_74 : memref<128xi32, #tpu.memory_space<vmem>>) semaphore(%arg9 : memref<!tpu.dma_semaphore, #tpu.memory_space<semaphore_mem>>) {add = true}
      %dma_wait3A = tpu.memref_slice %arg7[%mul3A_18] : memref<10240xi32, #tpu.memory_space<vmem>> -> memref<128xi32, #tpu.memory_space<vmem>>
      %dma_wait3A_78 = arith.constant 0 : i32
      %dma_wait3A_79 = arith.constant 0 : i32
      %dma_wait3A_80 = tpu.memref_slice %arg6[%dma_wait3A_78, %dma_wait3A_79] : memref<10240x16xf32, #tpu.memory_space<vmem_shared>> -> memref<10240x16xf32, #tpu.memory_space<vmem_shared>>
      tpu.wait_indirect_dma semaphore(%arg9 : memref<!tpu.dma_semaphore, #tpu.memory_space<semaphore_mem>>) src(%arg8 : memref<128x16xf32, #tpu.memory_space<vmem>>) dst(%dma_wait3A_80 : memref<10240x16xf32, #tpu.memory_space<vmem_shared>>)
      %dma_wait3A_81 = tpu.memref_slice %arg7[%mul3A_25] : memref<10240xi32, #tpu.memory_space<vmem>> -> memref<128xi32, #tpu.memory_space<vmem>>
      %dma_wait3A_82 = arith.constant 0 : i32
      %dma_wait3A_83 = arith.constant 0 : i32
      %dma_wait3A_84 = tpu.memref_slice %arg6[%dma_wait3A_82, %dma_wait3A_83] : memref<10240x16xf32, #tpu.memory_space<vmem_shared>> -> memref<10240x16xf32, #tpu.memory_space<vmem_shared>>
      tpu.wait_indirect_dma semaphore(%arg9 : memref<!tpu.dma_semaphore, #tpu.memory_space<semaphore_mem>>) src(%arg8 : memref<128x16xf32, #tpu.memory_space<vmem>>) dst(%dma_wait3A_84 : memref<10240x16xf32, #tpu.memory_space<vmem_shared>>)
      %dma_wait3A_85 = tpu.memref_slice %arg7[%mul3A_33] : memref<10240xi32, #tpu.memory_space<vmem>> -> memref<128xi32, #tpu.memory_space<vmem>>
      %dma_wait3A_86 = arith.constant 0 : i32
      %dma_wait3A_87 = arith.constant 0 : i32
      %dma_wait3A_88 = tpu.memref_slice %arg6[%dma_wait3A_86, %dma_wait3A_87] : memref<10240x16xf32, #tpu.memory_space<vmem_shared>> -> memref<10240x16xf32, #tpu.memory_space<vmem_shared>>
      tpu.wait_indirect_dma semaphore(%arg9 : memref<!tpu.dma_semaphore, #tpu.memory_space<semaphore_mem>>) src(%arg8 : memref<128x16xf32, #tpu.memory_space<vmem>>) dst(%dma_wait3A_88 : memref<10240x16xf32, #tpu.memory_space<vmem_shared>>)
      %dma_wait3A_89 = tpu.memref_slice %arg7[%mul3A_41] : memref<10240xi32, #tpu.memory_space<vmem>> -> memref<128xi32, #tpu.memory_space<vmem>>
      %dma_wait3A_90 = arith.constant 0 : i32
      %dma_wait3A_91 = arith.constant 0 : i32
      %dma_wait3A_92 = tpu.memref_slice %arg6[%dma_wait3A_90, %dma_wait3A_91] : memref<10240x16xf32, #tpu.memory_space<vmem_shared>> -> memref<10240x16xf32, #tpu.memory_space<vmem_shared>>
      tpu.wait_indirect_dma semaphore(%arg9 : memref<!tpu.dma_semaphore, #tpu.memory_space<semaphore_mem>>) src(%arg8 : memref<128x16xf32, #tpu.memory_space<vmem>>) dst(%dma_wait3A_92 : memref<10240x16xf32, #tpu.memory_space<vmem_shared>>)
      %dma_wait3A_93 = tpu.memref_slice %arg7[%mul3A_49] : memref<10240xi32, #tpu.memory_space<vmem>> -> memref<128xi32, #tpu.memory_space<vmem>>
      %dma_wait3A_94 = arith.constant 0 : i32
      %dma_wait3A_95 = arith.constant 0 : i32
      %dma_wait3A_96 = tpu.memref_slice %arg6[%dma_wait3A_94, %dma_wait3A_95] : memref<10240x16xf32, #tpu.memory_space<vmem_shared>> -> memref<10240x16xf32, #tpu.memory_space<vmem_shared>>
      tpu.wait_indirect_dma semaphore(%arg9 : memref<!tpu.dma_semaphore, #tpu.memory_space<semaphore_mem>>) src(%arg8 : memref<128x16xf32, #tpu.memory_space<vmem>>) dst(%dma_wait3A_96 : memref<10240x16xf32, #tpu.memory_space<vmem_shared>>)
      %dma_wait3A_97 = tpu.memref_slice %arg7[%mul3A_57] : memref<10240xi32, #tpu.memory_space<vmem>> -> memref<128xi32, #tpu.memory_space<vmem>>
      %dma_wait3A_98 = arith.constant 0 : i32
      %dma_wait3A_99 = arith.constant 0 : i32
      %dma_wait3A_100 = tpu.memref_slice %arg6[%dma_wait3A_98, %dma_wait3A_99] : memref<10240x16xf32, #tpu.memory_space<vmem_shared>> -> memref<10240x16xf32, #tpu.memory_space<vmem_shared>>
      tpu.wait_indirect_dma semaphore(%arg9 : memref<!tpu.dma_semaphore, #tpu.memory_space<semaphore_mem>>) src(%arg8 : memref<128x16xf32, #tpu.memory_space<vmem>>) dst(%dma_wait3A_100 : memref<10240x16xf32, #tpu.memory_space<vmem_shared>>)
      %dma_wait3A_101 = tpu.memref_slice %arg7[%mul3A_65] : memref<10240xi32, #tpu.memory_space<vmem>> -> memref<128xi32, #tpu.memory_space<vmem>>
      %dma_wait3A_102 = arith.constant 0 : i32
      %dma_wait3A_103 = arith.constant 0 : i32
      %dma_wait3A_104 = tpu.memref_slice %arg6[%dma_wait3A_102, %dma_wait3A_103] : memref<10240x16xf32, #tpu.memory_space<vmem_shared>> -> memref<10240x16xf32, #tpu.memory_space<vmem_shared>>
      tpu.wait_indirect_dma semaphore(%arg9 : memref<!tpu.dma_semaphore, #tpu.memory_space<semaphore_mem>>) src(%arg8 : memref<128x16xf32, #tpu.memory_space<vmem>>) dst(%dma_wait3A_104 : memref<10240x16xf32, #tpu.memory_space<vmem_shared>>)
      %dma_wait3A_105 = tpu.memref_slice %arg7[%mul3A_73] : memref<10240xi32, #tpu.memory_space<vmem>> -> memref<128xi32, #tpu.memory_space<vmem>>
      %dma_wait3A_106 = arith.constant 0 : i32
      %dma_wait3A_107 = arith.constant 0 : i32
      %dma_wait3A_108 = tpu.memref_slice %arg6[%dma_wait3A_106, %dma_wait3A_107] : memref<10240x16xf32, #tpu.memory_space<vmem_shared>> -> memref<10240x16xf32, #tpu.memory_space<vmem_shared>>
      tpu.wait_indirect_dma semaphore(%arg9 : memref<!tpu.dma_semaphore, #tpu.memory_space<semaphore_mem>>) src(%arg8 : memref<128x16xf32, #tpu.memory_space<vmem>>) dst(%dma_wait3A_108 : memref<10240x16xf32, #tpu.memory_space<vmem_shared>>)
    }
    %scan3A_6 = arith.constant 10 : i32
    %barrier3A_7 = arith.constant 0 : index
    tpu.barrier barrier_id(%barrier3A_7)
    %mul3A_8 = arith.constant 640 : i32
    %mul3A_9 = arith.muli %arg1, %mul3A_8 : i32
    "tpu.region"() ({
      %run_scoped3A = tpu.sem_alloc : memref<!tpu.dma_semaphore, #tpu.memory_space<semaphore_mem>>
      %dma_start3A = arith.constant 0 : i32
      %dma_start3A_10 = arith.constant 0 : i32
      %dma_start3A_11 = tpu.memref_slice %arg5[%add3A, %dma_start3A, %dma_start3A_10] : memref<32x640x16xf32, #tpu.memory_space<hbm>> -> memref<1x640x16xf32, #tpu.memory_space<hbm>>
      %dma_start3A_12 = tpu.memref_squeeze %dma_start3A_11 : memref<1x640x16xf32, #tpu.memory_space<hbm>> -> memref<640x16xf32, #tpu.memory_space<hbm>>
      %dma_start3A_13 = arith.constant 0 : i32
      %dma_start3A_14 = tpu.memref_slice %arg6[%mul3A_9, %dma_start3A_13] : memref<10240x16xf32, #tpu.memory_space<vmem_shared>> -> memref<640x16xf32, #tpu.memory_space<vmem_shared>>
      tpu.enqueue_dma source(%dma_start3A_14 : memref<640x16xf32, #tpu.memory_space<vmem_shared>>) target(%dma_start3A_12 : memref<640x16xf32, #tpu.memory_space<hbm>>) target_semaphore(%run_scoped3A : memref<!tpu.dma_semaphore, #tpu.memory_space<semaphore_mem>>)
      %dma_wait3A = arith.constant 0 : i32
      %dma_wait3A_15 = arith.constant 0 : i32
      %dma_wait3A_16 = tpu.memref_slice %arg5[%add3A, %dma_wait3A, %dma_wait3A_15] : memref<32x640x16xf32, #tpu.memory_space<hbm>> -> memref<1x640x16xf32, #tpu.memory_space<hbm>>
      %dma_wait3A_17 = tpu.memref_squeeze %dma_wait3A_16 : memref<1x640x16xf32, #tpu.memory_space<hbm>> -> memref<640x16xf32, #tpu.memory_space<hbm>>
      %dma_wait3A_18 = arith.constant 0 : i32
      %dma_wait3A_19 = tpu.memref_slice %arg6[%mul3A_9, %dma_wait3A_18] : memref<10240x16xf32, #tpu.memory_space<vmem_shared>> -> memref<640x16xf32, #tpu.memory_space<vmem_shared>>
      tpu.wait_dma2 semaphore(%run_scoped3A : memref<!tpu.dma_semaphore, #tpu.memory_space<semaphore_mem>>) src(%dma_wait3A_19 : memref<640x16xf32, #tpu.memory_space<vmem_shared>>) dst(%dma_wait3A_17 : memref<640x16xf32, #tpu.memory_space<hbm>>)
      tpu.yield
    }) : () -> ()
    return
  }
}

#map = affine_map<(d0, d1) -> (0, 0)>
#map1 = affine_map<(d0, d1) -> (0, 0, 0)>
module attributes {stable_mosaic.version = 14 : i64} {
  func.func @prop(%arg0: i32, %arg1: i32, %arg2: memref<10240x128xf32, #tpu.memory_space<hbm>>, %arg3: memref<32x10240xi32, #tpu.memory_space<hbm>>, %arg4: memref<32x10240xi32, #tpu.memory_space<hbm>>, %arg5: memref<640x128xf32, #tpu.memory_space<hbm>>, %arg6: memref<32x640x128xf32, #tpu.memory_space<hbm>>, %arg7: memref<10240x128xf32, #tpu.memory_space<vmem_shared>>, %arg8: memref<2048xi32, #tpu.memory_space<vmem>>, %arg9: memref<2048xi32, #tpu.memory_space<vmem>>, %arg10: memref<128x128xf32, #tpu.memory_space<vmem>>, %arg11: memref<128x128xf32, #tpu.memory_space<vmem>>, %arg12: memref<!tpu.dma_semaphore, #tpu.memory_space<semaphore_mem>>, %arg13: memref<!tpu.dma_semaphore, #tpu.memory_space<semaphore_mem>>) attributes {dimension_semantics = [#tpu.dimension_semantics<core_parallel>, #tpu.dimension_semantics<subcore_parallel>], iteration_bounds = array<i64: 2, 16>, scalar_prefetch = 0 : i64, scratch_operands = 7 : i64, tpu.core_type = #tpu.core_type<sc_vector_subcore>, window_params = [{transform_indices = #map}, {transform_indices = #map}, {transform_indices = #map}, {transform_indices = #map}, {transform_indices = #map1}]} {
    %mul3A = arith.constant 16 : i32
    %mul3A_0 = arith.muli %arg0, %mul3A : i32
    %add3A = arith.addi %mul3A_0, %arg1 : i32
    %mul3A_1 = arith.constant 640 : i32
    %mul3A_2 = arith.muli %arg1, %mul3A_1 : i32
    "tpu.region"() ({
      %run_scoped3A = tpu.sem_alloc : memref<!tpu.dma_semaphore, #tpu.memory_space<semaphore_mem>>
      %dma_start3A = arith.constant 0 : i32
      %dma_start3A_10 = tpu.memref_slice %arg7[%mul3A_2, %dma_start3A] : memref<10240x128xf32, #tpu.memory_space<vmem_shared>> -> memref<640x128xf32, #tpu.memory_space<vmem_shared>>
      tpu.enqueue_dma source(%arg5 : memref<640x128xf32, #tpu.memory_space<hbm>>) target(%dma_start3A_10 : memref<640x128xf32, #tpu.memory_space<vmem_shared>>) target_semaphore(%run_scoped3A : memref<!tpu.dma_semaphore, #tpu.memory_space<semaphore_mem>>)
      %dma_wait3A = arith.constant 0 : i32
      %dma_wait3A_11 = tpu.memref_slice %arg7[%mul3A_2, %dma_wait3A] : memref<10240x128xf32, #tpu.memory_space<vmem_shared>> -> memref<640x128xf32, #tpu.memory_space<vmem_shared>>
      tpu.wait_dma2 semaphore(%run_scoped3A : memref<!tpu.dma_semaphore, #tpu.memory_space<semaphore_mem>>) src(%arg5 : memref<640x128xf32, #tpu.memory_space<hbm>>) dst(%dma_wait3A_11 : memref<640x128xf32, #tpu.memory_space<vmem_shared>>)
      tpu.yield
    }) : () -> ()
    %barrier3A = arith.constant 0 : index
    tpu.barrier barrier_id(%barrier3A)
    %scan3A = arith.constant 0 : i32
    %scan3A_3 = arith.constant 5 : i32
    %scan3A_4 = arith.addi %scan3A, %scan3A_3 : i32
    %scan3A_5 = arith.constant 1 : i32
    scf.for %scan3A_10 = %scan3A to %scan3A_4 step %scan3A_5  : i32 {
      %mul3A_11 = arith.constant 16 : i32
      %mul3A_12 = arith.muli %scan3A_10, %mul3A_11 : i32
      %add3A_13 = arith.constant 0 : i32
      %add3A_14 = arith.addi %add3A_13, %mul3A_12 : i32
      %mul3A_15 = arith.constant 128 : i32
      %mul3A_16 = arith.muli %add3A_14, %mul3A_15 : i32
      "tpu.region"() ({
        %run_scoped3A = tpu.sem_alloc : memref<!tpu.dma_semaphore, #tpu.memory_space<semaphore_mem>>
        %dma_start3A = arith.constant 0 : i32
        %dma_start3A_24 = tpu.memref_slice %arg3[%add3A, %dma_start3A] : memref<32x10240xi32, #tpu.memory_space<hbm>> -> memref<1x10240xi32, #tpu.memory_space<hbm>>
        %dma_start3A_25 = tpu.memref_squeeze %dma_start3A_24 : memref<1x10240xi32, #tpu.memory_space<hbm>> -> memref<10240xi32, #tpu.memory_space<hbm>>
        %dma_start3A_26 = tpu.memref_slice %dma_start3A_25[%mul3A_16] : memref<10240xi32, #tpu.memory_space<hbm>> -> memref<2048xi32, #tpu.memory_space<hbm>>
        %dma_start3A_27 = arith.constant 0 : i32
        %dma_start3A_28 = tpu.memref_slice %arg3[%add3A, %dma_start3A_27] : memref<32x10240xi32, #tpu.memory_space<hbm>> -> memref<1x10240xi32, #tpu.memory_space<hbm>>
        %dma_start3A_29 = tpu.memref_squeeze %dma_start3A_28 : memref<1x10240xi32, #tpu.memory_space<hbm>> -> memref<10240xi32, #tpu.memory_space<hbm>>
        %dma_start3A_30 = tpu.memref_slice %dma_start3A_29[%mul3A_16] : memref<10240xi32, #tpu.memory_space<hbm>> -> memref<2048xi32, #tpu.memory_space<hbm>>
        tpu.enqueue_dma source(%dma_start3A_30 : memref<2048xi32, #tpu.memory_space<hbm>>) target(%arg8 : memref<2048xi32, #tpu.memory_space<vmem>>) target_semaphore(%run_scoped3A : memref<!tpu.dma_semaphore, #tpu.memory_space<semaphore_mem>>)
        %dma_wait3A = arith.constant 0 : i32
        %dma_wait3A_31 = tpu.memref_slice %arg3[%add3A, %dma_wait3A] : memref<32x10240xi32, #tpu.memory_space<hbm>> -> memref<1x10240xi32, #tpu.memory_space<hbm>>
        %dma_wait3A_32 = tpu.memref_squeeze %dma_wait3A_31 : memref<1x10240xi32, #tpu.memory_space<hbm>> -> memref<10240xi32, #tpu.memory_space<hbm>>
        %dma_wait3A_33 = tpu.memref_slice %dma_wait3A_32[%mul3A_16] : memref<10240xi32, #tpu.memory_space<hbm>> -> memref<2048xi32, #tpu.memory_space<hbm>>
        %dma_wait3A_34 = arith.constant 0 : i32
        %dma_wait3A_35 = tpu.memref_slice %arg3[%add3A, %dma_wait3A_34] : memref<32x10240xi32, #tpu.memory_space<hbm>> -> memref<1x10240xi32, #tpu.memory_space<hbm>>
        %dma_wait3A_36 = tpu.memref_squeeze %dma_wait3A_35 : memref<1x10240xi32, #tpu.memory_space<hbm>> -> memref<10240xi32, #tpu.memory_space<hbm>>
        %dma_wait3A_37 = tpu.memref_slice %dma_wait3A_36[%mul3A_16] : memref<10240xi32, #tpu.memory_space<hbm>> -> memref<2048xi32, #tpu.memory_space<hbm>>
        tpu.wait_dma2 semaphore(%run_scoped3A : memref<!tpu.dma_semaphore, #tpu.memory_space<semaphore_mem>>) src(%dma_wait3A_37 : memref<2048xi32, #tpu.memory_space<hbm>>) dst(%arg8 : memref<2048xi32, #tpu.memory_space<vmem>>)
        tpu.yield
      }) : () -> ()
      %mul3A_17 = arith.constant 128 : i32
      %mul3A_18 = arith.muli %add3A_14, %mul3A_17 : i32
      "tpu.region"() ({
        %run_scoped3A = tpu.sem_alloc : memref<!tpu.dma_semaphore, #tpu.memory_space<semaphore_mem>>
        %dma_start3A = arith.constant 0 : i32
        %dma_start3A_24 = tpu.memref_slice %arg4[%add3A, %dma_start3A] : memref<32x10240xi32, #tpu.memory_space<hbm>> -> memref<1x10240xi32, #tpu.memory_space<hbm>>
        %dma_start3A_25 = tpu.memref_squeeze %dma_start3A_24 : memref<1x10240xi32, #tpu.memory_space<hbm>> -> memref<10240xi32, #tpu.memory_space<hbm>>
        %dma_start3A_26 = tpu.memref_slice %dma_start3A_25[%mul3A_18] : memref<10240xi32, #tpu.memory_space<hbm>> -> memref<2048xi32, #tpu.memory_space<hbm>>
        %dma_start3A_27 = arith.constant 0 : i32
        %dma_start3A_28 = tpu.memref_slice %arg4[%add3A, %dma_start3A_27] : memref<32x10240xi32, #tpu.memory_space<hbm>> -> memref<1x10240xi32, #tpu.memory_space<hbm>>
        %dma_start3A_29 = tpu.memref_squeeze %dma_start3A_28 : memref<1x10240xi32, #tpu.memory_space<hbm>> -> memref<10240xi32, #tpu.memory_space<hbm>>
        %dma_start3A_30 = tpu.memref_slice %dma_start3A_29[%mul3A_18] : memref<10240xi32, #tpu.memory_space<hbm>> -> memref<2048xi32, #tpu.memory_space<hbm>>
        tpu.enqueue_dma source(%dma_start3A_30 : memref<2048xi32, #tpu.memory_space<hbm>>) target(%arg9 : memref<2048xi32, #tpu.memory_space<vmem>>) target_semaphore(%run_scoped3A : memref<!tpu.dma_semaphore, #tpu.memory_space<semaphore_mem>>)
        %dma_wait3A = arith.constant 0 : i32
        %dma_wait3A_31 = tpu.memref_slice %arg4[%add3A, %dma_wait3A] : memref<32x10240xi32, #tpu.memory_space<hbm>> -> memref<1x10240xi32, #tpu.memory_space<hbm>>
        %dma_wait3A_32 = tpu.memref_squeeze %dma_wait3A_31 : memref<1x10240xi32, #tpu.memory_space<hbm>> -> memref<10240xi32, #tpu.memory_space<hbm>>
        %dma_wait3A_33 = tpu.memref_slice %dma_wait3A_32[%mul3A_18] : memref<10240xi32, #tpu.memory_space<hbm>> -> memref<2048xi32, #tpu.memory_space<hbm>>
        %dma_wait3A_34 = arith.constant 0 : i32
        %dma_wait3A_35 = tpu.memref_slice %arg4[%add3A, %dma_wait3A_34] : memref<32x10240xi32, #tpu.memory_space<hbm>> -> memref<1x10240xi32, #tpu.memory_space<hbm>>
        %dma_wait3A_36 = tpu.memref_squeeze %dma_wait3A_35 : memref<1x10240xi32, #tpu.memory_space<hbm>> -> memref<10240xi32, #tpu.memory_space<hbm>>
        %dma_wait3A_37 = tpu.memref_slice %dma_wait3A_36[%mul3A_18] : memref<10240xi32, #tpu.memory_space<hbm>> -> memref<2048xi32, #tpu.memory_space<hbm>>
        tpu.wait_dma2 semaphore(%run_scoped3A : memref<!tpu.dma_semaphore, #tpu.memory_space<semaphore_mem>>) src(%dma_wait3A_37 : memref<2048xi32, #tpu.memory_space<hbm>>) dst(%arg9 : memref<2048xi32, #tpu.memory_space<vmem>>)
        tpu.yield
      }) : () -> ()
      %scan3A_19 = arith.constant 0 : i32
      %scan3A_20 = arith.constant 8 : i32
      %scan3A_21 = arith.addi %scan3A_19, %scan3A_20 : i32
      %scan3A_22 = arith.constant 1 : i32
      scf.for %scan3A_24 = %scan3A_19 to %scan3A_21 step %scan3A_22  : i32 {
        %mul3A_25 = arith.constant 2 : i32
        %mul3A_26 = arith.muli %scan3A_24, %mul3A_25 : i32
        %add3A_27 = arith.constant 0 : i32
        %add3A_28 = arith.addi %add3A_27, %mul3A_26 : i32
        %mul3A_29 = arith.constant 128 : i32
        %mul3A_30 = arith.muli %add3A_28, %mul3A_29 : i32
        %dma_start3A = tpu.memref_slice %arg8[%mul3A_30] : memref<2048xi32, #tpu.memory_space<vmem>> -> memref<128xi32, #tpu.memory_space<vmem>>
        %dma_start3A_31 = arith.constant 0 : i32
        %dma_start3A_32 = arith.constant 0 : i32
        %dma_start3A_33 = tpu.memref_slice %arg2[%dma_start3A_31, %dma_start3A_32] : memref<10240x128xf32, #tpu.memory_space<hbm>> -> memref<10240x128xf32, #tpu.memory_space<hbm>>
        tpu.enqueue_indirect_dma source(%dma_start3A_33 : memref<10240x128xf32, #tpu.memory_space<hbm>>) target(%arg10 : memref<128x128xf32, #tpu.memory_space<vmem>>) offsets(%dma_start3A : memref<128xi32, #tpu.memory_space<vmem>>) semaphore(%arg12 : memref<!tpu.dma_semaphore, #tpu.memory_space<semaphore_mem>>)
        %add3A_34 = arith.constant 1 : i32
        %add3A_35 = arith.addi %add3A_28, %add3A_34 : i32
        %mul3A_36 = arith.constant 128 : i32
        %mul3A_37 = arith.muli %add3A_35, %mul3A_36 : i32
        %dma_start3A_38 = tpu.memref_slice %arg8[%mul3A_37] : memref<2048xi32, #tpu.memory_space<vmem>> -> memref<128xi32, #tpu.memory_space<vmem>>
        %dma_start3A_39 = arith.constant 0 : i32
        %dma_start3A_40 = arith.constant 0 : i32
        %dma_start3A_41 = tpu.memref_slice %arg2[%dma_start3A_39, %dma_start3A_40] : memref<10240x128xf32, #tpu.memory_space<hbm>> -> memref<10240x128xf32, #tpu.memory_space<hbm>>
        tpu.enqueue_indirect_dma source(%dma_start3A_41 : memref<10240x128xf32, #tpu.memory_space<hbm>>) target(%arg11 : memref<128x128xf32, #tpu.memory_space<vmem>>) offsets(%dma_start3A_38 : memref<128xi32, #tpu.memory_space<vmem>>) semaphore(%arg13 : memref<!tpu.dma_semaphore, #tpu.memory_space<semaphore_mem>>)
        %dma_wait3A = tpu.memref_slice %arg8[%mul3A_30] : memref<2048xi32, #tpu.memory_space<vmem>> -> memref<128xi32, #tpu.memory_space<vmem>>
        %dma_wait3A_42 = arith.constant 0 : i32
        %dma_wait3A_43 = arith.constant 0 : i32
        %dma_wait3A_44 = tpu.memref_slice %arg2[%dma_wait3A_42, %dma_wait3A_43] : memref<10240x128xf32, #tpu.memory_space<hbm>> -> memref<10240x128xf32, #tpu.memory_space<hbm>>
        tpu.wait_indirect_dma semaphore(%arg12 : memref<!tpu.dma_semaphore, #tpu.memory_space<semaphore_mem>>) src(%dma_wait3A_44 : memref<10240x128xf32, #tpu.memory_space<hbm>>) dst(%arg10 : memref<128x128xf32, #tpu.memory_space<vmem>>)
        %mul3A_45 = arith.constant 128 : i32
        %mul3A_46 = arith.muli %add3A_28, %mul3A_45 : i32
        "tpu.region"() ({
          %run_scoped3A = tpu.sem_alloc : memref<!tpu.dma_semaphore, #tpu.memory_space<semaphore_mem>>
          %dma_start3A_55 = tpu.memref_slice %arg9[%mul3A_46] : memref<2048xi32, #tpu.memory_space<vmem>> -> memref<128xi32, #tpu.memory_space<vmem>>
          %dma_start3A_56 = arith.constant 0 : i32
          %dma_start3A_57 = arith.constant 0 : i32
          %dma_start3A_58 = tpu.memref_slice %arg7[%dma_start3A_56, %dma_start3A_57] : memref<10240x128xf32, #tpu.memory_space<vmem_shared>> -> memref<10240x128xf32, #tpu.memory_space<vmem_shared>>
          tpu.enqueue_indirect_dma source(%arg10 : memref<128x128xf32, #tpu.memory_space<vmem>>) target(%dma_start3A_58 : memref<10240x128xf32, #tpu.memory_space<vmem_shared>>) offsets(%dma_start3A_55 : memref<128xi32, #tpu.memory_space<vmem>>) semaphore(%run_scoped3A : memref<!tpu.dma_semaphore, #tpu.memory_space<semaphore_mem>>) {add = true}
          %dma_wait3A_59 = tpu.memref_slice %arg9[%mul3A_46] : memref<2048xi32, #tpu.memory_space<vmem>> -> memref<128xi32, #tpu.memory_space<vmem>>
          %dma_wait3A_60 = arith.constant 0 : i32
          %dma_wait3A_61 = arith.constant 0 : i32
          %dma_wait3A_62 = tpu.memref_slice %arg7[%dma_wait3A_60, %dma_wait3A_61] : memref<10240x128xf32, #tpu.memory_space<vmem_shared>> -> memref<10240x128xf32, #tpu.memory_space<vmem_shared>>
          tpu.wait_indirect_dma semaphore(%run_scoped3A : memref<!tpu.dma_semaphore, #tpu.memory_space<semaphore_mem>>) src(%arg10 : memref<128x128xf32, #tpu.memory_space<vmem>>) dst(%dma_wait3A_62 : memref<10240x128xf32, #tpu.memory_space<vmem_shared>>)
          tpu.yield
        }) : () -> ()
        %dma_wait3A_47 = tpu.memref_slice %arg8[%mul3A_37] : memref<2048xi32, #tpu.memory_space<vmem>> -> memref<128xi32, #tpu.memory_space<vmem>>
        %dma_wait3A_48 = arith.constant 0 : i32
        %dma_wait3A_49 = arith.constant 0 : i32
        %dma_wait3A_50 = tpu.memref_slice %arg2[%dma_wait3A_48, %dma_wait3A_49] : memref<10240x128xf32, #tpu.memory_space<hbm>> -> memref<10240x128xf32, #tpu.memory_space<hbm>>
        tpu.wait_indirect_dma semaphore(%arg13 : memref<!tpu.dma_semaphore, #tpu.memory_space<semaphore_mem>>) src(%dma_wait3A_50 : memref<10240x128xf32, #tpu.memory_space<hbm>>) dst(%arg11 : memref<128x128xf32, #tpu.memory_space<vmem>>)
        %add3A_51 = arith.constant 1 : i32
        %add3A_52 = arith.addi %add3A_28, %add3A_51 : i32
        %mul3A_53 = arith.constant 128 : i32
        %mul3A_54 = arith.muli %add3A_52, %mul3A_53 : i32
        "tpu.region"() ({
          %run_scoped3A = tpu.sem_alloc : memref<!tpu.dma_semaphore, #tpu.memory_space<semaphore_mem>>
          %dma_start3A_55 = tpu.memref_slice %arg9[%mul3A_54] : memref<2048xi32, #tpu.memory_space<vmem>> -> memref<128xi32, #tpu.memory_space<vmem>>
          %dma_start3A_56 = arith.constant 0 : i32
          %dma_start3A_57 = arith.constant 0 : i32
          %dma_start3A_58 = tpu.memref_slice %arg7[%dma_start3A_56, %dma_start3A_57] : memref<10240x128xf32, #tpu.memory_space<vmem_shared>> -> memref<10240x128xf32, #tpu.memory_space<vmem_shared>>
          tpu.enqueue_indirect_dma source(%arg11 : memref<128x128xf32, #tpu.memory_space<vmem>>) target(%dma_start3A_58 : memref<10240x128xf32, #tpu.memory_space<vmem_shared>>) offsets(%dma_start3A_55 : memref<128xi32, #tpu.memory_space<vmem>>) semaphore(%run_scoped3A : memref<!tpu.dma_semaphore, #tpu.memory_space<semaphore_mem>>) {add = true}
          %dma_wait3A_59 = tpu.memref_slice %arg9[%mul3A_54] : memref<2048xi32, #tpu.memory_space<vmem>> -> memref<128xi32, #tpu.memory_space<vmem>>
          %dma_wait3A_60 = arith.constant 0 : i32
          %dma_wait3A_61 = arith.constant 0 : i32
          %dma_wait3A_62 = tpu.memref_slice %arg7[%dma_wait3A_60, %dma_wait3A_61] : memref<10240x128xf32, #tpu.memory_space<vmem_shared>> -> memref<10240x128xf32, #tpu.memory_space<vmem_shared>>
          tpu.wait_indirect_dma semaphore(%run_scoped3A : memref<!tpu.dma_semaphore, #tpu.memory_space<semaphore_mem>>) src(%arg11 : memref<128x128xf32, #tpu.memory_space<vmem>>) dst(%dma_wait3A_62 : memref<10240x128xf32, #tpu.memory_space<vmem_shared>>)
          tpu.yield
        }) : () -> ()
      }
      %scan3A_23 = arith.constant 8 : i32
    }
    %scan3A_6 = arith.constant 5 : i32
    %barrier3A_7 = arith.constant 0 : index
    tpu.barrier barrier_id(%barrier3A_7)
    %mul3A_8 = arith.constant 640 : i32
    %mul3A_9 = arith.muli %arg1, %mul3A_8 : i32
    "tpu.region"() ({
      %run_scoped3A = tpu.sem_alloc : memref<!tpu.dma_semaphore, #tpu.memory_space<semaphore_mem>>
      %dma_start3A = arith.constant 0 : i32
      %dma_start3A_10 = arith.constant 0 : i32
      %dma_start3A_11 = tpu.memref_slice %arg6[%add3A, %dma_start3A, %dma_start3A_10] : memref<32x640x128xf32, #tpu.memory_space<hbm>> -> memref<1x640x128xf32, #tpu.memory_space<hbm>>
      %dma_start3A_12 = tpu.memref_squeeze %dma_start3A_11 : memref<1x640x128xf32, #tpu.memory_space<hbm>> -> memref<640x128xf32, #tpu.memory_space<hbm>>
      %dma_start3A_13 = arith.constant 0 : i32
      %dma_start3A_14 = tpu.memref_slice %arg7[%mul3A_9, %dma_start3A_13] : memref<10240x128xf32, #tpu.memory_space<vmem_shared>> -> memref<640x128xf32, #tpu.memory_space<vmem_shared>>
      tpu.enqueue_dma source(%dma_start3A_14 : memref<640x128xf32, #tpu.memory_space<vmem_shared>>) target(%dma_start3A_12 : memref<640x128xf32, #tpu.memory_space<hbm>>) target_semaphore(%run_scoped3A : memref<!tpu.dma_semaphore, #tpu.memory_space<semaphore_mem>>)
      %dma_wait3A = arith.constant 0 : i32
      %dma_wait3A_15 = arith.constant 0 : i32
      %dma_wait3A_16 = tpu.memref_slice %arg6[%add3A, %dma_wait3A, %dma_wait3A_15] : memref<32x640x128xf32, #tpu.memory_space<hbm>> -> memref<1x640x128xf32, #tpu.memory_space<hbm>>
      %dma_wait3A_17 = tpu.memref_squeeze %dma_wait3A_16 : memref<1x640x128xf32, #tpu.memory_space<hbm>> -> memref<640x128xf32, #tpu.memory_space<hbm>>
      %dma_wait3A_18 = arith.constant 0 : i32
      %dma_wait3A_19 = tpu.memref_slice %arg7[%mul3A_9, %dma_wait3A_18] : memref<10240x128xf32, #tpu.memory_space<vmem_shared>> -> memref<640x128xf32, #tpu.memory_space<vmem_shared>>
      tpu.wait_dma2 semaphore(%run_scoped3A : memref<!tpu.dma_semaphore, #tpu.memory_space<semaphore_mem>>) src(%dma_wait3A_19 : memref<640x128xf32, #tpu.memory_space<vmem_shared>>) dst(%dma_wait3A_17 : memref<640x128xf32, #tpu.memory_space<hbm>>)
      tpu.yield
    }) : () -> ()
    return
  }
}

#map = affine_map<(d0, d1) -> (0, 0)>
#map1 = affine_map<(d0, d1) -> (0, 0, 0)>
module attributes {stable_mosaic.version = 14 : i64} {
  func.func @prop(%arg0: i32, %arg1: i32, %arg2: memref<20480x128xf32, #tpu.memory_space<hbm>>, %arg3: memref<32x20480xi32, #tpu.memory_space<hbm>>, %arg4: memref<32x20480xi32, #tpu.memory_space<hbm>>, %arg5: memref<640x128xf32, #tpu.memory_space<hbm>>, %arg6: memref<32x640x128xf32, #tpu.memory_space<hbm>>, %arg7: memref<10240x128xf32, #tpu.memory_space<vmem_shared>>, %arg8: memref<2048xi32, #tpu.memory_space<vmem>>, %arg9: memref<2048xi32, #tpu.memory_space<vmem>>, %arg10: memref<128x128xf32, #tpu.memory_space<vmem>>, %arg11: memref<128x128xf32, #tpu.memory_space<vmem>>, %arg12: memref<!tpu.dma_semaphore, #tpu.memory_space<semaphore_mem>>, %arg13: memref<!tpu.dma_semaphore, #tpu.memory_space<semaphore_mem>>) attributes {dimension_semantics = [#tpu.dimension_semantics<core_parallel>, #tpu.dimension_semantics<subcore_parallel>], iteration_bounds = array<i64: 2, 16>, scalar_prefetch = 0 : i64, scratch_operands = 7 : i64, tpu.core_type = #tpu.core_type<sc_vector_subcore>, window_params = [{transform_indices = #map}, {transform_indices = #map}, {transform_indices = #map}, {transform_indices = #map}, {transform_indices = #map1}]} {
    %mul3A = arith.constant 16 : i32
    %mul3A_0 = arith.muli %arg0, %mul3A : i32
    %add3A = arith.addi %mul3A_0, %arg1 : i32
    %mul3A_1 = arith.constant 640 : i32
    %mul3A_2 = arith.muli %arg1, %mul3A_1 : i32
    "tpu.region"() ({
      %run_scoped3A = tpu.sem_alloc : memref<!tpu.dma_semaphore, #tpu.memory_space<semaphore_mem>>
      %dma_start3A = arith.constant 0 : i32
      %dma_start3A_10 = tpu.memref_slice %arg7[%mul3A_2, %dma_start3A] : memref<10240x128xf32, #tpu.memory_space<vmem_shared>> -> memref<640x128xf32, #tpu.memory_space<vmem_shared>>
      tpu.enqueue_dma source(%arg5 : memref<640x128xf32, #tpu.memory_space<hbm>>) target(%dma_start3A_10 : memref<640x128xf32, #tpu.memory_space<vmem_shared>>) target_semaphore(%run_scoped3A : memref<!tpu.dma_semaphore, #tpu.memory_space<semaphore_mem>>)
      %dma_wait3A = arith.constant 0 : i32
      %dma_wait3A_11 = tpu.memref_slice %arg7[%mul3A_2, %dma_wait3A] : memref<10240x128xf32, #tpu.memory_space<vmem_shared>> -> memref<640x128xf32, #tpu.memory_space<vmem_shared>>
      tpu.wait_dma2 semaphore(%run_scoped3A : memref<!tpu.dma_semaphore, #tpu.memory_space<semaphore_mem>>) src(%arg5 : memref<640x128xf32, #tpu.memory_space<hbm>>) dst(%dma_wait3A_11 : memref<640x128xf32, #tpu.memory_space<vmem_shared>>)
      tpu.yield
    }) : () -> ()
    %barrier3A = arith.constant 0 : index
    tpu.barrier barrier_id(%barrier3A)
    %scan3A = arith.constant 0 : i32
    %scan3A_3 = arith.constant 10 : i32
    %scan3A_4 = arith.addi %scan3A, %scan3A_3 : i32
    %scan3A_5 = arith.constant 1 : i32
    scf.for %scan3A_10 = %scan3A to %scan3A_4 step %scan3A_5  : i32 {
      %mul3A_11 = arith.constant 16 : i32
      %mul3A_12 = arith.muli %scan3A_10, %mul3A_11 : i32
      %add3A_13 = arith.constant 0 : i32
      %add3A_14 = arith.addi %add3A_13, %mul3A_12 : i32
      %mul3A_15 = arith.constant 128 : i32
      %mul3A_16 = arith.muli %add3A_14, %mul3A_15 : i32
      "tpu.region"() ({
        %run_scoped3A = tpu.sem_alloc : memref<!tpu.dma_semaphore, #tpu.memory_space<semaphore_mem>>
        %dma_start3A = arith.constant 0 : i32
        %dma_start3A_24 = tpu.memref_slice %arg3[%add3A, %dma_start3A] : memref<32x20480xi32, #tpu.memory_space<hbm>> -> memref<1x20480xi32, #tpu.memory_space<hbm>>
        %dma_start3A_25 = tpu.memref_squeeze %dma_start3A_24 : memref<1x20480xi32, #tpu.memory_space<hbm>> -> memref<20480xi32, #tpu.memory_space<hbm>>
        %dma_start3A_26 = tpu.memref_slice %dma_start3A_25[%mul3A_16] : memref<20480xi32, #tpu.memory_space<hbm>> -> memref<2048xi32, #tpu.memory_space<hbm>>
        %dma_start3A_27 = arith.constant 0 : i32
        %dma_start3A_28 = tpu.memref_slice %arg3[%add3A, %dma_start3A_27] : memref<32x20480xi32, #tpu.memory_space<hbm>> -> memref<1x20480xi32, #tpu.memory_space<hbm>>
        %dma_start3A_29 = tpu.memref_squeeze %dma_start3A_28 : memref<1x20480xi32, #tpu.memory_space<hbm>> -> memref<20480xi32, #tpu.memory_space<hbm>>
        %dma_start3A_30 = tpu.memref_slice %dma_start3A_29[%mul3A_16] : memref<20480xi32, #tpu.memory_space<hbm>> -> memref<2048xi32, #tpu.memory_space<hbm>>
        tpu.enqueue_dma source(%dma_start3A_30 : memref<2048xi32, #tpu.memory_space<hbm>>) target(%arg8 : memref<2048xi32, #tpu.memory_space<vmem>>) target_semaphore(%run_scoped3A : memref<!tpu.dma_semaphore, #tpu.memory_space<semaphore_mem>>)
        %dma_wait3A = arith.constant 0 : i32
        %dma_wait3A_31 = tpu.memref_slice %arg3[%add3A, %dma_wait3A] : memref<32x20480xi32, #tpu.memory_space<hbm>> -> memref<1x20480xi32, #tpu.memory_space<hbm>>
        %dma_wait3A_32 = tpu.memref_squeeze %dma_wait3A_31 : memref<1x20480xi32, #tpu.memory_space<hbm>> -> memref<20480xi32, #tpu.memory_space<hbm>>
        %dma_wait3A_33 = tpu.memref_slice %dma_wait3A_32[%mul3A_16] : memref<20480xi32, #tpu.memory_space<hbm>> -> memref<2048xi32, #tpu.memory_space<hbm>>
        %dma_wait3A_34 = arith.constant 0 : i32
        %dma_wait3A_35 = tpu.memref_slice %arg3[%add3A, %dma_wait3A_34] : memref<32x20480xi32, #tpu.memory_space<hbm>> -> memref<1x20480xi32, #tpu.memory_space<hbm>>
        %dma_wait3A_36 = tpu.memref_squeeze %dma_wait3A_35 : memref<1x20480xi32, #tpu.memory_space<hbm>> -> memref<20480xi32, #tpu.memory_space<hbm>>
        %dma_wait3A_37 = tpu.memref_slice %dma_wait3A_36[%mul3A_16] : memref<20480xi32, #tpu.memory_space<hbm>> -> memref<2048xi32, #tpu.memory_space<hbm>>
        tpu.wait_dma2 semaphore(%run_scoped3A : memref<!tpu.dma_semaphore, #tpu.memory_space<semaphore_mem>>) src(%dma_wait3A_37 : memref<2048xi32, #tpu.memory_space<hbm>>) dst(%arg8 : memref<2048xi32, #tpu.memory_space<vmem>>)
        tpu.yield
      }) : () -> ()
      %mul3A_17 = arith.constant 128 : i32
      %mul3A_18 = arith.muli %add3A_14, %mul3A_17 : i32
      "tpu.region"() ({
        %run_scoped3A = tpu.sem_alloc : memref<!tpu.dma_semaphore, #tpu.memory_space<semaphore_mem>>
        %dma_start3A = arith.constant 0 : i32
        %dma_start3A_24 = tpu.memref_slice %arg4[%add3A, %dma_start3A] : memref<32x20480xi32, #tpu.memory_space<hbm>> -> memref<1x20480xi32, #tpu.memory_space<hbm>>
        %dma_start3A_25 = tpu.memref_squeeze %dma_start3A_24 : memref<1x20480xi32, #tpu.memory_space<hbm>> -> memref<20480xi32, #tpu.memory_space<hbm>>
        %dma_start3A_26 = tpu.memref_slice %dma_start3A_25[%mul3A_18] : memref<20480xi32, #tpu.memory_space<hbm>> -> memref<2048xi32, #tpu.memory_space<hbm>>
        %dma_start3A_27 = arith.constant 0 : i32
        %dma_start3A_28 = tpu.memref_slice %arg4[%add3A, %dma_start3A_27] : memref<32x20480xi32, #tpu.memory_space<hbm>> -> memref<1x20480xi32, #tpu.memory_space<hbm>>
        %dma_start3A_29 = tpu.memref_squeeze %dma_start3A_28 : memref<1x20480xi32, #tpu.memory_space<hbm>> -> memref<20480xi32, #tpu.memory_space<hbm>>
        %dma_start3A_30 = tpu.memref_slice %dma_start3A_29[%mul3A_18] : memref<20480xi32, #tpu.memory_space<hbm>> -> memref<2048xi32, #tpu.memory_space<hbm>>
        tpu.enqueue_dma source(%dma_start3A_30 : memref<2048xi32, #tpu.memory_space<hbm>>) target(%arg9 : memref<2048xi32, #tpu.memory_space<vmem>>) target_semaphore(%run_scoped3A : memref<!tpu.dma_semaphore, #tpu.memory_space<semaphore_mem>>)
        %dma_wait3A = arith.constant 0 : i32
        %dma_wait3A_31 = tpu.memref_slice %arg4[%add3A, %dma_wait3A] : memref<32x20480xi32, #tpu.memory_space<hbm>> -> memref<1x20480xi32, #tpu.memory_space<hbm>>
        %dma_wait3A_32 = tpu.memref_squeeze %dma_wait3A_31 : memref<1x20480xi32, #tpu.memory_space<hbm>> -> memref<20480xi32, #tpu.memory_space<hbm>>
        %dma_wait3A_33 = tpu.memref_slice %dma_wait3A_32[%mul3A_18] : memref<20480xi32, #tpu.memory_space<hbm>> -> memref<2048xi32, #tpu.memory_space<hbm>>
        %dma_wait3A_34 = arith.constant 0 : i32
        %dma_wait3A_35 = tpu.memref_slice %arg4[%add3A, %dma_wait3A_34] : memref<32x20480xi32, #tpu.memory_space<hbm>> -> memref<1x20480xi32, #tpu.memory_space<hbm>>
        %dma_wait3A_36 = tpu.memref_squeeze %dma_wait3A_35 : memref<1x20480xi32, #tpu.memory_space<hbm>> -> memref<20480xi32, #tpu.memory_space<hbm>>
        %dma_wait3A_37 = tpu.memref_slice %dma_wait3A_36[%mul3A_18] : memref<20480xi32, #tpu.memory_space<hbm>> -> memref<2048xi32, #tpu.memory_space<hbm>>
        tpu.wait_dma2 semaphore(%run_scoped3A : memref<!tpu.dma_semaphore, #tpu.memory_space<semaphore_mem>>) src(%dma_wait3A_37 : memref<2048xi32, #tpu.memory_space<hbm>>) dst(%arg9 : memref<2048xi32, #tpu.memory_space<vmem>>)
        tpu.yield
      }) : () -> ()
      %scan3A_19 = arith.constant 0 : i32
      %scan3A_20 = arith.constant 8 : i32
      %scan3A_21 = arith.addi %scan3A_19, %scan3A_20 : i32
      %scan3A_22 = arith.constant 1 : i32
      scf.for %scan3A_24 = %scan3A_19 to %scan3A_21 step %scan3A_22  : i32 {
        %mul3A_25 = arith.constant 2 : i32
        %mul3A_26 = arith.muli %scan3A_24, %mul3A_25 : i32
        %add3A_27 = arith.constant 0 : i32
        %add3A_28 = arith.addi %add3A_27, %mul3A_26 : i32
        %mul3A_29 = arith.constant 128 : i32
        %mul3A_30 = arith.muli %add3A_28, %mul3A_29 : i32
        %dma_start3A = tpu.memref_slice %arg8[%mul3A_30] : memref<2048xi32, #tpu.memory_space<vmem>> -> memref<128xi32, #tpu.memory_space<vmem>>
        %dma_start3A_31 = arith.constant 0 : i32
        %dma_start3A_32 = arith.constant 0 : i32
        %dma_start3A_33 = tpu.memref_slice %arg2[%dma_start3A_31, %dma_start3A_32] : memref<20480x128xf32, #tpu.memory_space<hbm>> -> memref<20480x128xf32, #tpu.memory_space<hbm>>
        tpu.enqueue_indirect_dma source(%dma_start3A_33 : memref<20480x128xf32, #tpu.memory_space<hbm>>) target(%arg10 : memref<128x128xf32, #tpu.memory_space<vmem>>) offsets(%dma_start3A : memref<128xi32, #tpu.memory_space<vmem>>) semaphore(%arg12 : memref<!tpu.dma_semaphore, #tpu.memory_space<semaphore_mem>>)
        %add3A_34 = arith.constant 1 : i32
        %add3A_35 = arith.addi %add3A_28, %add3A_34 : i32
        %mul3A_36 = arith.constant 128 : i32
        %mul3A_37 = arith.muli %add3A_35, %mul3A_36 : i32
        %dma_start3A_38 = tpu.memref_slice %arg8[%mul3A_37] : memref<2048xi32, #tpu.memory_space<vmem>> -> memref<128xi32, #tpu.memory_space<vmem>>
        %dma_start3A_39 = arith.constant 0 : i32
        %dma_start3A_40 = arith.constant 0 : i32
        %dma_start3A_41 = tpu.memref_slice %arg2[%dma_start3A_39, %dma_start3A_40] : memref<20480x128xf32, #tpu.memory_space<hbm>> -> memref<20480x128xf32, #tpu.memory_space<hbm>>
        tpu.enqueue_indirect_dma source(%dma_start3A_41 : memref<20480x128xf32, #tpu.memory_space<hbm>>) target(%arg11 : memref<128x128xf32, #tpu.memory_space<vmem>>) offsets(%dma_start3A_38 : memref<128xi32, #tpu.memory_space<vmem>>) semaphore(%arg13 : memref<!tpu.dma_semaphore, #tpu.memory_space<semaphore_mem>>)
        %dma_wait3A = tpu.memref_slice %arg8[%mul3A_30] : memref<2048xi32, #tpu.memory_space<vmem>> -> memref<128xi32, #tpu.memory_space<vmem>>
        %dma_wait3A_42 = arith.constant 0 : i32
        %dma_wait3A_43 = arith.constant 0 : i32
        %dma_wait3A_44 = tpu.memref_slice %arg2[%dma_wait3A_42, %dma_wait3A_43] : memref<20480x128xf32, #tpu.memory_space<hbm>> -> memref<20480x128xf32, #tpu.memory_space<hbm>>
        tpu.wait_indirect_dma semaphore(%arg12 : memref<!tpu.dma_semaphore, #tpu.memory_space<semaphore_mem>>) src(%dma_wait3A_44 : memref<20480x128xf32, #tpu.memory_space<hbm>>) dst(%arg10 : memref<128x128xf32, #tpu.memory_space<vmem>>)
        %mul3A_45 = arith.constant 128 : i32
        %mul3A_46 = arith.muli %add3A_28, %mul3A_45 : i32
        "tpu.region"() ({
          %run_scoped3A = tpu.sem_alloc : memref<!tpu.dma_semaphore, #tpu.memory_space<semaphore_mem>>
          %dma_start3A_55 = tpu.memref_slice %arg9[%mul3A_46] : memref<2048xi32, #tpu.memory_space<vmem>> -> memref<128xi32, #tpu.memory_space<vmem>>
          %dma_start3A_56 = arith.constant 0 : i32
          %dma_start3A_57 = arith.constant 0 : i32
          %dma_start3A_58 = tpu.memref_slice %arg7[%dma_start3A_56, %dma_start3A_57] : memref<10240x128xf32, #tpu.memory_space<vmem_shared>> -> memref<10240x128xf32, #tpu.memory_space<vmem_shared>>
          tpu.enqueue_indirect_dma source(%arg10 : memref<128x128xf32, #tpu.memory_space<vmem>>) target(%dma_start3A_58 : memref<10240x128xf32, #tpu.memory_space<vmem_shared>>) offsets(%dma_start3A_55 : memref<128xi32, #tpu.memory_space<vmem>>) semaphore(%run_scoped3A : memref<!tpu.dma_semaphore, #tpu.memory_space<semaphore_mem>>) {add = true}
          %dma_wait3A_59 = tpu.memref_slice %arg9[%mul3A_46] : memref<2048xi32, #tpu.memory_space<vmem>> -> memref<128xi32, #tpu.memory_space<vmem>>
          %dma_wait3A_60 = arith.constant 0 : i32
          %dma_wait3A_61 = arith.constant 0 : i32
          %dma_wait3A_62 = tpu.memref_slice %arg7[%dma_wait3A_60, %dma_wait3A_61] : memref<10240x128xf32, #tpu.memory_space<vmem_shared>> -> memref<10240x128xf32, #tpu.memory_space<vmem_shared>>
          tpu.wait_indirect_dma semaphore(%run_scoped3A : memref<!tpu.dma_semaphore, #tpu.memory_space<semaphore_mem>>) src(%arg10 : memref<128x128xf32, #tpu.memory_space<vmem>>) dst(%dma_wait3A_62 : memref<10240x128xf32, #tpu.memory_space<vmem_shared>>)
          tpu.yield
        }) : () -> ()
        %dma_wait3A_47 = tpu.memref_slice %arg8[%mul3A_37] : memref<2048xi32, #tpu.memory_space<vmem>> -> memref<128xi32, #tpu.memory_space<vmem>>
        %dma_wait3A_48 = arith.constant 0 : i32
        %dma_wait3A_49 = arith.constant 0 : i32
        %dma_wait3A_50 = tpu.memref_slice %arg2[%dma_wait3A_48, %dma_wait3A_49] : memref<20480x128xf32, #tpu.memory_space<hbm>> -> memref<20480x128xf32, #tpu.memory_space<hbm>>
        tpu.wait_indirect_dma semaphore(%arg13 : memref<!tpu.dma_semaphore, #tpu.memory_space<semaphore_mem>>) src(%dma_wait3A_50 : memref<20480x128xf32, #tpu.memory_space<hbm>>) dst(%arg11 : memref<128x128xf32, #tpu.memory_space<vmem>>)
        %add3A_51 = arith.constant 1 : i32
        %add3A_52 = arith.addi %add3A_28, %add3A_51 : i32
        %mul3A_53 = arith.constant 128 : i32
        %mul3A_54 = arith.muli %add3A_52, %mul3A_53 : i32
        "tpu.region"() ({
          %run_scoped3A = tpu.sem_alloc : memref<!tpu.dma_semaphore, #tpu.memory_space<semaphore_mem>>
          %dma_start3A_55 = tpu.memref_slice %arg9[%mul3A_54] : memref<2048xi32, #tpu.memory_space<vmem>> -> memref<128xi32, #tpu.memory_space<vmem>>
          %dma_start3A_56 = arith.constant 0 : i32
          %dma_start3A_57 = arith.constant 0 : i32
          %dma_start3A_58 = tpu.memref_slice %arg7[%dma_start3A_56, %dma_start3A_57] : memref<10240x128xf32, #tpu.memory_space<vmem_shared>> -> memref<10240x128xf32, #tpu.memory_space<vmem_shared>>
          tpu.enqueue_indirect_dma source(%arg11 : memref<128x128xf32, #tpu.memory_space<vmem>>) target(%dma_start3A_58 : memref<10240x128xf32, #tpu.memory_space<vmem_shared>>) offsets(%dma_start3A_55 : memref<128xi32, #tpu.memory_space<vmem>>) semaphore(%run_scoped3A : memref<!tpu.dma_semaphore, #tpu.memory_space<semaphore_mem>>) {add = true}
          %dma_wait3A_59 = tpu.memref_slice %arg9[%mul3A_54] : memref<2048xi32, #tpu.memory_space<vmem>> -> memref<128xi32, #tpu.memory_space<vmem>>
          %dma_wait3A_60 = arith.constant 0 : i32
          %dma_wait3A_61 = arith.constant 0 : i32
          %dma_wait3A_62 = tpu.memref_slice %arg7[%dma_wait3A_60, %dma_wait3A_61] : memref<10240x128xf32, #tpu.memory_space<vmem_shared>> -> memref<10240x128xf32, #tpu.memory_space<vmem_shared>>
          tpu.wait_indirect_dma semaphore(%run_scoped3A : memref<!tpu.dma_semaphore, #tpu.memory_space<semaphore_mem>>) src(%arg11 : memref<128x128xf32, #tpu.memory_space<vmem>>) dst(%dma_wait3A_62 : memref<10240x128xf32, #tpu.memory_space<vmem_shared>>)
          tpu.yield
        }) : () -> ()
      }
      %scan3A_23 = arith.constant 8 : i32
    }
    %scan3A_6 = arith.constant 10 : i32
    %barrier3A_7 = arith.constant 0 : index
    tpu.barrier barrier_id(%barrier3A_7)
    %mul3A_8 = arith.constant 640 : i32
    %mul3A_9 = arith.muli %arg1, %mul3A_8 : i32
    "tpu.region"() ({
      %run_scoped3A = tpu.sem_alloc : memref<!tpu.dma_semaphore, #tpu.memory_space<semaphore_mem>>
      %dma_start3A = arith.constant 0 : i32
      %dma_start3A_10 = arith.constant 0 : i32
      %dma_start3A_11 = tpu.memref_slice %arg6[%add3A, %dma_start3A, %dma_start3A_10] : memref<32x640x128xf32, #tpu.memory_space<hbm>> -> memref<1x640x128xf32, #tpu.memory_space<hbm>>
      %dma_start3A_12 = tpu.memref_squeeze %dma_start3A_11 : memref<1x640x128xf32, #tpu.memory_space<hbm>> -> memref<640x128xf32, #tpu.memory_space<hbm>>
      %dma_start3A_13 = arith.constant 0 : i32
      %dma_start3A_14 = tpu.memref_slice %arg7[%mul3A_9, %dma_start3A_13] : memref<10240x128xf32, #tpu.memory_space<vmem_shared>> -> memref<640x128xf32, #tpu.memory_space<vmem_shared>>
      tpu.enqueue_dma source(%dma_start3A_14 : memref<640x128xf32, #tpu.memory_space<vmem_shared>>) target(%dma_start3A_12 : memref<640x128xf32, #tpu.memory_space<hbm>>) target_semaphore(%run_scoped3A : memref<!tpu.dma_semaphore, #tpu.memory_space<semaphore_mem>>)
      %dma_wait3A = arith.constant 0 : i32
      %dma_wait3A_15 = arith.constant 0 : i32
      %dma_wait3A_16 = tpu.memref_slice %arg6[%add3A, %dma_wait3A, %dma_wait3A_15] : memref<32x640x128xf32, #tpu.memory_space<hbm>> -> memref<1x640x128xf32, #tpu.memory_space<hbm>>
      %dma_wait3A_17 = tpu.memref_squeeze %dma_wait3A_16 : memref<1x640x128xf32, #tpu.memory_space<hbm>> -> memref<640x128xf32, #tpu.memory_space<hbm>>
      %dma_wait3A_18 = arith.constant 0 : i32
      %dma_wait3A_19 = tpu.memref_slice %arg7[%mul3A_9, %dma_wait3A_18] : memref<10240x128xf32, #tpu.memory_space<vmem_shared>> -> memref<640x128xf32, #tpu.memory_space<vmem_shared>>
      tpu.wait_dma2 semaphore(%run_scoped3A : memref<!tpu.dma_semaphore, #tpu.memory_space<semaphore_mem>>) src(%dma_wait3A_19 : memref<640x128xf32, #tpu.memory_space<vmem_shared>>) dst(%dma_wait3A_17 : memref<640x128xf32, #tpu.memory_space<hbm>>)
      tpu.yield
    }) : () -> ()
    return
  }
}

#map = affine_map<(d0, d1) -> (0, 0)>
#map1 = affine_map<(d0, d1) -> (0, 0, 0)>
module attributes {stable_mosaic.version = 14 : i64} {
  func.func @prop(%arg0: i32, %arg1: i32, %arg2: memref<10240x128xf32, #tpu.memory_space<hbm>>, %arg3: memref<32x10240xi32, #tpu.memory_space<hbm>>, %arg4: memref<32x10240xi32, #tpu.memory_space<hbm>>, %arg5: memref<640x128xf32, #tpu.memory_space<hbm>>, %arg6: memref<32x640x128xf32, #tpu.memory_space<hbm>>, %arg7: memref<10240x128xf32, #tpu.memory_space<vmem_shared>>, %arg8: memref<2048xi32, #tpu.memory_space<vmem>>, %arg9: memref<2048xi32, #tpu.memory_space<vmem>>, %arg10: memref<128x128xf32, #tpu.memory_space<vmem>>, %arg11: memref<128x128xf32, #tpu.memory_space<vmem>>, %arg12: memref<!tpu.dma_semaphore, #tpu.memory_space<semaphore_mem>>, %arg13: memref<!tpu.dma_semaphore, #tpu.memory_space<semaphore_mem>>) attributes {dimension_semantics = [#tpu.dimension_semantics<core_parallel>, #tpu.dimension_semantics<subcore_parallel>], iteration_bounds = array<i64: 2, 16>, scalar_prefetch = 0 : i64, scratch_operands = 7 : i64, tpu.core_type = #tpu.core_type<sc_vector_subcore>, window_params = [{transform_indices = #map}, {transform_indices = #map}, {transform_indices = #map}, {transform_indices = #map}, {transform_indices = #map1}]} {
    %mul3A = arith.constant 16 : i32
    %mul3A_0 = arith.muli %arg0, %mul3A : i32
    %add3A = arith.addi %mul3A_0, %arg1 : i32
    %mul3A_1 = arith.constant 640 : i32
    %mul3A_2 = arith.muli %arg1, %mul3A_1 : i32
    "tpu.region"() ({
      %run_scoped3A = tpu.sem_alloc : memref<!tpu.dma_semaphore, #tpu.memory_space<semaphore_mem>>
      %dma_start3A = arith.constant 0 : i32
      %dma_start3A_10 = tpu.memref_slice %arg7[%mul3A_2, %dma_start3A] : memref<10240x128xf32, #tpu.memory_space<vmem_shared>> -> memref<640x128xf32, #tpu.memory_space<vmem_shared>>
      tpu.enqueue_dma source(%arg5 : memref<640x128xf32, #tpu.memory_space<hbm>>) target(%dma_start3A_10 : memref<640x128xf32, #tpu.memory_space<vmem_shared>>) target_semaphore(%run_scoped3A : memref<!tpu.dma_semaphore, #tpu.memory_space<semaphore_mem>>)
      %dma_wait3A = arith.constant 0 : i32
      %dma_wait3A_11 = tpu.memref_slice %arg7[%mul3A_2, %dma_wait3A] : memref<10240x128xf32, #tpu.memory_space<vmem_shared>> -> memref<640x128xf32, #tpu.memory_space<vmem_shared>>
      tpu.wait_dma2 semaphore(%run_scoped3A : memref<!tpu.dma_semaphore, #tpu.memory_space<semaphore_mem>>) src(%arg5 : memref<640x128xf32, #tpu.memory_space<hbm>>) dst(%dma_wait3A_11 : memref<640x128xf32, #tpu.memory_space<vmem_shared>>)
      tpu.yield
    }) : () -> ()
    %barrier3A = arith.constant 0 : index
    tpu.barrier barrier_id(%barrier3A)
    %scan3A = arith.constant 0 : i32
    %scan3A_3 = arith.constant 5 : i32
    %scan3A_4 = arith.addi %scan3A, %scan3A_3 : i32
    %scan3A_5 = arith.constant 1 : i32
    scf.for %scan3A_10 = %scan3A to %scan3A_4 step %scan3A_5  : i32 {
      %mul3A_11 = arith.constant 16 : i32
      %mul3A_12 = arith.muli %scan3A_10, %mul3A_11 : i32
      %add3A_13 = arith.constant 0 : i32
      %add3A_14 = arith.addi %add3A_13, %mul3A_12 : i32
      %mul3A_15 = arith.constant 128 : i32
      %mul3A_16 = arith.muli %add3A_14, %mul3A_15 : i32
      "tpu.region"() ({
        %run_scoped3A = tpu.sem_alloc : memref<!tpu.dma_semaphore, #tpu.memory_space<semaphore_mem>>
        %dma_start3A = arith.constant 0 : i32
        %dma_start3A_24 = tpu.memref_slice %arg3[%add3A, %dma_start3A] : memref<32x10240xi32, #tpu.memory_space<hbm>> -> memref<1x10240xi32, #tpu.memory_space<hbm>>
        %dma_start3A_25 = tpu.memref_squeeze %dma_start3A_24 : memref<1x10240xi32, #tpu.memory_space<hbm>> -> memref<10240xi32, #tpu.memory_space<hbm>>
        %dma_start3A_26 = tpu.memref_slice %dma_start3A_25[%mul3A_16] : memref<10240xi32, #tpu.memory_space<hbm>> -> memref<2048xi32, #tpu.memory_space<hbm>>
        %dma_start3A_27 = arith.constant 0 : i32
        %dma_start3A_28 = tpu.memref_slice %arg3[%add3A, %dma_start3A_27] : memref<32x10240xi32, #tpu.memory_space<hbm>> -> memref<1x10240xi32, #tpu.memory_space<hbm>>
        %dma_start3A_29 = tpu.memref_squeeze %dma_start3A_28 : memref<1x10240xi32, #tpu.memory_space<hbm>> -> memref<10240xi32, #tpu.memory_space<hbm>>
        %dma_start3A_30 = tpu.memref_slice %dma_start3A_29[%mul3A_16] : memref<10240xi32, #tpu.memory_space<hbm>> -> memref<2048xi32, #tpu.memory_space<hbm>>
        tpu.enqueue_dma source(%dma_start3A_30 : memref<2048xi32, #tpu.memory_space<hbm>>) target(%arg8 : memref<2048xi32, #tpu.memory_space<vmem>>) target_semaphore(%run_scoped3A : memref<!tpu.dma_semaphore, #tpu.memory_space<semaphore_mem>>)
        %dma_wait3A = arith.constant 0 : i32
        %dma_wait3A_31 = tpu.memref_slice %arg3[%add3A, %dma_wait3A] : memref<32x10240xi32, #tpu.memory_space<hbm>> -> memref<1x10240xi32, #tpu.memory_space<hbm>>
        %dma_wait3A_32 = tpu.memref_squeeze %dma_wait3A_31 : memref<1x10240xi32, #tpu.memory_space<hbm>> -> memref<10240xi32, #tpu.memory_space<hbm>>
        %dma_wait3A_33 = tpu.memref_slice %dma_wait3A_32[%mul3A_16] : memref<10240xi32, #tpu.memory_space<hbm>> -> memref<2048xi32, #tpu.memory_space<hbm>>
        %dma_wait3A_34 = arith.constant 0 : i32
        %dma_wait3A_35 = tpu.memref_slice %arg3[%add3A, %dma_wait3A_34] : memref<32x10240xi32, #tpu.memory_space<hbm>> -> memref<1x10240xi32, #tpu.memory_space<hbm>>
        %dma_wait3A_36 = tpu.memref_squeeze %dma_wait3A_35 : memref<1x10240xi32, #tpu.memory_space<hbm>> -> memref<10240xi32, #tpu.memory_space<hbm>>
        %dma_wait3A_37 = tpu.memref_slice %dma_wait3A_36[%mul3A_16] : memref<10240xi32, #tpu.memory_space<hbm>> -> memref<2048xi32, #tpu.memory_space<hbm>>
        tpu.wait_dma2 semaphore(%run_scoped3A : memref<!tpu.dma_semaphore, #tpu.memory_space<semaphore_mem>>) src(%dma_wait3A_37 : memref<2048xi32, #tpu.memory_space<hbm>>) dst(%arg8 : memref<2048xi32, #tpu.memory_space<vmem>>)
        tpu.yield
      }) : () -> ()
      %mul3A_17 = arith.constant 128 : i32
      %mul3A_18 = arith.muli %add3A_14, %mul3A_17 : i32
      "tpu.region"() ({
        %run_scoped3A = tpu.sem_alloc : memref<!tpu.dma_semaphore, #tpu.memory_space<semaphore_mem>>
        %dma_start3A = arith.constant 0 : i32
        %dma_start3A_24 = tpu.memref_slice %arg4[%add3A, %dma_start3A] : memref<32x10240xi32, #tpu.memory_space<hbm>> -> memref<1x10240xi32, #tpu.memory_space<hbm>>
        %dma_start3A_25 = tpu.memref_squeeze %dma_start3A_24 : memref<1x10240xi32, #tpu.memory_space<hbm>> -> memref<10240xi32, #tpu.memory_space<hbm>>
        %dma_start3A_26 = tpu.memref_slice %dma_start3A_25[%mul3A_18] : memref<10240xi32, #tpu.memory_space<hbm>> -> memref<2048xi32, #tpu.memory_space<hbm>>
        %dma_start3A_27 = arith.constant 0 : i32
        %dma_start3A_28 = tpu.memref_slice %arg4[%add3A, %dma_start3A_27] : memref<32x10240xi32, #tpu.memory_space<hbm>> -> memref<1x10240xi32, #tpu.memory_space<hbm>>
        %dma_start3A_29 = tpu.memref_squeeze %dma_start3A_28 : memref<1x10240xi32, #tpu.memory_space<hbm>> -> memref<10240xi32, #tpu.memory_space<hbm>>
        %dma_start3A_30 = tpu.memref_slice %dma_start3A_29[%mul3A_18] : memref<10240xi32, #tpu.memory_space<hbm>> -> memref<2048xi32, #tpu.memory_space<hbm>>
        tpu.enqueue_dma source(%dma_start3A_30 : memref<2048xi32, #tpu.memory_space<hbm>>) target(%arg9 : memref<2048xi32, #tpu.memory_space<vmem>>) target_semaphore(%run_scoped3A : memref<!tpu.dma_semaphore, #tpu.memory_space<semaphore_mem>>)
        %dma_wait3A = arith.constant 0 : i32
        %dma_wait3A_31 = tpu.memref_slice %arg4[%add3A, %dma_wait3A] : memref<32x10240xi32, #tpu.memory_space<hbm>> -> memref<1x10240xi32, #tpu.memory_space<hbm>>
        %dma_wait3A_32 = tpu.memref_squeeze %dma_wait3A_31 : memref<1x10240xi32, #tpu.memory_space<hbm>> -> memref<10240xi32, #tpu.memory_space<hbm>>
        %dma_wait3A_33 = tpu.memref_slice %dma_wait3A_32[%mul3A_18] : memref<10240xi32, #tpu.memory_space<hbm>> -> memref<2048xi32, #tpu.memory_space<hbm>>
        %dma_wait3A_34 = arith.constant 0 : i32
        %dma_wait3A_35 = tpu.memref_slice %arg4[%add3A, %dma_wait3A_34] : memref<32x10240xi32, #tpu.memory_space<hbm>> -> memref<1x10240xi32, #tpu.memory_space<hbm>>
        %dma_wait3A_36 = tpu.memref_squeeze %dma_wait3A_35 : memref<1x10240xi32, #tpu.memory_space<hbm>> -> memref<10240xi32, #tpu.memory_space<hbm>>
        %dma_wait3A_37 = tpu.memref_slice %dma_wait3A_36[%mul3A_18] : memref<10240xi32, #tpu.memory_space<hbm>> -> memref<2048xi32, #tpu.memory_space<hbm>>
        tpu.wait_dma2 semaphore(%run_scoped3A : memref<!tpu.dma_semaphore, #tpu.memory_space<semaphore_mem>>) src(%dma_wait3A_37 : memref<2048xi32, #tpu.memory_space<hbm>>) dst(%arg9 : memref<2048xi32, #tpu.memory_space<vmem>>)
        tpu.yield
      }) : () -> ()
      %scan3A_19 = arith.constant 0 : i32
      %scan3A_20 = arith.constant 8 : i32
      %scan3A_21 = arith.addi %scan3A_19, %scan3A_20 : i32
      %scan3A_22 = arith.constant 1 : i32
      scf.for %scan3A_24 = %scan3A_19 to %scan3A_21 step %scan3A_22  : i32 {
        %mul3A_25 = arith.constant 2 : i32
        %mul3A_26 = arith.muli %scan3A_24, %mul3A_25 : i32
        %add3A_27 = arith.constant 0 : i32
        %add3A_28 = arith.addi %add3A_27, %mul3A_26 : i32
        %mul3A_29 = arith.constant 128 : i32
        %mul3A_30 = arith.muli %add3A_28, %mul3A_29 : i32
        %dma_start3A = tpu.memref_slice %arg8[%mul3A_30] : memref<2048xi32, #tpu.memory_space<vmem>> -> memref<128xi32, #tpu.memory_space<vmem>>
        %dma_start3A_31 = arith.constant 0 : i32
        %dma_start3A_32 = arith.constant 0 : i32
        %dma_start3A_33 = tpu.memref_slice %arg2[%dma_start3A_31, %dma_start3A_32] : memref<10240x128xf32, #tpu.memory_space<hbm>> -> memref<10240x128xf32, #tpu.memory_space<hbm>>
        tpu.enqueue_indirect_dma source(%dma_start3A_33 : memref<10240x128xf32, #tpu.memory_space<hbm>>) target(%arg10 : memref<128x128xf32, #tpu.memory_space<vmem>>) offsets(%dma_start3A : memref<128xi32, #tpu.memory_space<vmem>>) semaphore(%arg12 : memref<!tpu.dma_semaphore, #tpu.memory_space<semaphore_mem>>)
        %add3A_34 = arith.constant 1 : i32
        %add3A_35 = arith.addi %add3A_28, %add3A_34 : i32
        %mul3A_36 = arith.constant 128 : i32
        %mul3A_37 = arith.muli %add3A_35, %mul3A_36 : i32
        %dma_start3A_38 = tpu.memref_slice %arg8[%mul3A_37] : memref<2048xi32, #tpu.memory_space<vmem>> -> memref<128xi32, #tpu.memory_space<vmem>>
        %dma_start3A_39 = arith.constant 0 : i32
        %dma_start3A_40 = arith.constant 0 : i32
        %dma_start3A_41 = tpu.memref_slice %arg2[%dma_start3A_39, %dma_start3A_40] : memref<10240x128xf32, #tpu.memory_space<hbm>> -> memref<10240x128xf32, #tpu.memory_space<hbm>>
        tpu.enqueue_indirect_dma source(%dma_start3A_41 : memref<10240x128xf32, #tpu.memory_space<hbm>>) target(%arg11 : memref<128x128xf32, #tpu.memory_space<vmem>>) offsets(%dma_start3A_38 : memref<128xi32, #tpu.memory_space<vmem>>) semaphore(%arg13 : memref<!tpu.dma_semaphore, #tpu.memory_space<semaphore_mem>>)
        %dma_wait3A = tpu.memref_slice %arg8[%mul3A_30] : memref<2048xi32, #tpu.memory_space<vmem>> -> memref<128xi32, #tpu.memory_space<vmem>>
        %dma_wait3A_42 = arith.constant 0 : i32
        %dma_wait3A_43 = arith.constant 0 : i32
        %dma_wait3A_44 = tpu.memref_slice %arg2[%dma_wait3A_42, %dma_wait3A_43] : memref<10240x128xf32, #tpu.memory_space<hbm>> -> memref<10240x128xf32, #tpu.memory_space<hbm>>
        tpu.wait_indirect_dma semaphore(%arg12 : memref<!tpu.dma_semaphore, #tpu.memory_space<semaphore_mem>>) src(%dma_wait3A_44 : memref<10240x128xf32, #tpu.memory_space<hbm>>) dst(%arg10 : memref<128x128xf32, #tpu.memory_space<vmem>>)
        %mul3A_45 = arith.constant 128 : i32
        %mul3A_46 = arith.muli %add3A_28, %mul3A_45 : i32
        "tpu.region"() ({
          %run_scoped3A = tpu.sem_alloc : memref<!tpu.dma_semaphore, #tpu.memory_space<semaphore_mem>>
          %dma_start3A_55 = tpu.memref_slice %arg9[%mul3A_46] : memref<2048xi32, #tpu.memory_space<vmem>> -> memref<128xi32, #tpu.memory_space<vmem>>
          %dma_start3A_56 = arith.constant 0 : i32
          %dma_start3A_57 = arith.constant 0 : i32
          %dma_start3A_58 = tpu.memref_slice %arg7[%dma_start3A_56, %dma_start3A_57] : memref<10240x128xf32, #tpu.memory_space<vmem_shared>> -> memref<10240x128xf32, #tpu.memory_space<vmem_shared>>
          tpu.enqueue_indirect_dma source(%arg10 : memref<128x128xf32, #tpu.memory_space<vmem>>) target(%dma_start3A_58 : memref<10240x128xf32, #tpu.memory_space<vmem_shared>>) offsets(%dma_start3A_55 : memref<128xi32, #tpu.memory_space<vmem>>) semaphore(%run_scoped3A : memref<!tpu.dma_semaphore, #tpu.memory_space<semaphore_mem>>) {add = true}
          %dma_wait3A_59 = tpu.memref_slice %arg9[%mul3A_46] : memref<2048xi32, #tpu.memory_space<vmem>> -> memref<128xi32, #tpu.memory_space<vmem>>
          %dma_wait3A_60 = arith.constant 0 : i32
          %dma_wait3A_61 = arith.constant 0 : i32
          %dma_wait3A_62 = tpu.memref_slice %arg7[%dma_wait3A_60, %dma_wait3A_61] : memref<10240x128xf32, #tpu.memory_space<vmem_shared>> -> memref<10240x128xf32, #tpu.memory_space<vmem_shared>>
          tpu.wait_indirect_dma semaphore(%run_scoped3A : memref<!tpu.dma_semaphore, #tpu.memory_space<semaphore_mem>>) src(%arg10 : memref<128x128xf32, #tpu.memory_space<vmem>>) dst(%dma_wait3A_62 : memref<10240x128xf32, #tpu.memory_space<vmem_shared>>)
          tpu.yield
        }) : () -> ()
        %dma_wait3A_47 = tpu.memref_slice %arg8[%mul3A_37] : memref<2048xi32, #tpu.memory_space<vmem>> -> memref<128xi32, #tpu.memory_space<vmem>>
        %dma_wait3A_48 = arith.constant 0 : i32
        %dma_wait3A_49 = arith.constant 0 : i32
        %dma_wait3A_50 = tpu.memref_slice %arg2[%dma_wait3A_48, %dma_wait3A_49] : memref<10240x128xf32, #tpu.memory_space<hbm>> -> memref<10240x128xf32, #tpu.memory_space<hbm>>
        tpu.wait_indirect_dma semaphore(%arg13 : memref<!tpu.dma_semaphore, #tpu.memory_space<semaphore_mem>>) src(%dma_wait3A_50 : memref<10240x128xf32, #tpu.memory_space<hbm>>) dst(%arg11 : memref<128x128xf32, #tpu.memory_space<vmem>>)
        %add3A_51 = arith.constant 1 : i32
        %add3A_52 = arith.addi %add3A_28, %add3A_51 : i32
        %mul3A_53 = arith.constant 128 : i32
        %mul3A_54 = arith.muli %add3A_52, %mul3A_53 : i32
        "tpu.region"() ({
          %run_scoped3A = tpu.sem_alloc : memref<!tpu.dma_semaphore, #tpu.memory_space<semaphore_mem>>
          %dma_start3A_55 = tpu.memref_slice %arg9[%mul3A_54] : memref<2048xi32, #tpu.memory_space<vmem>> -> memref<128xi32, #tpu.memory_space<vmem>>
          %dma_start3A_56 = arith.constant 0 : i32
          %dma_start3A_57 = arith.constant 0 : i32
          %dma_start3A_58 = tpu.memref_slice %arg7[%dma_start3A_56, %dma_start3A_57] : memref<10240x128xf32, #tpu.memory_space<vmem_shared>> -> memref<10240x128xf32, #tpu.memory_space<vmem_shared>>
          tpu.enqueue_indirect_dma source(%arg11 : memref<128x128xf32, #tpu.memory_space<vmem>>) target(%dma_start3A_58 : memref<10240x128xf32, #tpu.memory_space<vmem_shared>>) offsets(%dma_start3A_55 : memref<128xi32, #tpu.memory_space<vmem>>) semaphore(%run_scoped3A : memref<!tpu.dma_semaphore, #tpu.memory_space<semaphore_mem>>) {add = true}
          %dma_wait3A_59 = tpu.memref_slice %arg9[%mul3A_54] : memref<2048xi32, #tpu.memory_space<vmem>> -> memref<128xi32, #tpu.memory_space<vmem>>
          %dma_wait3A_60 = arith.constant 0 : i32
          %dma_wait3A_61 = arith.constant 0 : i32
          %dma_wait3A_62 = tpu.memref_slice %arg7[%dma_wait3A_60, %dma_wait3A_61] : memref<10240x128xf32, #tpu.memory_space<vmem_shared>> -> memref<10240x128xf32, #tpu.memory_space<vmem_shared>>
          tpu.wait_indirect_dma semaphore(%run_scoped3A : memref<!tpu.dma_semaphore, #tpu.memory_space<semaphore_mem>>) src(%arg11 : memref<128x128xf32, #tpu.memory_space<vmem>>) dst(%dma_wait3A_62 : memref<10240x128xf32, #tpu.memory_space<vmem_shared>>)
          tpu.yield
        }) : () -> ()
      }
      %scan3A_23 = arith.constant 8 : i32
    }
    %scan3A_6 = arith.constant 5 : i32
    %barrier3A_7 = arith.constant 0 : index
    tpu.barrier barrier_id(%barrier3A_7)
    %mul3A_8 = arith.constant 640 : i32
    %mul3A_9 = arith.muli %arg1, %mul3A_8 : i32
    "tpu.region"() ({
      %run_scoped3A = tpu.sem_alloc : memref<!tpu.dma_semaphore, #tpu.memory_space<semaphore_mem>>
      %dma_start3A = arith.constant 0 : i32
      %dma_start3A_10 = arith.constant 0 : i32
      %dma_start3A_11 = tpu.memref_slice %arg6[%add3A, %dma_start3A, %dma_start3A_10] : memref<32x640x128xf32, #tpu.memory_space<hbm>> -> memref<1x640x128xf32, #tpu.memory_space<hbm>>
      %dma_start3A_12 = tpu.memref_squeeze %dma_start3A_11 : memref<1x640x128xf32, #tpu.memory_space<hbm>> -> memref<640x128xf32, #tpu.memory_space<hbm>>
      %dma_start3A_13 = arith.constant 0 : i32
      %dma_start3A_14 = tpu.memref_slice %arg7[%mul3A_9, %dma_start3A_13] : memref<10240x128xf32, #tpu.memory_space<vmem_shared>> -> memref<640x128xf32, #tpu.memory_space<vmem_shared>>
      tpu.enqueue_dma source(%dma_start3A_14 : memref<640x128xf32, #tpu.memory_space<vmem_shared>>) target(%dma_start3A_12 : memref<640x128xf32, #tpu.memory_space<hbm>>) target_semaphore(%run_scoped3A : memref<!tpu.dma_semaphore, #tpu.memory_space<semaphore_mem>>)
      %dma_wait3A = arith.constant 0 : i32
      %dma_wait3A_15 = arith.constant 0 : i32
      %dma_wait3A_16 = tpu.memref_slice %arg6[%add3A, %dma_wait3A, %dma_wait3A_15] : memref<32x640x128xf32, #tpu.memory_space<hbm>> -> memref<1x640x128xf32, #tpu.memory_space<hbm>>
      %dma_wait3A_17 = tpu.memref_squeeze %dma_wait3A_16 : memref<1x640x128xf32, #tpu.memory_space<hbm>> -> memref<640x128xf32, #tpu.memory_space<hbm>>
      %dma_wait3A_18 = arith.constant 0 : i32
      %dma_wait3A_19 = tpu.memref_slice %arg7[%mul3A_9, %dma_wait3A_18] : memref<10240x128xf32, #tpu.memory_space<vmem_shared>> -> memref<640x128xf32, #tpu.memory_space<vmem_shared>>
      tpu.wait_dma2 semaphore(%run_scoped3A : memref<!tpu.dma_semaphore, #tpu.memory_space<semaphore_mem>>) src(%dma_wait3A_19 : memref<640x128xf32, #tpu.memory_space<vmem_shared>>) dst(%dma_wait3A_17 : memref<640x128xf32, #tpu.memory_space<hbm>>)
      tpu.yield
    }) : () -> ()
    return
  }
}

module attributes {stable_mosaic.version = 14 : i64} {
  func.func @_k1_body(%arg0: i32, %arg1: memref<2x256x16xf32, #tpu.memory_space<vmem>>, %arg2: memref<256x128xf32, #tpu.memory_space<vmem>>, %arg3: memref<256x128xf32, #tpu.memory_space<vmem>>) attributes {dimension_semantics = [#tpu.dimension_semantics<arbitrary>], iteration_bounds = array<i64: 40>, scalar_prefetch = 0 : i64, scratch_operands = 0 : i64, tpu.core_type = #tpu.core_type<tc>, window_params = [{transform_indices = @transform_0, window_bounds = array<i64: 2, 256, 16>}, {transform_indices = @transform_1, window_bounds = array<i64: 256, 128>}, {transform_indices = @transform_2, window_bounds = array<i64: 256, 128>}]} {
    %get3A = arith.constant 0 : index
    %get3A_0 = arith.constant 0 : index
    %get3A_1 = vector.load %arg2[%get3A, %get3A_0] : memref<256x128xf32, #tpu.memory_space<vmem>>, vector<256x128xf32>
    %get3A_2 = arith.constant 0 : index
    %get3A_3 = arith.constant 0 : index
    %get3A_4 = arith.constant 0 : index
    %get3A_5 = vector.load %arg1[%get3A_2, %get3A_3, %get3A_4] : memref<2x256x16xf32, #tpu.memory_space<vmem>>, vector<2x256x16xf32>
    %slice3A = vector.extract_strided_slice %get3A_5 {offsets = [0, 0, 0], sizes = [1, 256, 1], strides = [1, 1, 1]} : vector<2x256x16xf32> to vector<1x256x1xf32>
    %squeeze3A = vector.shape_cast %slice3A : vector<1x256x1xf32> to vector<256x1xf32>
    %slice3A_6 = vector.extract_strided_slice %get3A_5 {offsets = [1, 0, 0], sizes = [1, 256, 1], strides = [1, 1, 1]} : vector<2x256x16xf32> to vector<1x256x1xf32>
    %squeeze3A_7 = vector.shape_cast %slice3A_6 : vector<1x256x1xf32> to vector<256x1xf32>
    %add3A = arith.addf %squeeze3A, %squeeze3A_7 : vector<256x1xf32>
    %add3A_8 = arith.constant 1.000000e+00 : f32
    %add3A_9 = vector.broadcast %add3A_8 : f32 to vector<256x1xf32>
    %add3A_10 = arith.addf %add3A, %add3A_9 : vector<256x1xf32>
    %rsqrt3A = math.rsqrt %add3A_10 : vector<256x1xf32>
    %mul3A = vector.broadcast %rsqrt3A : vector<256x1xf32> to vector<256x128xf32>
    %mul3A_11 = arith.mulf %get3A_1, %mul3A : vector<256x128xf32>
    %swap3A = arith.constant 0 : index
    %swap3A_12 = arith.constant 0 : index
    %swap3A_13 = vector.load %arg3[%swap3A, %swap3A_12] : memref<256x128xf32, #tpu.memory_space<vmem>>, vector<256x128xf32>
    tpu.vector_store %arg3[%swap3A, %swap3A_12], %mul3A_11 {strides = array<i32>} : memref<256x128xf32, #tpu.memory_space<vmem>>, vector<256x128xf32>,
    return
  }
  func.func @transform_0(%arg0: i32) -> (i32, i32, i32) {
    %c0_i32 = arith.constant 0 : i32
    %c0_i32_0 = arith.constant 0 : i32
    %c0_i32_1 = arith.constant 0 : i32
    return %c0_i32, %arg0, %c0_i32_0 : i32, i32, i32
  }
  func.func @transform_1(%arg0: i32) -> (i32, i32) {
    %c0_i32 = arith.constant 0 : i32
    %c0_i32_0 = arith.constant 0 : i32
    return %arg0, %c0_i32 : i32, i32
  }
  func.func @transform_2(%arg0: i32) -> (i32, i32) {
    %c0_i32 = arith.constant 0 : i32
    %c0_i32_0 = arith.constant 0 : i32
    return %arg0, %c0_i32 : i32, i32
  }
}

module attributes {stable_mosaic.version = 14 : i64} {
  func.func @_k2_body(%arg0: i32, %arg1: memref<2x256x16xf32, #tpu.memory_space<vmem>>, %arg2: memref<2x256x128xf32, #tpu.memory_space<vmem>>, %arg3: memref<256x128xf32, #tpu.memory_space<vmem>>, %arg4: memref<128x256xf32, #tpu.memory_space<vmem>>, %arg5: memref<1x256xf32, #tpu.memory_space<vmem>>, %arg6: memref<2x256x128xf32, #tpu.memory_space<vmem>>) attributes {dimension_semantics = [#tpu.dimension_semantics<arbitrary>], iteration_bounds = array<i64: 40>, scalar_prefetch = 0 : i64, scratch_operands = 0 : i64, tpu.core_type = #tpu.core_type<tc>, window_params = [{transform_indices = @transform_0, window_bounds = array<i64: 2, 256, 16>}, {transform_indices = @transform_1, window_bounds = array<i64: 2, 256, 128>}, {transform_indices = @transform_2, window_bounds = array<i64: 256, 128>}, {pipeline_mode = #tpu.pipeline_mode<synchronous>, transform_indices = @transform_3, window_bounds = array<i64: 128, 256>}, {pipeline_mode = #tpu.pipeline_mode<synchronous>, transform_indices = @transform_4, window_bounds = array<i64: 1, 256>}, {transform_indices = @transform_5, window_bounds = array<i64: 2, 256, 128>}]} {
    %get3A = arith.constant 0 : index
    %get3A_0 = arith.constant 0 : index
    %get3A_1 = arith.constant 0 : index
    %get3A_2 = vector.load %arg1[%get3A, %get3A_0, %get3A_1] : memref<2x256x16xf32, #tpu.memory_space<vmem>>, vector<2x256x16xf32>
    %slice3A = vector.extract_strided_slice %get3A_2 {offsets = [0, 0, 0], sizes = [1, 256, 1], strides = [1, 1, 1]} : vector<2x256x16xf32> to vector<1x256x1xf32>
    %squeeze3A = vector.shape_cast %slice3A : vector<1x256x1xf32> to vector<256x1xf32>
    %slice3A_3 = vector.extract_strided_slice %get3A_2 {offsets = [1, 0, 0], sizes = [1, 256, 1], strides = [1, 1, 1]} : vector<2x256x16xf32> to vector<1x256x1xf32>
    %squeeze3A_4 = vector.shape_cast %slice3A_3 : vector<1x256x1xf32> to vector<256x1xf32>
    %add3A = arith.addf %squeeze3A, %squeeze3A_4 : vector<256x1xf32>
    %add3A_5 = arith.constant 1.000000e+00 : f32
    %add3A_6 = vector.broadcast %add3A_5 : f32 to vector<256x1xf32>
    %add3A_7 = arith.addf %add3A, %add3A_6 : vector<256x1xf32>
    %rsqrt3A = math.rsqrt %add3A_7 : vector<256x1xf32>
    %get3A_8 = arith.constant 0 : index
    %get3A_9 = arith.constant 0 : index
    %get3A_10 = arith.constant 0 : index
    %get3A_11 = vector.load %arg2[%get3A_8, %get3A_9, %get3A_10] : memref<2x256x128xf32, #tpu.memory_space<vmem>>, vector<2x256x128xf32>
    %slice3A_12 = vector.extract_strided_slice %get3A_11 {offsets = [0, 0, 0], sizes = [1, 256, 128], strides = [1, 1, 1]} : vector<2x256x128xf32> to vector<1x256x128xf32>
    %squeeze3A_13 = vector.shape_cast %slice3A_12 : vector<1x256x128xf32> to vector<256x128xf32>
    %slice3A_14 = vector.extract_strided_slice %get3A_11 {offsets = [1, 0, 0], sizes = [1, 256, 128], strides = [1, 1, 1]} : vector<2x256x128xf32> to vector<1x256x128xf32>
    %squeeze3A_15 = vector.shape_cast %slice3A_14 : vector<1x256x128xf32> to vector<256x128xf32>
    %add3A_16 = arith.addf %squeeze3A_13, %squeeze3A_15 : vector<256x128xf32>
    %get3A_17 = arith.constant 0 : index
    %get3A_18 = arith.constant 0 : index
    %get3A_19 = vector.load %arg3[%get3A_17, %get3A_18] : memref<256x128xf32, #tpu.memory_space<vmem>>, vector<256x128xf32>
    %add3A_20 = arith.addf %add3A_16, %get3A_19 : vector<256x128xf32>
    %mul3A = vector.broadcast %rsqrt3A : vector<256x1xf32> to vector<256x128xf32>
    %mul3A_21 = arith.mulf %add3A_20, %mul3A : vector<256x128xf32>
    %get3A_22 = arith.constant 0 : index
    %get3A_23 = arith.constant 0 : index
    %get3A_24 = vector.load %arg4[%get3A_22, %get3A_23] : memref<128x256xf32, #tpu.memory_space<vmem>>, vector<128x256xf32>
    %dot_general3A = arith.constant dense<0.000000e+00> : vector<256x256xf32>
    %dot_general3A_25 = tpu.matmul %mul3A_21, %get3A_24, %dot_general3A {dimension_numbers = #tpu.dot_dimension_numbers<[1], [0], [0], [1], [0, 0, 1, 1], [], []>, transpose_lhs_hint = false} : vector<256x128xf32>, vector<128x256xf32>, vector<256x256xf32> -> vector<256x256xf32>
    %get3A_26 = arith.constant 0 : index
    %get3A_27 = arith.constant 0 : index
    %get3A_28 = vector.load %arg5[%get3A_26, %get3A_27] : memref<1x256xf32, #tpu.memory_space<vmem>>, vector<1x256xf32>
    %add3A_29 = vector.broadcast %get3A_28 : vector<1x256xf32> to vector<256x256xf32>
    %add3A_30 = arith.addf %dot_general3A_25, %add3A_29 : vector<256x256xf32>
    %max3A = arith.constant 0.000000e+00 : f32
    %max3A_31 = vector.broadcast %max3A : f32 to vector<256x256xf32>
    %max3A_32 = arith.maximumf %add3A_30, %max3A_31 : vector<256x256xf32>
    %mul3A_33 = vector.broadcast %rsqrt3A : vector<256x1xf32> to vector<256x256xf32>
    %mul3A_34 = arith.mulf %max3A_32, %mul3A_33 : vector<256x256xf32>
    %slice3A_35 = vector.extract_strided_slice %mul3A_34 {offsets = [0, 0], sizes = [256, 128], strides = [1, 1]} : vector<256x256xf32> to vector<256x128xf32>
    %slice3A_36 = vector.extract_strided_slice %mul3A_34 {offsets = [0, 128], sizes = [256, 128], strides = [1, 1]} : vector<256x256xf32> to vector<256x128xf32>
    %stack3A = vector.shape_cast %slice3A_35 : vector<256x128xf32> to vector<1x256x128xf32>
    %stack3A_37 = vector.shape_cast %slice3A_36 : vector<256x128xf32> to vector<1x256x128xf32>
    %stack3A_38 = tpu.concatenate %stack3A, %stack3A_37 in 0 : vector<1x256x128xf32>, vector<1x256x128xf32> -> vector<2x256x128xf32>
    %swap3A = arith.constant 0 : index
    %swap3A_39 = arith.constant 0 : index
    %swap3A_40 = arith.constant 0 : index
    %swap3A_41 = vector.load %arg6[%swap3A, %swap3A_39, %swap3A_40] : memref<2x256x128xf32, #tpu.memory_space<vmem>>, vector<2x256x128xf32>
    tpu.vector_store %arg6[%swap3A, %swap3A_39, %swap3A_40], %stack3A_38 {strides = array<i32>} : memref<2x256x128xf32, #tpu.memory_space<vmem>>, vector<2x256x128xf32>,
    return
  }
  func.func @transform_0(%arg0: i32) -> (i32, i32, i32) {
    %c0_i32 = arith.constant 0 : i32
    %c0_i32_0 = arith.constant 0 : i32
    %c0_i32_1 = arith.constant 0 : i32
    return %c0_i32, %arg0, %c0_i32_0 : i32, i32, i32
  }
  func.func @transform_1(%arg0: i32) -> (i32, i32, i32) {
    %c0_i32 = arith.constant 0 : i32
    %c0_i32_0 = arith.constant 0 : i32
    %c0_i32_1 = arith.constant 0 : i32
    return %c0_i32, %arg0, %c0_i32_0 : i32, i32, i32
  }
  func.func @transform_2(%arg0: i32) -> (i32, i32) {
    %c0_i32 = arith.constant 0 : i32
    %c0_i32_0 = arith.constant 0 : i32
    return %arg0, %c0_i32 : i32, i32
  }
  func.func @transform_3(%arg0: i32) -> (i32, i32) {
    %c0_i32 = arith.constant 0 : i32
    %c0_i32_0 = arith.constant 0 : i32
    %c0_i32_1 = arith.constant 0 : i32
    return %c0_i32, %c0_i32_0 : i32, i32
  }
  func.func @transform_4(%arg0: i32) -> (i32, i32) {
    %c0_i32 = arith.constant 0 : i32
    %c0_i32_0 = arith.constant 0 : i32
    %c0_i32_1 = arith.constant 0 : i32
    return %c0_i32, %c0_i32_0 : i32, i32
  }
  func.func @transform_5(%arg0: i32) -> (i32, i32, i32) {
    %c0_i32 = arith.constant 0 : i32
    %c0_i32_0 = arith.constant 0 : i32
    %c0_i32_1 = arith.constant 0 : i32
    return %c0_i32, %arg0, %c0_i32_0 : i32, i32, i32
  }
}

module attributes {stable_mosaic.version = 14 : i64} {
  func.func @_k3_body(%arg0: i32, %arg1: memref<2x256x16xf32, #tpu.memory_space<vmem>>, %arg2: memref<2x256x128xf32, #tpu.memory_space<vmem>>, %arg3: memref<2x256x128xf32, #tpu.memory_space<vmem>>, %arg4: memref<256x256xf32, #tpu.memory_space<vmem>>, %arg5: memref<1x256xf32, #tpu.memory_space<vmem>>, %arg6: memref<256x128xf32, #tpu.memory_space<vmem>>, %arg7: memref<256x128xf32, #tpu.memory_space<vmem>>) attributes {dimension_semantics = [#tpu.dimension_semantics<arbitrary>], iteration_bounds = array<i64: 40>, scalar_prefetch = 0 : i64, scratch_operands = 0 : i64, tpu.core_type = #tpu.core_type<tc>, window_params = [{transform_indices = @transform_0, window_bounds = array<i64: 2, 256, 16>}, {transform_indices = @transform_1, window_bounds = array<i64: 2, 256, 128>}, {transform_indices = @transform_2, window_bounds = array<i64: 2, 256, 128>}, {pipeline_mode = #tpu.pipeline_mode<synchronous>, transform_indices = @transform_3, window_bounds = array<i64: 256, 256>}, {pipeline_mode = #tpu.pipeline_mode<synchronous>, transform_indices = @transform_4, window_bounds = array<i64: 1, 256>}, {pipeline_mode = #tpu.pipeline_mode<synchronous>, transform_indices = @transform_5, window_bounds = array<i64: 256, 128>}, {transform_indices = @transform_6, window_bounds = array<i64: 256, 128>}]} {
    %get3A = arith.constant 0 : index
    %get3A_0 = arith.constant 0 : index
    %get3A_1 = arith.constant 0 : index
    %get3A_2 = vector.load %arg1[%get3A, %get3A_0, %get3A_1] : memref<2x256x16xf32, #tpu.memory_space<vmem>>, vector<2x256x16xf32>
    %slice3A = vector.extract_strided_slice %get3A_2 {offsets = [0, 0, 0], sizes = [1, 256, 1], strides = [1, 1, 1]} : vector<2x256x16xf32> to vector<1x256x1xf32>
    %squeeze3A = vector.shape_cast %slice3A : vector<1x256x1xf32> to vector<256x1xf32>
    %slice3A_3 = vector.extract_strided_slice %get3A_2 {offsets = [1, 0, 0], sizes = [1, 256, 1], strides = [1, 1, 1]} : vector<2x256x16xf32> to vector<1x256x1xf32>
    %squeeze3A_4 = vector.shape_cast %slice3A_3 : vector<1x256x1xf32> to vector<256x1xf32>
    %add3A = arith.addf %squeeze3A, %squeeze3A_4 : vector<256x1xf32>
    %add3A_5 = arith.constant 1.000000e+00 : f32
    %add3A_6 = vector.broadcast %add3A_5 : f32 to vector<256x1xf32>
    %add3A_7 = arith.addf %add3A, %add3A_6 : vector<256x1xf32>
    %rsqrt3A = math.rsqrt %add3A_7 : vector<256x1xf32>
    %get3A_8 = arith.constant 0 : index
    %get3A_9 = arith.constant 0 : index
    %get3A_10 = arith.constant 0 : index
    %get3A_11 = vector.load %arg2[%get3A_8, %get3A_9, %get3A_10] : memref<2x256x128xf32, #tpu.memory_space<vmem>>, vector<2x256x128xf32>
    %get3A_12 = arith.constant 0 : index
    %get3A_13 = arith.constant 0 : index
    %get3A_14 = arith.constant 0 : index
    %get3A_15 = vector.load %arg3[%get3A_12, %get3A_13, %get3A_14] : memref<2x256x128xf32, #tpu.memory_space<vmem>>, vector<2x256x128xf32>
    %slice3A_16 = vector.extract_strided_slice %get3A_11 {offsets = [0, 0, 0], sizes = [1, 256, 128], strides = [1, 1, 1]} : vector<2x256x128xf32> to vector<1x256x128xf32>
    %squeeze3A_17 = vector.shape_cast %slice3A_16 : vector<1x256x128xf32> to vector<256x128xf32>
    %slice3A_18 = vector.extract_strided_slice %get3A_15 {offsets = [0, 0, 0], sizes = [1, 256, 128], strides = [1, 1, 1]} : vector<2x256x128xf32> to vector<1x256x128xf32>
    %squeeze3A_19 = vector.shape_cast %slice3A_18 : vector<1x256x128xf32> to vector<256x128xf32>
    %add3A_20 = arith.addf %squeeze3A_17, %squeeze3A_19 : vector<256x128xf32>
    %mul3A = vector.broadcast %rsqrt3A : vector<256x1xf32> to vector<256x128xf32>
    %mul3A_21 = arith.mulf %add3A_20, %mul3A : vector<256x128xf32>
    %slice3A_22 = vector.extract_strided_slice %get3A_11 {offsets = [1, 0, 0], sizes = [1, 256, 128], strides = [1, 1, 1]} : vector<2x256x128xf32> to vector<1x256x128xf32>
    %squeeze3A_23 = vector.shape_cast %slice3A_22 : vector<1x256x128xf32> to vector<256x128xf32>
    %slice3A_24 = vector.extract_strided_slice %get3A_15 {offsets = [1, 0, 0], sizes = [1, 256, 128], strides = [1, 1, 1]} : vector<2x256x128xf32> to vector<1x256x128xf32>
    %squeeze3A_25 = vector.shape_cast %slice3A_24 : vector<1x256x128xf32> to vector<256x128xf32>
    %add3A_26 = arith.addf %squeeze3A_23, %squeeze3A_25 : vector<256x128xf32>
    %mul3A_27 = vector.broadcast %rsqrt3A : vector<256x1xf32> to vector<256x128xf32>
    %mul3A_28 = arith.mulf %add3A_26, %mul3A_27 : vector<256x128xf32>
    %concatenate3A = tpu.concatenate %mul3A_21, %mul3A_28 in 1 : vector<256x128xf32>, vector<256x128xf32> -> vector<256x256xf32>
    %get3A_29 = arith.constant 0 : index
    %get3A_30 = arith.constant 0 : index
    %get3A_31 = vector.load %arg4[%get3A_29, %get3A_30] : memref<256x256xf32, #tpu.memory_space<vmem>>, vector<256x256xf32>
    %dot_general3A = arith.constant dense<0.000000e+00> : vector<256x256xf32>
    %dot_general3A_32 = tpu.matmul %concatenate3A, %get3A_31, %dot_general3A {dimension_numbers = #tpu.dot_dimension_numbers<[1], [0], [0], [1], [0, 0, 1, 1], [], []>, transpose_lhs_hint = false} : vector<256x256xf32>, vector<256x256xf32>, vector<256x256xf32> -> vector<256x256xf32>
    %get3A_33 = arith.constant 0 : index
    %get3A_34 = arith.constant 0 : index
    %get3A_35 = vector.load %arg5[%get3A_33, %get3A_34] : memref<1x256xf32, #tpu.memory_space<vmem>>, vector<1x256xf32>
    %add3A_36 = vector.broadcast %get3A_35 : vector<1x256xf32> to vector<256x256xf32>
    %add3A_37 = arith.addf %dot_general3A_32, %add3A_36 : vector<256x256xf32>
    %max3A = arith.constant 0.000000e+00 : f32
    %max3A_38 = vector.broadcast %max3A : f32 to vector<256x256xf32>
    %max3A_39 = arith.maximumf %add3A_37, %max3A_38 : vector<256x256xf32>
    %get3A_40 = arith.constant 0 : index
    %get3A_41 = arith.constant 0 : index
    %get3A_42 = vector.load %arg6[%get3A_40, %get3A_41] : memref<256x128xf32, #tpu.memory_space<vmem>>, vector<256x128xf32>
    %dot_general3A_43 = arith.constant dense<0.000000e+00> : vector<256x128xf32>
    %dot_general3A_44 = tpu.matmul %max3A_39, %get3A_42, %dot_general3A_43 {dimension_numbers = #tpu.dot_dimension_numbers<[1], [0], [0], [1], [0, 0, 1, 1], [], []>, transpose_lhs_hint = false} : vector<256x256xf32>, vector<256x128xf32>, vector<256x128xf32> -> vector<256x128xf32>
    %mul3A_45 = vector.broadcast %rsqrt3A : vector<256x1xf32> to vector<256x128xf32>
    %mul3A_46 = arith.mulf %dot_general3A_44, %mul3A_45 : vector<256x128xf32>
    %swap3A = arith.constant 0 : index
    %swap3A_47 = arith.constant 0 : index
    %swap3A_48 = vector.load %arg7[%swap3A, %swap3A_47] : memref<256x128xf32, #tpu.memory_space<vmem>>, vector<256x128xf32>
    tpu.vector_store %arg7[%swap3A, %swap3A_47], %mul3A_46 {strides = array<i32>} : memref<256x128xf32, #tpu.memory_space<vmem>>, vector<256x128xf32>,
    return
  }
  func.func @transform_0(%arg0: i32) -> (i32, i32, i32) {
    %c0_i32 = arith.constant 0 : i32
    %c0_i32_0 = arith.constant 0 : i32
    %c0_i32_1 = arith.constant 0 : i32
    return %c0_i32, %arg0, %c0_i32_0 : i32, i32, i32
  }
  func.func @transform_1(%arg0: i32) -> (i32, i32, i32) {
    %c0_i32 = arith.constant 0 : i32
    %c0_i32_0 = arith.constant 0 : i32
    %c0_i32_1 = arith.constant 0 : i32
    return %c0_i32, %arg0, %c0_i32_0 : i32, i32, i32
  }
  func.func @transform_2(%arg0: i32) -> (i32, i32, i32) {
    %c0_i32 = arith.constant 0 : i32
    %c0_i32_0 = arith.constant 0 : i32
    %c0_i32_1 = arith.constant 0 : i32
    return %c0_i32, %arg0, %c0_i32_0 : i32, i32, i32
  }
  func.func @transform_3(%arg0: i32) -> (i32, i32) {
    %c0_i32 = arith.constant 0 : i32
    %c0_i32_0 = arith.constant 0 : i32
    %c0_i32_1 = arith.constant 0 : i32
    return %c0_i32, %c0_i32_0 : i32, i32
  }
  func.func @transform_4(%arg0: i32) -> (i32, i32) {
    %c0_i32 = arith.constant 0 : i32
    %c0_i32_0 = arith.constant 0 : i32
    %c0_i32_1 = arith.constant 0 : i32
    return %c0_i32, %c0_i32_0 : i32, i32
  }
  func.func @transform_5(%arg0: i32) -> (i32, i32) {
    %c0_i32 = arith.constant 0 : i32
    %c0_i32_0 = arith.constant 0 : i32
    %c0_i32_1 = arith.constant 0 : i32
    return %c0_i32, %c0_i32_0 : i32, i32
  }
  func.func @transform_6(%arg0: i32) -> (i32, i32) {
    %c0_i32 = arith.constant 0 : i32
    %c0_i32_0 = arith.constant 0 : i32
    return %arg0, %c0_i32 : i32, i32
  }
}

module attributes {stable_mosaic.version = 14 : i64} {
  func.func @_k4_body(%arg0: i32, %arg1: memref<2x256x16xf32, #tpu.memory_space<vmem>>, %arg2: memref<2x256x128xf32, #tpu.memory_space<vmem>>, %arg3: memref<256x128xf32, #tpu.memory_space<vmem>>, %arg4: memref<1x128xf32, #tpu.memory_space<vmem>>, %arg5: memref<256x128xf32, #tpu.memory_space<vmem>>) attributes {dimension_semantics = [#tpu.dimension_semantics<arbitrary>], iteration_bounds = array<i64: 40>, scalar_prefetch = 0 : i64, scratch_operands = 0 : i64, tpu.core_type = #tpu.core_type<tc>, window_params = [{transform_indices = @transform_0, window_bounds = array<i64: 2, 256, 16>}, {transform_indices = @transform_1, window_bounds = array<i64: 2, 256, 128>}, {transform_indices = @transform_2, window_bounds = array<i64: 256, 128>}, {pipeline_mode = #tpu.pipeline_mode<synchronous>, transform_indices = @transform_3, window_bounds = array<i64: 1, 128>}, {transform_indices = @transform_4, window_bounds = array<i64: 256, 128>}]} {
    %get3A = arith.constant 0 : index
    %get3A_0 = arith.constant 0 : index
    %get3A_1 = arith.constant 0 : index
    %get3A_2 = vector.load %arg1[%get3A, %get3A_0, %get3A_1] : memref<2x256x16xf32, #tpu.memory_space<vmem>>, vector<2x256x16xf32>
    %slice3A = vector.extract_strided_slice %get3A_2 {offsets = [0, 0, 0], sizes = [1, 256, 1], strides = [1, 1, 1]} : vector<2x256x16xf32> to vector<1x256x1xf32>
    %squeeze3A = vector.shape_cast %slice3A : vector<1x256x1xf32> to vector<256x1xf32>
    %slice3A_3 = vector.extract_strided_slice %get3A_2 {offsets = [1, 0, 0], sizes = [1, 256, 1], strides = [1, 1, 1]} : vector<2x256x16xf32> to vector<1x256x1xf32>
    %squeeze3A_4 = vector.shape_cast %slice3A_3 : vector<1x256x1xf32> to vector<256x1xf32>
    %add3A = arith.addf %squeeze3A, %squeeze3A_4 : vector<256x1xf32>
    %add3A_5 = arith.constant 1.000000e+00 : f32
    %add3A_6 = vector.broadcast %add3A_5 : f32 to vector<256x1xf32>
    %add3A_7 = arith.addf %add3A, %add3A_6 : vector<256x1xf32>
    %rsqrt3A = math.rsqrt %add3A_7 : vector<256x1xf32>
    %get3A_8 = arith.constant 0 : index
    %get3A_9 = arith.constant 0 : index
    %get3A_10 = arith.constant 0 : index
    %get3A_11 = vector.load %arg2[%get3A_8, %get3A_9, %get3A_10] : memref<2x256x128xf32, #tpu.memory_space<vmem>>, vector<2x256x128xf32>
    %slice3A_12 = vector.extract_strided_slice %get3A_11 {offsets = [0, 0, 0], sizes = [1, 256, 128], strides = [1, 1, 1]} : vector<2x256x128xf32> to vector<1x256x128xf32>
    %squeeze3A_13 = vector.shape_cast %slice3A_12 : vector<1x256x128xf32> to vector<256x128xf32>
    %slice3A_14 = vector.extract_strided_slice %get3A_11 {offsets = [1, 0, 0], sizes = [1, 256, 128], strides = [1, 1, 1]} : vector<2x256x128xf32> to vector<1x256x128xf32>
    %squeeze3A_15 = vector.shape_cast %slice3A_14 : vector<1x256x128xf32> to vector<256x128xf32>
    %add3A_16 = arith.addf %squeeze3A_13, %squeeze3A_15 : vector<256x128xf32>
    %get3A_17 = arith.constant 0 : index
    %get3A_18 = arith.constant 0 : index
    %get3A_19 = vector.load %arg3[%get3A_17, %get3A_18] : memref<256x128xf32, #tpu.memory_space<vmem>>, vector<256x128xf32>
    %add3A_20 = arith.addf %add3A_16, %get3A_19 : vector<256x128xf32>
    %mul3A = vector.broadcast %rsqrt3A : vector<256x1xf32> to vector<256x128xf32>
    %mul3A_21 = arith.mulf %add3A_20, %mul3A : vector<256x128xf32>
    %get3A_22 = arith.constant 0 : index
    %get3A_23 = arith.constant 0 : index
    %get3A_24 = vector.load %arg4[%get3A_22, %get3A_23] : memref<1x128xf32, #tpu.memory_space<vmem>>, vector<1x128xf32>
    %add3A_25 = vector.broadcast %get3A_24 : vector<1x128xf32> to vector<256x128xf32>
    %add3A_26 = arith.addf %mul3A_21, %add3A_25 : vector<256x128xf32>
    %max3A = arith.constant 0.000000e+00 : f32
    %max3A_27 = vector.broadcast %max3A : f32 to vector<256x128xf32>
    %max3A_28 = arith.maximumf %add3A_26, %max3A_27 : vector<256x128xf32>
    %swap3A = arith.constant 0 : index
    %swap3A_29 = arith.constant 0 : index
    %swap3A_30 = vector.load %arg5[%swap3A, %swap3A_29] : memref<256x128xf32, #tpu.memory_space<vmem>>, vector<256x128xf32>
    tpu.vector_store %arg5[%swap3A, %swap3A_29], %max3A_28 {strides = array<i32>} : memref<256x128xf32, #tpu.memory_space<vmem>>, vector<256x128xf32>,
    return
  }
  func.func @transform_0(%arg0: i32) -> (i32, i32, i32) {
    %c0_i32 = arith.constant 0 : i32
    %c0_i32_0 = arith.constant 0 : i32
    %c0_i32_1 = arith.constant 0 : i32
    return %c0_i32, %arg0, %c0_i32_0 : i32, i32, i32
  }
  func.func @transform_1(%arg0: i32) -> (i32, i32, i32) {
    %c0_i32 = arith.constant 0 : i32
    %c0_i32_0 = arith.constant 0 : i32
    %c0_i32_1 = arith.constant 0 : i32
    return %c0_i32, %arg0, %c0_i32_0 : i32, i32, i32
  }
  func.func @transform_2(%arg0: i32) -> (i32, i32) {
    %c0_i32 = arith.constant 0 : i32
    %c0_i32_0 = arith.constant 0 : i32
    return %arg0, %c0_i32 : i32, i32
  }
  func.func @transform_3(%arg0: i32) -> (i32, i32) {
    %c0_i32 = arith.constant 0 : i32
    %c0_i32_0 = arith.constant 0 : i32
    %c0_i32_1 = arith.constant 0 : i32
    return %c0_i32, %c0_i32_0 : i32, i32
  }
  func.func @transform_4(%arg0: i32) -> (i32, i32) {
    %c0_i32 = arith.constant 0 : i32
    %c0_i32_0 = arith.constant 0 : i32
    return %arg0, %c0_i32 : i32, i32
  }
}

</mosaic_0001>

<sc_bundles>
// kernel: kernel.10.cloned.1.call-start
scs
__scs_entry_jumppad:
0x0: {  	(pc) =	sbr.rel $0x88, $3  }
0x1: {  	(tag) =	ssettag $0x0;
	lr =	simm.s32 $0x1  }
0x2: {  	[smem:$0x3F99] =	sst lr;
	_ =	strace $0xD0000000  }
0x3: {  	_ = 	snop  }
0x4: {  	_ = 	snop  }
0x5: {  	_ = 	snop  }
0x6: {  	_ = 	snop  }
0x7: {  	_ = 	snop  }
__scs_overlays_trampoline_lowered:
0x8: {  	[smem:$0x3FA8] =	sst s0  }
0x9: {  	[smem:$0x3FA9] =	sst s1  }
0xa: {  	[smem:$0x3FAA] =	sst s2  }
0xb: {  	[smem:$0x3FAB] =	sst s3  }
0xc: {  	[smem:$0x3FAC] =	sst s4  }
0xd: {  	[smem:$0x3FAD] =	sst s5  }
0xe: {  	[smem:$0x3FAE] =	sst s6  }
0xf: {  	[smem:$0x3FAF] =	sst s7  }
0x10: {  	[smem:$0x3FB0] =	sst s8  }
0x11: {  	[smem:$0x3FB1] =	sst s9;
	s0 =	simm.s32 @!p0 $0x0  }
0x12: {  	s1 =	sld [smem:$0x3F97];
	s0 =	simm.s32 @p0 $0x1  }
0x13: {  	[smem:$0x3FB2] =	sst s0;
	s0 =	simm.s32 @!p1 $0x0  }
0x14: {  	s2 =	sld [smem:$0x3F96];
	s0 =	simm.s32 @p1 $0x1  }
0x15: {  	[smem:$0x3FB3] =	sst s0;
	s0 =	simm.s32 @!p2 $0x0  }
0x16: {  	s3 =	sld [smem:$0x3FDB];
	s0 =	simm.s32 @p2 $0x1  }
0x17: {  	s4 =	simm.s32 $0x1BF5;
	[smem:$0x3FB5] =	sst s0  }
0x18: {  	s0 =	sld [smem:$0x3F98];
	_ =	swait.ge [sflag:s4], $0x0  }
0x19: {  	s7 =	sld [smem:$0x3F99]  }
0x1a: {  	s8 =	sadd.s32 $0xFFFFE003, lr  }
0x1b: {  	s9 =	sadd.s32 $0xFFFFFEF7, lr;
	s5 =	simm.s32 $0xFFFFFFFF;
	p2 =	slt.u32 s8, $0xFFFFF086  }
0x1c: {  	p1 =	slt.u32 s9, $0xF7A;
	s5 =	simm.s32 @!p2 $0x0  }
0x1d: {  	s5 =	simm.s32 @p1 $0x1;
	p0 =	seq.s32 s7, s2  }
0x1e: {  	s7 =	smul.u32 @!p0 $0xF7A, s2;
	p2 =	seq.s32 @!p0 s5, $0x0  }
0x1f: {  	s9 =	smul.u32 $0xF7A, s1;
	s8 =	simm.s32 @!p0 $0x1BF5;
	p2 =	por !p2, p0  }
0x20: {  	[sflag:s8] =	ssyncset.s32 @!p0 $0xFFFFF086;
	s6 =	sadd.s32 @!p0 s3, s7;
	s7 =	simm.s32 @!p0 $0x108  }
0x21: {  	s3 =	sadd.s32 s3, s9;
	s6 =	sadd.s32 @!p0 $0x88, s6;
	s7 =	simm.s32 @p2 $0x1082  }
0x22: {  	[simem:s7], [sflag:s8] =	dma.local @!p0 [hbm:s6], $0xF7A  }
0x23: {  	s9 =	sor.u32 $0xD0000000, s2;
	s6 =	simm.s32 $0x108;
	_ =	swait.ge @!p0 [sflag:s8], $0x0  }
0x24: {  	s3 =	sadd.s32 $0x88, s3;
	s6 =	simm.s32 @!p1 $0x1082;
	[sflag:s4] =	ssyncset.s32 $0xFFFFF086  }
0x25: {  	[simem:s6], [sflag:s4] =	dma.local [hbm:s3], $0xF7A  }
0x26: {  	[smem:$0x3F99] =	sst s1;
	(tag) =	ssettag s2;
	_ =	strace s9  }
0x27: {  	s1 =	sld [smem:$0x3FA9]  }
0x28: {  	s2 =	sld [smem:$0x3FAA]  }
0x29: {  	s4 =	sld [smem:$0x3FAC]  }
0x2a: {  	p0 =	seq.s32 s5, $0x0;
	s5 =	sld [smem:$0x3FAD]  }
0x2b: {  	s6 =	sld [smem:$0x3FAE]  }
0x2c: {  	s7 =	sld [smem:$0x3FAF]  }
0x2d: {  	s3 =	simm.s32 $0x108;
	s8 =	sld [smem:$0x3FB0]  }
0x2e: {  	s3 =	simm.s32 @!p0 $0x1082;
	s9 =	sld [smem:$0x3FB1]  }
0x2f: {  	lr =	sadd.s32 s0, s3;
	s0 =	sld [smem:$0x3FA8]  }
0x30: {  	s3 =	sld [smem:$0x3FAB]  }
0x31: {  	[smem:$0x3FB4] =	sst s10  }
0x32: {  	s10 =	sld [smem:$0x3FB2];
	_ =	sdelay $0x3  }
0x33: {  	p0 =	seq.s32 s10, $0x1;
	s10 =	sld [smem:$0x3FB4];
	_ =	sdelay $0x3  }
0x34: {  	[smem:$0x3FB4] =	sst s10  }
0x35: {  	s10 =	sld [smem:$0x3FB3];
	_ =	sdelay $0x3  }
0x36: {  	p1 =	seq.s32 s10, $0x1;
	s10 =	sld [smem:$0x3FB4];
	_ =	sdelay $0x3  }
0x37: {  	[smem:$0x3FB4] =	sst s10  }
0x38: {  	s10 =	sld [smem:$0x3FB5]  }
0x39: {  	_ = 	snop;
	(pc) =	sbr.ind lr, $3  }
0x3a: {  	_ = 	snop  }
0x3b: {  	_ = 	snop  }
0x3c: {  	p2 =	seq.s32 s10, $0x1;
	s10 =	sld [smem:$0x3FB4]  }
0x3d: {  	_ =	shalt  }
0x3e: {  	_ =	shalt  }
0x3f: {  	_ =	shalt  }
0x40: {  	_ =	shalt  }
0x41: {  	_ =	shalt  }
0x42: {  	_ =	shalt  }
0x43: {  	_ =	shalt  }
0x44: {  	_ =	shalt  }
0x45: {  	_ =	shalt  }
0x46: {  	_ =	shalt  }
0x47: {  	_ =	shalt  }
0x48: {  	_ =	shalt  }
0x49: {  	_ =	shalt  }
0x4a: {  	_ =	shalt  }
0x4b: {  	_ =	shalt  }
0x4c: {  	_ =	shalt  }
0x4d: {  	_ =	shalt  }
0x4e: {  	_ =	shalt  }
0x4f: {  	_ =	shalt  }
0x50: {  	_ =	shalt  }
0x51: {  	_ =	shalt  }
0x52: {  	_ =	shalt  }
0x53: {  	_ =	shalt  }
0x54: {  	_ =	shalt  }
0x55: {  	_ =	shalt  }
0x56: {  	_ =	shalt  }
0x57: {  	_ =	shalt  }
0x58: {  	_ =	shalt  }
0x59: {  	_ =	shalt  }
0x5a: {  	_ =	shalt  }
0x5b: {  	_ =	shalt  }
0x5c: {  	_ =	shalt  }
0x5d: {  	_ =	shalt  }
0x5e: {  	_ =	shalt  }
0x5f: {  	_ =	shalt  }
0x60: {  	_ =	shalt  }
0x61: {  	_ =	shalt  }
0x62: {  	_ =	shalt  }
0x63: {  	_ =	shalt  }
0x64: {  	_ =	shalt  }
0x65: {  	_ =	shalt  }
0x66: {  	_ =	shalt  }
0x67: {  	_ =	shalt  }
0x68: {  	_ =	shalt  }
0x69: {  	_ =	shalt  }
0x6a: {  	_ =	shalt  }
0x6b: {  	_ =	shalt  }
0x6c: {  	_ =	shalt  }
0x6d: {  	_ =	shalt  }
0x6e: {  	_ =	shalt  }
0x6f: {  	_ =	shalt  }
0x70: {  	_ =	shalt  }
0x71: {  	_ =	shalt  }
0x72: {  	_ =	shalt  }
0x73: {  	_ =	shalt  }
0x74: {  	_ =	shalt  }
0x75: {  	_ =	shalt  }
0x76: {  	_ =	shalt  }
0x77: {  	_ =	shalt  }
0x78: {  	_ =	shalt  }
0x79: {  	_ =	shalt  }
0x7a: {  	_ =	shalt  }
0x7b: {  	_ =	shalt  }
0x7c: {  	_ =	shalt  }
0x7d: {  	_ =	shalt  }
0x7e: {  	_ =	shalt  }
0x7f: {  	_ =	shalt  }
0x80: {  	_ =	shalt  }
0x81: {  	_ =	shalt  }
0x82: {  	_ =	shalt  }
0x83: {  	_ =	shalt  }
0x84: {  	_ =	shalt  }
0x85: {  	_ =	shalt  }
0x86: {  	_ =	shalt  }
0x87: {  	_ =	shalt  }
.Lfunc_end0:
.L_simem_size_0:
called_computation_lowered:
.L_overlay_start_0:
0x88: {  	s2 =	sld [smem:$0x3FD9]  }
0x89: {  	s3 =	sld [smem:$0x3FFE];
	_ =	sdelay $0x1  }
0x8a: {  	s1 =	srdreg.scid  }
0x8b: {  	s0 =	sand.u32 $0x1, s1  }
0x8c: {  	s17 =	sshll.u32 s0, $0xA;
	s2 =	sadd.s32 s3, s2  }
0x8d: {  	s2 =	sadd.s32 s2, s17  }
0x8e: {  	[smem:$0x3FC0] =	sst s2  }
0x8f: {  	_ = 	snop  }
0x90: {  	s2 =	sld [smem:$0x3FD0];
	(tm) =	ssettm $0x1  }
0x91: {  	s18 =	sld [smem:$0x3FFB];
	_ =	sdelay $0x3  }
0x92: {  	_ =	strace s18  }
0x93: {  	s3 =	sld [smem:$0x3FFC];
	_ =	sdelay $0x3  }
0x94: {  	_ =	strace s3  }
0x95: {  	s3 =	sld [smem:$0x3FFD];
	_ =	sdelay $0x3  }
0x96: {  	_ =	strace s3  }
0x97: {  	_ =	strace $0x8FFFFFFF  }
0x98: {  	s19 =	sld [smem:$0x3FDB];
	_ =	sdelay $0x1  }
0x99: {  	s4 =	simm.s32 $_scs_section_size  }
0x9a: {  	s5 =	simm.s32 $_size__tile_overlayer_lowered;
	s6 =	simm.s32 $_tile_overlayer_lowered  }
0x9b: {  	s22 =	simm.s32 $0x1BFF;
	s21 =	sshll.u32 s6, $0x1;
	s3 =	sadd.s32 s4, s19  }
0x9c: {  	s7 =	simm.s32 $0x0;
	s20 =	sshll.u32 s5, $0x1;
	s5 =	sadd.s32 s21, s3  }
0x9d: {  	[timem:s7], [sflag:s22] =	dma.local [hbm:s5], s20  }
0x9e: {  	_ =	swait.ge [sflag:s22], s20  }
0x9f: {  	s4 =	ssub.s32 $0x0, s20;
	[sflag:s22] =	ssyncset.done $0x0  }
0xa0: {  	[sflag:s22] =	ssyncadd.s32 s4;
	_ =	sdelay $0x1  }
0xa1: {  	s23 =	simm.s32 $0x1B8B  }
0xa2: {  	_ =	swait.ge [sflag:s23], $0x1  }
0xa3: {  	[sflag:s23] =	ssyncset.done $0x0  }
0xa4: {  	s25 =	simm.s32 $0x1B8E;
	s24 =	sld [smem:$0x3FFE];
	[sflag:s23] =	ssyncadd.s32 $0xFFFFFFFF  }
0xa5: {  	s26 =	simm.s32 $execute0_lowered;
	[smem:$0x3FD2] =	sst s25  }
0xa6: {  	s5 =	sshll.u32 s26, $0x1;
	_ =	strace $0x80000046;
	[dreg:$0x1] =	wrdreg $0xFFFFFFFF  }
0xa7: {  	s28 =	simm.s32 $_size_execute0_lowered;
	s3 =	sadd.s32 s3, s5;
	[dreg:$0x0] =	wrdreg $0x0  }
0xa8: {  	s5 =	sshll.u32 s28, $0x1;
	[dreg:$0x2] =	wrdreg s3  }
0xa9: {  	[dreg:$0x3] =	wrdreg s5  }
0xaa: {  	[dreg:$0x4] =	wrdreg $0xC0  }
0xab: {  	_ =	task [dreg:s7], $0x5FFFF  }
0xac: {  	[dreg:$0x1] =	wrdreg $0xFFFFFFFF  }
0xad: {  	[dreg:$0x0] =	wrdreg $0x60  }
0xae: {  	[dreg:$0x2] =	wrdreg s24  }
0xaf: {  	[dreg:$0x3] =	wrdreg s2  }
0xb0: {  	[dreg:$0x4] =	wrdreg $0x0  }
0xb1: {  	[dreg:$0x5] =	wrdreg $0x9  }
0xb2: {  	_ =	task.clear_ibuf [dreg:s7], $0x6FFFF;
	_ =	strace $0x90000046  }
0xb3: {  	s29 =	simm.s32 $0x9;
	_ =	strace $0x80000048  }
0xb4: {  	_ =	swait.ge [sflag:s29], $0x1  }
0xb5: {  	[sflag:s29] =	ssyncadd.s32 $0xFFFFFFFF  }
0xb6: {  	_ =	strace $0x90000048  }
0xb7: {  	_ =	sfence  }
0xb8: {  	s30 =	sld [smem:$0x0];
	_ =	sdelay $0x2  }
0xb9: {  	s31 =	sshll.u32 s1, $0xD;
	s1 =	sshrl.u32 s1, $0x2  }
0xba: {  	s3 =	sand.u32 $0x4000, s31;
	s1 =	sadd.s32 s1, s30  }
0xbb: {  	s0 =	sor.u32 s3, s0;
	s1 =	sshll.u32 s1, $0x11  }
0xbc: {  	s0 =	sor.u32 s1, s0  }
0xbd: {  	s0 =	sadd.s32 $0x8F2B, s0  }
0xbe: {  	[sflag:s0] =	ssyncadd.remote.s32 $0x1  }
0xbf: {  	_ =	sfence.sel $0xFFFF  }
0xc0: {  	[dreg:$0x0] =	wrdreg $0xFFFFFFFF;
	(pc) =	sbr.abs _section_cstart, $3  }
0xc1: {  	[dreg:$0x1] =	wrdreg $0xFFFFFFFF  }
0xc2: {  	_ =	task.clear_ibuf [dreg:s7], $0x2FFFF;
	_ =	strace $0x9FFFFFFF  }
0xc3: {  	(tm) =	ssettm $0x7FFFFFFF  }
tec
execute0_lowered:
.L_overlay_start_1:
0x0: {  	(tag) =	ssettag $0x1  }
0x1: {  	s7 =	rddreg [dreg:$0x0]  }
0x2: {  	s2 =	rddreg [dreg:$0x1]  }
0x3: {  	s0 =	srdreg.scid;
	s3 =	rddreg [dreg:$0x2];
	s4 =	simm.s32 $0x0  }
0x4: {  	s11 =	simm.s32 $0x2800;
	s12 =	simm.s32 $0x2;
	s13 =	simm.s32 $0x5000  }
0x5: {  	s16 =	simm.s32 $0x1;
	s17 =	simm.s32 $0x0;
	s6 =	sand.u32 $0x1, s0  }
0x6: {  	s0 =	stileid.u32;
	[smem:$0x7FF] =	sst s4;
	s1 =	sshll.u32 s6, $0x4  }
0x7: {  	s9 =	sshll.u32 s0, $0x7;
	s30 =	smul.u32 $0x50000, s0;
	s5 =	sor.u32 s0, s1  }
0x8: {  	s6 =	ssub.s32 $0x2, s6;
	s14 =	sshll.u32 s0, $0x6;
	s1 =	sshrl.u32 s5, $0x3  }
0x9: {  	s9 =	sand.u32 $0x380, s9;
	s31 =	sshrl.u32 s6, $0x1;
	s8 =	smul.u32 $0x14000, s1  }
0xa: {  	s14 =	sor.u32 $0x1C02, s14;
	s28 =	smul.u32 $0x2800, s5;
	s5 =	sadd.s32 $0xDE00, s7  }
0xb: {  	s1 =	rddreg [dreg:$0x3];
	_ =	strace $0x80000047;
	s8 =	sor.u32 s9, s8  }
0xc: {  	s9 =	ssub.s32 s6, s31;
	s29 =	sshrl.u32 s8, $0x3;
	s8 =	sshrl.u32 s30, $0x2  }
0xd: {  	s10 =	sadd.s32 s29, s7;
	s7 =	sadd.s32 s28, s7;
	s15 =	sadd.s32 s8, s3  }
0xe: {  	s8 =	smax.u32 s9, $0x1;
	s9 =	simm.s32 $0x80;
	s6 =	sadd.s32 $0x3E00, s10  }
0xf: {  	s7 =	sadd.s32 $0xE600, s7;
	s10 =	simm.s32 $0x400;
	s15 =	sshrl.u32 s15, $0x3  }
.LBB2_1:
0x10: {  	[tilespmem:s11], [sflag:$0x2] =	stream.strided.gather [hbm4b:s6+s9], $0x2800, s10, s9, $0x38;
	[tilespmem:$0x9000] =	vst v63  }
0x11: {  	_ =	swait.ge [sflag:s12], $0x2800  }
0x12: {  	[sflag:s12] =	ssyncset.done $0x0  }
0x13: {  	[sflag:s12] =	ssyncadd.s32 $0xFFFFD800  }
0x14: {  	[tilespmem:s13], [sflag:$0x2] =	stream.linear.gather [hbm4b:s5+s4], $0x4000, $0x38;
	[tilespmem:$0x9000] =	vst v63  }
0x15: {  	_ =	swait.ge [sflag:s12], $0x4000  }
0x16: {  	[sflag:s12] =	ssyncset.done $0x0  }
0x17: {  	[sflag:s12] =	ssyncadd.s32 $0xFFFFC000  }
0x18: {  	[spmem:s15], [sflag:s14] =	dma.local [hbm:s2], $0x2800  }
0x19: {  	_ =	swait.ge [sflag:s12], $0x2800  }
0x1a: {  	[sflag:s12] =	ssyncset.done $0x0  }
0x1b: {  	[sflag:s12] =	ssyncadd.s32 $0xFFFFD800  }
0x1c: {  	s18 =	simm.s32 $0x2800;
	[bflag:$0x0] =	sbarrier.arrive $0xFFFF  }
0x1d: {  	[spmem:s3] =	stream.indirect.scatter.add.f32 [tilespmem:s13], [sflag:$0x1], $0x10, s18, s9, $0xb8;
	[tilespmem:$0x9000] =	vst v63  }
0x1e: {  	s24 =	simm.s32 $0x2880  }
0x1f: {  	[spmem:s3] =	stream.indirect.scatter.add.f32 [tilespmem:s13], [sflag:$0x1], $0x10, s24, s9, $0xb8;
	[tilespmem:$0x9000] =	vst v63  }
0x20: {  	s25 =	simm.s32 $0x2900  }
0x21: {  	[spmem:s3] =	stream.indirect.scatter.add.f32 [tilespmem:s13], [sflag:$0x1], $0x10, s25, s9, $0xb8;
	[tilespmem:$0x9000] =	vst v63  }
0x22: {  	s26 =	simm.s32 $0x2980  }
0x23: {  	[spmem:s3] =	stream.indirect.scatter.add.f32 [tilespmem:s13], [sflag:$0x1], $0x10, s26, s9, $0xb8;
	[tilespmem:$0x9000] =	vst v63  }
0x24: {  	s28 =	simm.s32 $0x2A00  }
0x25: {  	[spmem:s3] =	stream.indirect.scatter.add.f32 [tilespmem:s13], [sflag:$0x1], $0x10, s28, s9, $0xb8;
	[tilespmem:$0x9000] =	vst v63  }
0x26: {  	s29 =	simm.s32 $0x2A80  }
0x27: {  	[spmem:s3] =	stream.indirect.scatter.add.f32 [tilespmem:s13], [sflag:$0x1], $0x10, s29, s9, $0xb8;
	[tilespmem:$0x9000] =	vst v63  }
0x28: {  	s30 =	simm.s32 $0x2B00  }
0x29: {  	[spmem:s3] =	stream.indirect.scatter.add.f32 [tilespmem:s13], [sflag:$0x1], $0x10, s30, s9, $0xb8;
	[tilespmem:$0x9000] =	vst v63  }
0x2a: {  	s31 =	simm.s32 $0x2B80  }
0x2b: {  	[spmem:s3] =	stream.indirect.scatter.add.f32 [tilespmem:s13], [sflag:$0x1], $0x10, s31, s9, $0xb8;
	[tilespmem:$0x9000] =	vst v63  }
0x2c: {  	_ =	swait.ge [sflag:s16], $0x800  }
0x2d: {  	[sflag:s16] =	ssyncset.done $0x0  }
0x2e: {  	[sflag:s16] =	ssyncadd.s32 $0xFFFFF800  }
0x2f: {  	_ =	swait.ge [sflag:s16], $0x800  }
0x30: {  	[sflag:s16] =	ssyncset.done $0x0  }
0x31: {  	[sflag:s16] =	ssyncadd.s32 $0xFFFFF800  }
0x32: {  	_ =	swait.ge [sflag:s16], $0x800  }
0x33: {  	[sflag:s16] =	ssyncset.done $0x0  }
0x34: {  	[sflag:s16] =	ssyncadd.s32 $0xFFFFF800  }
0x35: {  	_ =	swait.ge [sflag:s16], $0x800  }
0x36: {  	[sflag:s16] =	ssyncset.done $0x0  }
0x37: {  	[sflag:s16] =	ssyncadd.s32 $0xFFFFF800  }
0x38: {  	_ =	swait.ge [sflag:s16], $0x800  }
0x39: {  	[sflag:s16] =	ssyncset.done $0x0  }
0x3a: {  	[sflag:s16] =	ssyncadd.s32 $0xFFFFF800  }
0x3b: {  	_ =	swait.ge [sflag:s16], $0x800  }
0x3c: {  	[sflag:s16] =	ssyncset.done $0x0  }
0x3d: {  	[sflag:s16] =	ssyncadd.s32 $0xFFFFF800  }
0x3e: {  	_ =	swait.ge [sflag:s16], $0x800  }
0x3f: {  	[sflag:s16] =	ssyncset.done $0x0  }
0x40: {  	[sflag:s16] =	ssyncadd.s32 $0xFFFFF800  }
0x41: {  	_ =	swait.ge [sflag:s16], $0x800  }
0x42: {  	s21 =	simm.s32 $0x2000;
	s20 =	simm.s32 $0x400;
	[sflag:s16] =	ssyncset.done $0x0  }
.LBB2_2:
0x43: {  	s22 =	sadd.s32 $0x2800, s20  }
0x44: {  	[sflag:s16] =	ssyncadd.s32 $0xFFFFF800;
	s19 =	smov.u32 s21;
	s18 =	sadd.s32 $0x1000, s21  }
0x45: {  	[spmem:s3] =	stream.indirect.scatter.add.f32 [tilespmem:s13], [sflag:$0x1], $0x10, s22, s9, $0xb8;
	[tilespmem:$0x9000] =	vst v63  }
0x46: {  	p0 =	sne.s32 s21, $0x9000;
	s21 =	sadd.s32 $0x2880, s20  }
0x47: {  	[spmem:s3] =	stream.indirect.scatter.add.f32 [tilespmem:s13], [sflag:$0x1], $0x10, s21, s9, $0xb8;
	[tilespmem:$0x9000] =	vst v63  }
0x48: {  	s21 =	sadd.s32 $0x2900, s20  }
0x49: {  	[spmem:s3] =	stream.indirect.scatter.add.f32 [tilespmem:s13], [sflag:$0x1], $0x10, s21, s9, $0xb8;
	[tilespmem:$0x9000] =	vst v63  }
0x4a: {  	s21 =	sadd.s32 $0x2980, s20  }
0x4b: {  	[spmem:s3] =	stream.indirect.scatter.add.f32 [tilespmem:s13], [sflag:$0x1], $0x10, s21, s9, $0xb8;
	[tilespmem:$0x9000] =	vst v63  }
0x4c: {  	s21 =	sadd.s32 $0x2A00, s20  }
0x4d: {  	[spmem:s3] =	stream.indirect.scatter.add.f32 [tilespmem:s13], [sflag:$0x1], $0x10, s21, s9, $0xb8;
	[tilespmem:$0x9000] =	vst v63  }
0x4e: {  	s21 =	sadd.s32 $0x2A80, s20  }
0x4f: {  	[spmem:s3] =	stream.indirect.scatter.add.f32 [tilespmem:s13], [sflag:$0x1], $0x10, s21, s9, $0xb8;
	[tilespmem:$0x9000] =	vst v63  }
0x50: {  	s21 =	sadd.s32 $0x2B00, s20  }
0x51: {  	[spmem:s3] =	stream.indirect.scatter.add.f32 [tilespmem:s13], [sflag:$0x1], $0x10, s21, s9, $0xb8;
	[tilespmem:$0x9000] =	vst v63  }
0x52: {  	s20 =	sadd.s32 $0x2B80, s20  }
0x53: {  	[spmem:s3] =	stream.indirect.scatter.add.f32 [tilespmem:s13], [sflag:$0x1], $0x10, s20, s9, $0xb8;
	[tilespmem:$0x9000] =	vst v63  }
0x54: {  	_ =	swait.ge [sflag:s16], $0x800  }
0x55: {  	[sflag:s16] =	ssyncset.done $0x0  }
0x56: {  	[sflag:s16] =	ssyncadd.s32 $0xFFFFF800  }
0x57: {  	_ =	swait.ge [sflag:s16], $0x800  }
0x58: {  	[sflag:s16] =	ssyncset.done $0x0  }
0x59: {  	[sflag:s16] =	ssyncadd.s32 $0xFFFFF800  }
0x5a: {  	_ =	swait.ge [sflag:s16], $0x800  }
0x5b: {  	[sflag:s16] =	ssyncset.done $0x0  }
0x5c: {  	[sflag:s16] =	ssyncadd.s32 $0xFFFFF800  }
0x5d: {  	_ =	swait.ge [sflag:s16], $0x800  }
0x5e: {  	[sflag:s16] =	ssyncset.done $0x0  }
0x5f: {  	[sflag:s16] =	ssyncadd.s32 $0xFFFFF800  }
0x60: {  	_ =	swait.ge [sflag:s16], $0x800  }
0x61: {  	[sflag:s16] =	ssyncset.done $0x0  }
0x62: {  	[sflag:s16] =	ssyncadd.s32 $0xFFFFF800  }
0x63: {  	_ =	swait.ge [sflag:s16], $0x800  }
0x64: {  	[sflag:s16] =	ssyncset.done $0x0  }
0x65: {  	[sflag:s16] =	ssyncadd.s32 $0xFFFFF800  }
.Ltmp0:
0x66: {  	_ =	swait.ge [sflag:s16], $0x800;
	(pc) =	sbr.rel @p0 .LBB2_2-.Ltmp0, $4  }
0x67: {  	[sflag:s16] =	ssyncset.done $0x0  }
0x68: {  	[sflag:s16] =	ssyncadd.s32 $0xFFFFF800  }
0x69: {  	_ =	swait.ge [sflag:s16], $0x800  }
0x6a: {  	s21 =	smov.u32 s18;
	s20 =	sshra.s32 s19, $0x2;
	[sflag:s16] =	ssyncset.done $0x0  }
0x6b: {  	s18 =	sadd.s32 $0x2800, s20;
	[sflag:s16] =	ssyncadd.s32 $0xFFFFF800  }
0x6c: {  	[spmem:s3] =	stream.indirect.scatter.add.f32 [tilespmem:s13], [sflag:$0x1], $0x10, s18, s9, $0xb8;
	[tilespmem:$0x9000] =	vst v63  }
0x6d: {  	s24 =	sadd.s32 $0x2880, s20  }
0x6e: {  	[spmem:s3] =	stream.indirect.scatter.add.f32 [tilespmem:s13], [sflag:$0x1], $0x10, s24, s9, $0xb8;
	[tilespmem:$0x9000] =	vst v63  }
0x6f: {  	s25 =	sadd.s32 $0x2900, s20  }
0x70: {  	[spmem:s3] =	stream.indirect.scatter.add.f32 [tilespmem:s13], [sflag:$0x1], $0x10, s25, s9, $0xb8;
	[tilespmem:$0x9000] =	vst v63  }
0x71: {  	s26 =	sadd.s32 $0x2980, s20  }
0x72: {  	[spmem:s3] =	stream.indirect.scatter.add.f32 [tilespmem:s13], [sflag:$0x1], $0x10, s26, s9, $0xb8;
	[tilespmem:$0x9000] =	vst v63  }
0x73: {  	s28 =	sadd.s32 $0x2A00, s20  }
0x74: {  	[spmem:s3] =	stream.indirect.scatter.add.f32 [tilespmem:s13], [sflag:$0x1], $0x10, s28, s9, $0xb8;
	[tilespmem:$0x9000] =	vst v63  }
0x75: {  	s29 =	sadd.s32 $0x2A80, s20  }
0x76: {  	[spmem:s3] =	stream.indirect.scatter.add.f32 [tilespmem:s13], [sflag:$0x1], $0x10, s29, s9, $0xb8;
	[tilespmem:$0x9000] =	vst v63  }
0x77: {  	s30 =	sadd.s32 $0x2B00, s20  }
0x78: {  	[spmem:s3] =	stream.indirect.scatter.add.f32 [tilespmem:s13], [sflag:$0x1], $0x10, s30, s9, $0xb8;
	[tilespmem:$0x9000] =	vst v63  }
0x79: {  	s31 =	sadd.s32 $0x2B80, s20  }
0x7a: {  	[spmem:s3] =	stream.indirect.scatter.add.f32 [tilespmem:s13], [sflag:$0x1], $0x10, s31, s9, $0xb8;
	[tilespmem:$0x9000] =	vst v63  }
0x7b: {  	_ =	swait.ge [sflag:s16], $0x800  }
0x7c: {  	[sflag:s16] =	ssyncset.done $0x0  }
0x7d: {  	[sflag:s16] =	ssyncadd.s32 $0xFFFFF800  }
0x7e: {  	_ =	swait.ge [sflag:s16], $0x800  }
0x7f: {  	[sflag:s16] =	ssyncset.done $0x0  }
0x80: {  	[sflag:s16] =	ssyncadd.s32 $0xFFFFF800  }
0x81: {  	_ =	swait.ge [sflag:s16], $0x800  }
0x82: {  	[sflag:s16] =	ssyncset.done $0x0  }
0x83: {  	[sflag:s16] =	ssyncadd.s32 $0xFFFFF800  }
0x84: {  	_ =	swait.ge [sflag:s16], $0x800  }
0x85: {  	[sflag:s16] =	ssyncset.done $0x0  }
0x86: {  	[sflag:s16] =	ssyncadd.s32 $0xFFFFF800  }
0x87: {  	_ =	swait.ge [sflag:s16], $0x800  }
0x88: {  	[sflag:s16] =	ssyncset.done $0x0  }
0x89: {  	[sflag:s16] =	ssyncadd.s32 $0xFFFFF800  }
0x8a: {  	_ =	swait.ge [sflag:s16], $0x800  }
0x8b: {  	[sflag:s16] =	ssyncset.done $0x0  }
0x8c: {  	[sflag:s16] =	ssyncadd.s32 $0xFFFFF800  }
0x8d: {  	_ =	swait.ge [sflag:s16], $0x800  }
0x8e: {  	[sflag:s16] =	ssyncset.done $0x0  }
0x8f: {  	[sflag:s16] =	ssyncadd.s32 $0xFFFFF800  }
0x90: {  	_ =	swait.ge [sflag:s16], $0x800  }
0x91: {  	s17 =	sadd.s32 $0x1, s17;
	[sflag:s16] =	ssyncset.done $0x0  }
0x92: {  	p0 =	sne.s32 s17, s8;
	[sflag:s16] =	ssyncadd.s32 $0xFFFFF800  }
.Ltmp1:
0x93: {  	[bflag:$0x0] =	sbarrier.arrive $0xFFFF;
	(pc) =	sbr.rel @p0 .LBB2_1-.Ltmp1, $4  }
0x94: {  	[hbm:s7], [sflag:s14] =	dma.local [spmem:s15], $0x2800  }
0x95: {  	_ =	swait.ge [sflag:s12], $0x2800  }
0x96: {  	[sflag:s12] =	ssyncset.done $0x0  }
0x97: {  	[sflag:s12] =	ssyncadd.s32 $0xFFFFD800  }
0x98: {  	_ =	sfence.sel $0x180000  }
0x99: {  	[bflag:$0x0] =	sbarrier.arrive $0xFFFF  }
0x9a: {  	p0 =	sne.s32 s0, $0x0;
	_ =	strace $0x90000047  }
0x9b: {  	s0 =	sadd.s32 @!p0 $0x100000, s1;
	[bflag:$0x2] =	sbarrier.arrive $0xFFFF  }
0x9c: {  	[sflag:s0] =	ssyncadd.tile.s32 @!p0 $0x1;
	_ =	shalt  }
.Lfunc_end2:
_tile_overlayer_lowered:
.L_overlay_start_2:
0x9d: {  	(tag) =	ssettag $0x2  }
0x9e: {  	s0 =	rddreg [dreg:$0x0];
	s2 =	stileid.u32  }
0x9f: {  	s1 =	rddreg [dreg:$0x1];
	p0 =	sne.s32 s2, $0x0  }
0xa0: {  	s3 =	rddreg [dreg:$0x2];
	[bflag:$0x3] =	sbarrier.arrive $0xFFFF;
	s2 =	simm.s32 @!p0 $0x1C02  }
0xa1: {  	[timem:s3], [sflag:s2] =	dma.local @!p0 [hbm:s0], s1  }
0xa2: {  	s0 =	simm.s32 @!p0 $0x2  }
0xa3: {  	_ =	swait.ge @!p0 [sflag:s0], s1  }
0xa4: {  	s1 =	ssub.s32 @!p0 $0x0, s1;
	[sflag:s0] =	ssyncset.done @!p0 $0x0  }
0xa5: {  	[sflag:s0] =	ssyncadd.s32 @!p0 s1  }
0xa6: {  	[bflag:$0x3] =	sbarrier.arrive $0xFFFF  }
0xa7: {  	_ =	shalt  }

// kernel: kernel.13.cloned.1.call-start
scs
__scs_entry_jumppad:
0x0: {  	(pc) =	sbr.rel $0x88, $3  }
0x1: {  	(tag) =	ssettag $0x0;
	lr =	simm.s32 $0x1  }
0x2: {  	[smem:$0x3F99] =	sst lr;
	_ =	strace $0xD0000000  }
0x3: {  	_ = 	snop  }
0x4: {  	_ = 	snop  }
0x5: {  	_ = 	snop  }
0x6: {  	_ = 	snop  }
0x7: {  	_ = 	snop  }
__scs_overlays_trampoline_lowered:
0x8: {  	[smem:$0x3FA8] =	sst s0  }
0x9: {  	[smem:$0x3FA9] =	sst s1  }
0xa: {  	[smem:$0x3FAA] =	sst s2  }
0xb: {  	[smem:$0x3FAB] =	sst s3  }
0xc: {  	[smem:$0x3FAC] =	sst s4  }
0xd: {  	[smem:$0x3FAD] =	sst s5  }
0xe: {  	[smem:$0x3FAE] =	sst s6  }
0xf: {  	[smem:$0x3FAF] =	sst s7  }
0x10: {  	[smem:$0x3FB0] =	sst s8  }
0x11: {  	[smem:$0x3FB1] =	sst s9;
	s0 =	simm.s32 @!p0 $0x0  }
0x12: {  	s1 =	sld [smem:$0x3F97];
	s0 =	simm.s32 @p0 $0x1  }
0x13: {  	[smem:$0x3FB2] =	sst s0;
	s0 =	simm.s32 @!p1 $0x0  }
0x14: {  	s2 =	sld [smem:$0x3F96];
	s0 =	simm.s32 @p1 $0x1  }
0x15: {  	[smem:$0x3FB3] =	sst s0;
	s0 =	simm.s32 @!p2 $0x0  }
0x16: {  	s3 =	sld [smem:$0x3FDB];
	s0 =	simm.s32 @p2 $0x1  }
0x17: {  	s4 =	simm.s32 $0x1BF5;
	[smem:$0x3FB5] =	sst s0  }
0x18: {  	s0 =	sld [smem:$0x3F98];
	_ =	swait.ge [sflag:s4], $0x0  }
0x19: {  	s7 =	sld [smem:$0x3F99]  }
0x1a: {  	s8 =	sadd.s32 $0xFFFFE003, lr  }
0x1b: {  	s9 =	sadd.s32 $0xFFFFFEF7, lr;
	s5 =	simm.s32 $0xFFFFFFFF;
	p2 =	slt.u32 s8, $0xFFFFF086  }
0x1c: {  	p1 =	slt.u32 s9, $0xF7A;
	s5 =	simm.s32 @!p2 $0x0  }
0x1d: {  	s5 =	simm.s32 @p1 $0x1;
	p0 =	seq.s32 s7, s2  }
0x1e: {  	s7 =	smul.u32 @!p0 $0xF7A, s2;
	p2 =	seq.s32 @!p0 s5, $0x0  }
0x1f: {  	s9 =	smul.u32 $0xF7A, s1;
	s8 =	simm.s32 @!p0 $0x1BF5;
	p2 =	por !p2, p0  }
0x20: {  	[sflag:s8] =	ssyncset.s32 @!p0 $0xFFFFF086;
	s6 =	sadd.s32 @!p0 s3, s7;
	s7 =	simm.s32 @!p0 $0x108  }
0x21: {  	s3 =	sadd.s32 s3, s9;
	s6 =	sadd.s32 @!p0 $0x88, s6;
	s7 =	simm.s32 @p2 $0x1082  }
0x22: {  	[simem:s7], [sflag:s8] =	dma.local @!p0 [hbm:s6], $0xF7A  }
0x23: {  	s9 =	sor.u32 $0xD0000000, s2;
	s6 =	simm.s32 $0x108;
	_ =	swait.ge @!p0 [sflag:s8], $0x0  }
0x24: {  	s3 =	sadd.s32 $0x88, s3;
	s6 =	simm.s32 @!p1 $0x1082;
	[sflag:s4] =	ssyncset.s32 $0xFFFFF086  }
0x25: {  	[simem:s6], [sflag:s4] =	dma.local [hbm:s3], $0xF7A  }
0x26: {  	[smem:$0x3F99] =	sst s1;
	(tag) =	ssettag s2;
	_ =	strace s9  }
0x27: {  	s1 =	sld [smem:$0x3FA9]  }
0x28: {  	s2 =	sld [smem:$0x3FAA]  }
0x29: {  	s4 =	sld [smem:$0x3FAC]  }
0x2a: {  	p0 =	seq.s32 s5, $0x0;
	s5 =	sld [smem:$0x3FAD]  }
0x2b: {  	s6 =	sld [smem:$0x3FAE]  }
0x2c: {  	s7 =	sld [smem:$0x3FAF]  }
0x2d: {  	s3 =	simm.s32 $0x108;
	s8 =	sld [smem:$0x3FB0]  }
0x2e: {  	s3 =	simm.s32 @!p0 $0x1082;
	s9 =	sld [smem:$0x3FB1]  }
0x2f: {  	lr =	sadd.s32 s0, s3;
	s0 =	sld [smem:$0x3FA8]  }
0x30: {  	s3 =	sld [smem:$0x3FAB]  }
0x31: {  	[smem:$0x3FB4] =	sst s10  }
0x32: {  	s10 =	sld [smem:$0x3FB2];
	_ =	sdelay $0x3  }
0x33: {  	p0 =	seq.s32 s10, $0x1;
	s10 =	sld [smem:$0x3FB4];
	_ =	sdelay $0x3  }
0x34: {  	[smem:$0x3FB4] =	sst s10  }
0x35: {  	s10 =	sld [smem:$0x3FB3];
	_ =	sdelay $0x3  }
0x36: {  	p1 =	seq.s32 s10, $0x1;
	s10 =	sld [smem:$0x3FB4];
	_ =	sdelay $0x3  }
0x37: {  	[smem:$0x3FB4] =	sst s10  }
0x38: {  	s10 =	sld [smem:$0x3FB5]  }
0x39: {  	_ = 	snop;
	(pc) =	sbr.ind lr, $3  }
0x3a: {  	_ = 	snop  }
0x3b: {  	_ = 	snop  }
0x3c: {  	p2 =	seq.s32 s10, $0x1;
	s10 =	sld [smem:$0x3FB4]  }
0x3d: {  	_ =	shalt  }
0x3e: {  	_ =	shalt  }
0x3f: {  	_ =	shalt  }
0x40: {  	_ =	shalt  }
0x41: {  	_ =	shalt  }
0x42: {  	_ =	shalt  }
0x43: {  	_ =	shalt  }
0x44: {  	_ =	shalt  }
0x45: {  	_ =	shalt  }
0x46: {  	_ =	shalt  }
0x47: {  	_ =	shalt  }
0x48: {  	_ =	shalt  }
0x49: {  	_ =	shalt  }
0x4a: {  	_ =	shalt  }
0x4b: {  	_ =	shalt  }
0x4c: {  	_ =	shalt  }
0x4d: {  	_ =	shalt  }
0x4e: {  	_ =	shalt  }
0x4f: {  	_ =	shalt  }
0x50: {  	_ =	shalt  }
0x51: {  	_ =	shalt  }
0x52: {  	_ =	shalt  }
0x53: {  	_ =	shalt  }
0x54: {  	_ =	shalt  }
0x55: {  	_ =	shalt  }
0x56: {  	_ =	shalt  }
0x57: {  	_ =	shalt  }
0x58: {  	_ =	shalt  }
0x59: {  	_ =	shalt  }
0x5a: {  	_ =	shalt  }
0x5b: {  	_ =	shalt  }
0x5c: {  	_ =	shalt  }
0x5d: {  	_ =	shalt  }
0x5e: {  	_ =	shalt  }
0x5f: {  	_ =	shalt  }
0x60: {  	_ =	shalt  }
0x61: {  	_ =	shalt  }
0x62: {  	_ =	shalt  }
0x63: {  	_ =	shalt  }
0x64: {  	_ =	shalt  }
0x65: {  	_ =	shalt  }
0x66: {  	_ =	shalt  }
0x67: {  	_ =	shalt  }
0x68: {  	_ =	shalt  }
0x69: {  	_ =	shalt  }
0x6a: {  	_ =	shalt  }
0x6b: {  	_ =	shalt  }
0x6c: {  	_ =	shalt  }
0x6d: {  	_ =	shalt  }
0x6e: {  	_ =	shalt  }
0x6f: {  	_ =	shalt  }
0x70: {  	_ =	shalt  }
0x71: {  	_ =	shalt  }
0x72: {  	_ =	shalt  }
0x73: {  	_ =	shalt  }
0x74: {  	_ =	shalt  }
0x75: {  	_ =	shalt  }
0x76: {  	_ =	shalt  }
0x77: {  	_ =	shalt  }
0x78: {  	_ =	shalt  }
0x79: {  	_ =	shalt  }
0x7a: {  	_ =	shalt  }
0x7b: {  	_ =	shalt  }
0x7c: {  	_ =	shalt  }
0x7d: {  	_ =	shalt  }
0x7e: {  	_ =	shalt  }
0x7f: {  	_ =	shalt  }
0x80: {  	_ =	shalt  }
0x81: {  	_ =	shalt  }
0x82: {  	_ =	shalt  }
0x83: {  	_ =	shalt  }
0x84: {  	_ =	shalt  }
0x85: {  	_ =	shalt  }
0x86: {  	_ =	shalt  }
0x87: {  	_ =	shalt  }
.Lfunc_end0:
.L_simem_size_0:
called_computation.1_lowered:
.L_overlay_start_0:
0x88: {  	s2 =	sld [smem:$0x3FD9]  }
0x89: {  	s3 =	sld [smem:$0x3FFE];
	_ =	sdelay $0x1  }
0x8a: {  	s1 =	srdreg.scid  }
0x8b: {  	s0 =	sand.u32 $0x1, s1  }
0x8c: {  	s16 =	sshll.u32 s0, $0xA;
	s2 =	sadd.s32 s3, s2  }
0x8d: {  	s2 =	sadd.s32 s2, s16  }
0x8e: {  	[smem:$0x3FC0] =	sst s2  }
0x8f: {  	_ = 	snop  }
0x90: {  	(tm) =	ssettm $0x1  }
0x91: {  	s17 =	sld [smem:$0x3FFB];
	_ =	sdelay $0x3  }
0x92: {  	_ =	strace s17  }
0x93: {  	s2 =	sld [smem:$0x3FFC];
	_ =	sdelay $0x3  }
0x94: {  	_ =	strace s2  }
0x95: {  	s2 =	sld [smem:$0x3FFD];
	_ =	sdelay $0x3  }
0x96: {  	_ =	strace s2  }
0x97: {  	_ =	strace $0x8FFFFFFF  }
0x98: {  	s18 =	sld [smem:$0x3FDB];
	_ =	sdelay $0x1  }
0x99: {  	s19 =	simm.s32 $_scs_section_size  }
0x9a: {  	s4 =	simm.s32 $_size__tile_overlayer_lowered;
	s5 =	simm.s32 $_tile_overlayer_lowered  }
0x9b: {  	s22 =	simm.s32 $0x1BFF;
	s21 =	sshll.u32 s5, $0x1;
	s2 =	sadd.s32 s19, s18  }
0x9c: {  	s6 =	simm.s32 $0x0;
	s20 =	sshll.u32 s4, $0x1;
	s4 =	sadd.s32 s21, s2  }
0x9d: {  	[timem:s6], [sflag:s22] =	dma.local [hbm:s4], s20  }
0x9e: {  	_ =	swait.ge [sflag:s22], s20  }
0x9f: {  	s3 =	ssub.s32 $0x0, s20;
	[sflag:s22] =	ssyncset.done $0x0  }
0xa0: {  	[sflag:s22] =	ssyncadd.s32 s3;
	_ =	sdelay $0x1  }
0xa1: {  	s23 =	simm.s32 $0x1B8B  }
0xa2: {  	_ =	swait.ge [sflag:s23], $0x1  }
0xa3: {  	[sflag:s23] =	ssyncset.done $0x0  }
0xa4: {  	s25 =	simm.s32 $0x1B8E;
	s24 =	sld [smem:$0x3FFE];
	[sflag:s23] =	ssyncadd.s32 $0xFFFFFFFF  }
0xa5: {  	s26 =	simm.s32 $execute0_lowered;
	[smem:$0x3FD2] =	sst s25  }
0xa6: {  	s4 =	sshll.u32 s26, $0x1;
	_ =	strace $0x80000049;
	[dreg:$0x1] =	wrdreg $0xFFFFFFFF  }
0xa7: {  	s28 =	simm.s32 $_size_execute0_lowered;
	s2 =	sadd.s32 s2, s4;
	[dreg:$0x0] =	wrdreg $0x0  }
0xa8: {  	s4 =	sshll.u32 s28, $0x1;
	[dreg:$0x2] =	wrdreg s2  }
0xa9: {  	[dreg:$0x3] =	wrdreg s4  }
0xaa: {  	[dreg:$0x4] =	wrdreg $0xC0  }
0xab: {  	_ =	task [dreg:s6], $0x5FFFF  }
0xac: {  	[dreg:$0x1] =	wrdreg $0xFFFFFFFF  }
0xad: {  	[dreg:$0x0] =	wrdreg $0x60  }
0xae: {  	[dreg:$0x2] =	wrdreg s24  }
0xaf: {  	[dreg:$0x3] =	wrdreg $0x0  }
0xb0: {  	[dreg:$0x4] =	wrdreg $0x9  }
0xb1: {  	_ =	task.clear_ibuf [dreg:s6], $0x5FFFF;
	_ =	strace $0x90000049  }
0xb2: {  	s29 =	simm.s32 $0x9;
	_ =	strace $0x8000004B  }
0xb3: {  	_ =	swait.ge [sflag:s29], $0x1  }
0xb4: {  	[sflag:s29] =	ssyncadd.s32 $0xFFFFFFFF  }
0xb5: {  	_ =	strace $0x9000004B  }
0xb6: {  	_ =	sfence  }
0xb7: {  	s30 =	sld [smem:$0x0];
	_ =	sdelay $0x2  }
0xb8: {  	s31 =	sshll.u32 s1, $0xD;
	s1 =	sshrl.u32 s1, $0x2  }
0xb9: {  	s3 =	sand.u32 $0x4000, s31;
	s1 =	sadd.s32 s1, s30  }
0xba: {  	s0 =	sor.u32 s3, s0;
	s1 =	sshll.u32 s1, $0x11  }
0xbb: {  	s0 =	sor.u32 s1, s0  }
0xbc: {  	s0 =	sadd.s32 $0x8F2B, s0  }
0xbd: {  	[sflag:s0] =	ssyncadd.remote.s32 $0x1  }
0xbe: {  	_ =	sfence.sel $0xFFFF  }
0xbf: {  	[dreg:$0x0] =	wrdreg $0xFFFFFFFF;
	(pc) =	sbr.abs _section_cstart, $3  }
0xc0: {  	[dreg:$0x1] =	wrdreg $0xFFFFFFFF  }
0xc1: {  	_ =	task.clear_ibuf [dreg:s6], $0x2FFFF;
	_ =	strace $0x9FFFFFFF  }
0xc2: {  	(tm) =	ssettm $0x7FFFFFFF  }
0xc3: {  	_ =	shalt  }
tec
execute0_lowered:
.L_overlay_start_1:
0x0: {  	(tag) =	ssettag $0x1  }
0x1: {  	s0 =	srdreg.scid;
	s5 =	rddreg [dreg:$0x0]  }
0x2: {  	s9 =	stileid.u32;
	s2 =	rddreg [dreg:$0x1]  }
0x3: {  	s12 =	simm.s32 $0x14080;
	s14 =	simm.s32 $0x14880;
	s15 =	simm.s32 $0x14100  }
0x4: {  	s16 =	simm.s32 $0x14180;
	s17 =	simm.s32 $0x14900;
	s0 =	sand.u32 $0x1, s0  }
0x5: {  	s18 =	simm.s32 $0x14980;
	s19 =	simm.s32 $0x14200;
	s1 =	sshll.u32 s0, $0x4  }
0x6: {  	s20 =	simm.s32 $0x14280;
	s21 =	simm.s32 $0x14A00;
	s1 =	sor.u32 s9, s1  }
0x7: {  	s22 =	simm.s32 $0x14A80;
	s23 =	simm.s32 $0x14300;
	s3 =	sshrl.u32 s1, $0x3  }
0x8: {  	s24 =	simm.s32 $0x14380;
	s4 =	smul.u32 $0x14000, s3;
	s3 =	simm.s32 $0x0  }
0x9: {  	s25 =	simm.s32 $0x14B00;
	s7 =	sadd.s32 $0x90600, s5;
	[smem:$0x7FF] =	sst s3  }
0xa: {  	s0 =	ssub.s32 $0x2, s0;
	_ =	strace $0x8000004A;
	[dreg:$0x14] =	wrdreg s7  }
0xb: {  	s28 =	simm.s32 $0x14600;
	s26 =	sshrl.u32 s0, $0x1;
	[dreg:$0x5] =	wrdreg s12  }
0xc: {  	s29 =	simm.s32 $0x14680;
	s0 =	ssub.s32 s0, s26;
	[dreg:$0x6] =	wrdreg s14  }
0xd: {  	s30 =	simm.s32 $0x14E00;
	s0 =	smax.u32 s0, $0x1;
	[dreg:$0x7] =	wrdreg s15  }
0xe: {  	s31 =	simm.s32 $0x14E80;
	s8 =	smul.u32 $0x50000, s9;
	[dreg:$0x17] =	wrdreg s0  }
0xf: {  	s6 =	sshll.u32 s9, $0x7;
	s13 =	sshll.u32 s9, $0x6;
	[dreg:$0x8] =	wrdreg s16  }
0x10: {  	s6 =	sand.u32 $0x380, s6;
	s8 =	sshrl.u32 s8, $0x2;
	[dreg:$0x9] =	wrdreg s17  }
0x11: {  	s1 =	smul.u32 $0x2800, s1;
	s11 =	sadd.s32 s8, s2;
	[dreg:$0xa] =	wrdreg s18  }
0x12: {  	s8 =	sor.u32 $0x1C03, s13;
	s13 =	simm.s32 $0x14000;
	[dreg:$0xb] =	wrdreg s19  }
0x13: {  	s26 =	simm.s32 $0x14B80;
	s9 =	sshrl.u32 s11, $0x3;
	[dreg:$0xc] =	wrdreg s20  }
0x14: {  	s11 =	simm.s32 $0x80;
	s1 =	sadd.s32 s1, s5;
	[dreg:$0xd] =	wrdreg s21  }
0x15: {  	s6 =	sor.u32 s6, s4;
	s4 =	sadd.s32 $0x68600, s5;
	[dreg:$0xe] =	wrdreg s22  }
0x16: {  	s1 =	sadd.s32 $0x92E00, s1;
	s12 =	simm.s32 $0x400;
	[dreg:$0xf] =	wrdreg s23  }
0x17: {  	s14 =	simm.s32 $0x14800;
	s15 =	simm.s32 $0x15000;
	[dreg:$0x10] =	wrdreg s24  }
0x18: {  	s16 =	simm.s32 $0x19000;
	s17 =	simm.s32 $0x1;
	[dreg:$0x11] =	wrdreg s25  }
0x19: {  	s18 =	simm.s32 $0x2;
	[dreg:$0x12] =	wrdreg s26;
	s19 =	simm.s32 $0x14400  }
0x1a: {  	s20 =	simm.s32 $0x14480;
	s21 =	simm.s32 $0x14C00;
	s22 =	simm.s32 $0x14C80  }
0x1b: {  	s23 =	simm.s32 $0x14500;
	s24 =	simm.s32 $0x14580;
	s25 =	simm.s32 $0x14D00  }
0x1c: {  	s26 =	simm.s32 $0x14D80;
	[dreg:$0x15] =	wrdreg s8;
	s6 =	sshrl.u32 s6, $0x3  }
0x1d: {  	s0 =	simm.s32 $0x14780;
	[dreg:$0x18] =	wrdreg s9;
	s6 =	sadd.s32 s6, s5  }
0x1e: {  	[dreg:$0x16] =	wrdreg s1;
	s1 =	simm.s32 $0x14700;
	s7 =	sadd.s32 $0x5E600, s6  }
0x1f: {  	s5 =	simm.s32 $0x14F00;
	s10 =	sadd.s32 $0x3E00, s6;
	[dreg:$0x3] =	wrdreg s7  }
0x20: {  	[dreg:$0x4] =	wrdreg s10;
	s10 =	simm.s32 $0x3;
	s7 =	simm.s32 $0x14F80  }
.LBB2_1:
0x21: {  	[dreg:$0x13] =	wrdreg s3  }
0x22: {  	s6 =	rddreg [dreg:$0x14]  }
0x23: {  	[spmem:s9], [sflag:s8] =	dma.local [hbm:s6], $0x2800  }
0x24: {  	_ =	swait.ge [sflag:s10], $0x2800  }
0x25: {  	[sflag:s10] =	ssyncset.done $0x0  }
0x26: {  	[sflag:s10] =	ssyncadd.s32 $0xFFFFD800  }
0x27: {  	[bflag:$0x0] =	sbarrier.arrive $0xFFFF  }
0x28: {  	s6 =	rddreg [dreg:$0x3]  }
0x29: {  	s6 =	sadd.s32 $0x0, s6  }
0x2a: {  	[tilespmem:s13], [sflag:$0x3] =	stream.strided.gather [hbm4b:s6+s11], $0x800, s12, s11, $0x38;
	[tilespmem:$0x1D000] =	vst v63  }
0x2b: {  	_ =	swait.ge [sflag:s10], $0x800  }
0x2c: {  	s9 =	rddreg [dreg:$0x4];
	[sflag:s10] =	ssyncset.done $0x0  }
0x2d: {  	[sflag:s10] =	ssyncadd.s32 $0xFFFFF800;
	s6 =	sadd.s32 $0x0, s9  }
0x2e: {  	[tilespmem:s14], [sflag:$0x3] =	stream.strided.gather [hbm4b:s6+s11], $0x800, s12, s11, $0x38;
	[tilespmem:$0x1D000] =	vst v63  }
0x2f: {  	_ =	swait.ge [sflag:s10], $0x800  }
0x30: {  	[sflag:s10] =	ssyncset.done $0x0  }
0x31: {  	[sflag:s10] =	ssyncadd.s32 $0xFFFFF800  }
0x32: {  	[tilespmem:s15], [sflag:$0x1] =	stream.indirect.gather [hbm4b:s4+s11], $0x80, s13, s11, $0xb8;
	[tilespmem:$0x1D000] =	vst v63  }
0x33: {  	s3 =	rddreg [dreg:$0x5]  }
0x34: {  	[tilespmem:s16], [sflag:$0x2] =	stream.indirect.gather [hbm4b:s4+s11], $0x80, s3, s11, $0xb8;
	[tilespmem:$0x1D000] =	vst v63  }
0x35: {  	_ =	swait.ge [sflag:s17], $0x4000  }
0x36: {  	[sflag:s17] =	ssyncset.done $0x0  }
0x37: {  	[sflag:s17] =	ssyncadd.s32 $0xFFFFC000  }
0x38: {  	[spmem:s2] =	stream.indirect.scatter.add.f32 [tilespmem:s15], [sflag:$0x3], $0x80, s14, s11, $0xb8;
	[tilespmem:$0x1D000] =	vst v63  }
0x39: {  	_ =	swait.ge [sflag:s10], $0x4000  }
0x3a: {  	[sflag:s10] =	ssyncset.done $0x0  }
0x3b: {  	[sflag:s10] =	ssyncadd.s32 $0xFFFFC000  }
0x3c: {  	_ =	swait.ge [sflag:s18], $0x4000  }
0x3d: {  	[sflag:s18] =	ssyncset.done $0x0  }
0x3e: {  	s8 =	rddreg [dreg:$0x6];
	[sflag:s18] =	ssyncadd.s32 $0xFFFFC000  }
0x3f: {  	[spmem:s2] =	stream.indirect.scatter.add.f32 [tilespmem:s16], [sflag:$0x3], $0x80, s8, s11, $0xb8;
	[tilespmem:$0x1D000] =	vst v63  }
0x40: {  	_ =	swait.ge [sflag:s10], $0x4000  }
0x41: {  	[sflag:s10] =	ssyncset.done $0x0  }
0x42: {  	s9 =	rddreg [dreg:$0x7];
	[sflag:s10] =	ssyncadd.s32 $0xFFFFC000  }
0x43: {  	[tilespmem:s15], [sflag:$0x1] =	stream.indirect.gather [hbm4b:s4+s11], $0x80, s9, s11, $0xb8;
	[tilespmem:$0x1D000] =	vst v63  }
0x44: {  	s3 =	rddreg [dreg:$0x8]  }
0x45: {  	[tilespmem:s16], [sflag:$0x2] =	stream.indirect.gather [hbm4b:s4+s11], $0x80, s3, s11, $0xb8;
	[tilespmem:$0x1D000] =	vst v63  }
0x46: {  	_ =	swait.ge [sflag:s17], $0x4000  }
0x47: {  	[sflag:s17] =	ssyncset.done $0x0  }
0x48: {  	s9 =	rddreg [dreg:$0x9];
	[sflag:s17] =	ssyncadd.s32 $0xFFFFC000  }
0x49: {  	[spmem:s2] =	stream.indirect.scatter.add.f32 [tilespmem:s15], [sflag:$0x3], $0x80, s9, s11, $0xb8;
	[tilespmem:$0x1D000] =	vst v63  }
0x4a: {  	_ =	swait.ge [sflag:s10], $0x4000  }
0x4b: {  	[sflag:s10] =	ssyncset.done $0x0  }
0x4c: {  	[sflag:s10] =	ssyncadd.s32 $0xFFFFC000  }
0x4d: {  	_ =	swait.ge [sflag:s18], $0x4000  }
0x4e: {  	[sflag:s18] =	ssyncset.done $0x0  }
0x4f: {  	s3 =	rddreg [dreg:$0xa];
	[sflag:s18] =	ssyncadd.s32 $0xFFFFC000  }
0x50: {  	[spmem:s2] =	stream.indirect.scatter.add.f32 [tilespmem:s16], [sflag:$0x3], $0x80, s3, s11, $0xb8;
	[tilespmem:$0x1D000] =	vst v63  }
0x51: {  	_ =	swait.ge [sflag:s10], $0x4000  }
0x52: {  	[sflag:s10] =	ssyncset.done $0x0  }
0x53: {  	s8 =	rddreg [dreg:$0xb];
	[sflag:s10] =	ssyncadd.s32 $0xFFFFC000  }
0x54: {  	[tilespmem:s15], [sflag:$0x1] =	stream.indirect.gather [hbm4b:s4+s11], $0x80, s8, s11, $0xb8;
	[tilespmem:$0x1D000] =	vst v63  }
0x55: {  	s9 =	rddreg [dreg:$0xc]  }
0x56: {  	[tilespmem:s16], [sflag:$0x2] =	stream.indirect.gather [hbm4b:s4+s11], $0x80, s9, s11, $0xb8;
	[tilespmem:$0x1D000] =	vst v63  }
0x57: {  	_ =	swait.ge [sflag:s17], $0x4000  }
0x58: {  	[sflag:s17] =	ssyncset.done $0x0  }
0x59: {  	s3 =	rddreg [dreg:$0xd];
	[sflag:s17] =	ssyncadd.s32 $0xFFFFC000  }
0x5a: {  	[spmem:s2] =	stream.indirect.scatter.add.f32 [tilespmem:s15], [sflag:$0x3], $0x80, s3, s11, $0xb8;
	[tilespmem:$0x1D000] =	vst v63  }
0x5b: {  	_ =	swait.ge [sflag:s10], $0x4000  }
0x5c: {  	[sflag:s10] =	ssyncset.done $0x0  }
0x5d: {  	[sflag:s10] =	ssyncadd.s32 $0xFFFFC000  }
0x5e: {  	_ =	swait.ge [sflag:s18], $0x4000  }
0x5f: {  	[sflag:s18] =	ssyncset.done $0x0  }
0x60: {  	s8 =	rddreg [dreg:$0xe];
	[sflag:s18] =	ssyncadd.s32 $0xFFFFC000  }
0x61: {  	[spmem:s2] =	stream.indirect.scatter.add.f32 [tilespmem:s16], [sflag:$0x3], $0x80, s8, s11, $0xb8;
	[tilespmem:$0x1D000] =	vst v63  }
0x62: {  	_ =	swait.ge [sflag:s10], $0x4000  }
0x63: {  	[sflag:s10] =	ssyncset.done $0x0  }
0x64: {  	s9 =	rddreg [dreg:$0xf];
	[sflag:s10] =	ssyncadd.s32 $0xFFFFC000  }
0x65: {  	[tilespmem:s15], [sflag:$0x1] =	stream.indirect.gather [hbm4b:s4+s11], $0x80, s9, s11, $0xb8;
	[tilespmem:$0x1D000] =	vst v63  }
0x66: {  	s3 =	rddreg [dreg:$0x10]  }
0x67: {  	[tilespmem:s16], [sflag:$0x2] =	stream.indirect.gather [hbm4b:s4+s11], $0x80, s3, s11, $0xb8;
	[tilespmem:$0x1D000] =	vst v63  }
0x68: {  	_ =	swait.ge [sflag:s17], $0x4000  }
0x69: {  	[sflag:s17] =	ssyncset.done $0x0  }
0x6a: {  	s8 =	rddreg [dreg:$0x11];
	[sflag:s17] =	ssyncadd.s32 $0xFFFFC000  }
0x6b: {  	[spmem:s2] =	stream.indirect.scatter.add.f32 [tilespmem:s15], [sflag:$0x3], $0x80, s8, s11, $0xb8;
	[tilespmem:$0x1D000] =	vst v63  }
0x6c: {  	_ =	swait.ge [sflag:s10], $0x4000  }
0x6d: {  	[sflag:s10] =	ssyncset.done $0x0  }
0x6e: {  	[sflag:s10] =	ssyncadd.s32 $0xFFFFC000  }
0x6f: {  	_ =	swait.ge [sflag:s18], $0x4000  }
0x70: {  	[sflag:s18] =	ssyncset.done $0x0  }
0x71: {  	s9 =	rddreg [dreg:$0x12];
	[sflag:s18] =	ssyncadd.s32 $0xFFFFC000  }
0x72: {  	[spmem:s2] =	stream.indirect.scatter.add.f32 [tilespmem:s16], [sflag:$0x3], $0x80, s9, s11, $0xb8;
	[tilespmem:$0x1D000] =	vst v63  }
0x73: {  	_ =	swait.ge [sflag:s10], $0x4000  }
0x74: {  	[sflag:s10] =	ssyncset.done $0x0  }
0x75: {  	[sflag:s10] =	ssyncadd.s32 $0xFFFFC000  }
0x76: {  	[tilespmem:s15], [sflag:$0x1] =	stream.indirect.gather [hbm4b:s4+s11], $0x80, s19, s11, $0xb8;
	[tilespmem:$0x1D000] =	vst v63  }
0x77: {  	_ = 	snop  }
0x78: {  	[tilespmem:s16], [sflag:$0x2] =	stream.indirect.gather [hbm4b:s4+s11], $0x80, s20, s11, $0xb8;
	[tilespmem:$0x1D000] =	vst v63  }
0x79: {  	_ =	swait.ge [sflag:s17], $0x4000  }
0x7a: {  	[sflag:s17] =	ssyncset.done $0x0  }
0x7b: {  	[sflag:s17] =	ssyncadd.s32 $0xFFFFC000  }
0x7c: {  	[spmem:s2] =	stream.indirect.scatter.add.f32 [tilespmem:s15], [sflag:$0x3], $0x80, s21, s11, $0xb8;
	[tilespmem:$0x1D000] =	vst v63  }
0x7d: {  	_ =	swait.ge [sflag:s10], $0x4000  }
0x7e: {  	[sflag:s10] =	ssyncset.done $0x0  }
0x7f: {  	[sflag:s10] =	ssyncadd.s32 $0xFFFFC000  }
0x80: {  	_ =	swait.ge [sflag:s18], $0x4000  }
0x81: {  	[sflag:s18] =	ssyncset.done $0x0  }
0x82: {  	[sflag:s18] =	ssyncadd.s32 $0xFFFFC000  }
0x83: {  	[spmem:s2] =	stream.indirect.scatter.add.f32 [tilespmem:s16], [sflag:$0x3], $0x80, s22, s11, $0xb8;
	[tilespmem:$0x1D000] =	vst v63  }
0x84: {  	_ =	swait.ge [sflag:s10], $0x4000  }
0x85: {  	[sflag:s10] =	ssyncset.done $0x0  }
0x86: {  	[sflag:s10] =	ssyncadd.s32 $0xFFFFC000  }
0x87: {  	[tilespmem:s15], [sflag:$0x1] =	stream.indirect.gather [hbm4b:s4+s11], $0x80, s23, s11, $0xb8;
	[tilespmem:$0x1D000] =	vst v63  }
0x88: {  	_ = 	snop  }
0x89: {  	[tilespmem:s16], [sflag:$0x2] =	stream.indirect.gather [hbm4b:s4+s11], $0x80, s24, s11, $0xb8;
	[tilespmem:$0x1D000] =	vst v63  }
0x8a: {  	_ =	swait.ge [sflag:s17], $0x4000  }
0x8b: {  	[sflag:s17] =	ssyncset.done $0x0  }
0x8c: {  	[sflag:s17] =	ssyncadd.s32 $0xFFFFC000  }
0x8d: {  	[spmem:s2] =	stream.indirect.scatter.add.f32 [tilespmem:s15], [sflag:$0x3], $0x80, s25, s11, $0xb8;
	[tilespmem:$0x1D000] =	vst v63  }
0x8e: {  	_ =	swait.ge [sflag:s10], $0x4000  }
0x8f: {  	[sflag:s10] =	ssyncset.done $0x0  }
0x90: {  	[sflag:s10] =	ssyncadd.s32 $0xFFFFC000  }
0x91: {  	_ =	swait.ge [sflag:s18], $0x4000  }
0x92: {  	[sflag:s18] =	ssyncset.done $0x0  }
0x93: {  	[sflag:s18] =	ssyncadd.s32 $0xFFFFC000  }
0x94: {  	[spmem:s2] =	stream.indirect.scatter.add.f32 [tilespmem:s16], [sflag:$0x3], $0x80, s26, s11, $0xb8;
	[tilespmem:$0x1D000] =	vst v63  }
0x95: {  	_ =	swait.ge [sflag:s10], $0x4000  }
0x96: {  	[sflag:s10] =	ssyncset.done $0x0  }
0x97: {  	[sflag:s10] =	ssyncadd.s32 $0xFFFFC000  }
0x98: {  	[tilespmem:s15], [sflag:$0x1] =	stream.indirect.gather [hbm4b:s4+s11], $0x80, s28, s11, $0xb8;
	[tilespmem:$0x1D000] =	vst v63  }
0x99: {  	_ = 	snop  }
0x9a: {  	[tilespmem:s16], [sflag:$0x2] =	stream.indirect.gather [hbm4b:s4+s11], $0x80, s29, s11, $0xb8;
	[tilespmem:$0x1D000] =	vst v63  }
0x9b: {  	_ =	swait.ge [sflag:s17], $0x4000  }
0x9c: {  	[sflag:s17] =	ssyncset.done $0x0  }
0x9d: {  	[sflag:s17] =	ssyncadd.s32 $0xFFFFC000  }
0x9e: {  	[spmem:s2] =	stream.indirect.scatter.add.f32 [tilespmem:s15], [sflag:$0x3], $0x80, s30, s11, $0xb8;
	[tilespmem:$0x1D000] =	vst v63  }
0x9f: {  	_ =	swait.ge [sflag:s10], $0x4000  }
0xa0: {  	[sflag:s10] =	ssyncset.done $0x0  }
0xa1: {  	[sflag:s10] =	ssyncadd.s32 $0xFFFFC000  }
0xa2: {  	_ =	swait.ge [sflag:s18], $0x4000  }
0xa3: {  	[sflag:s18] =	ssyncset.done $0x0  }
0xa4: {  	[sflag:s18] =	ssyncadd.s32 $0xFFFFC000  }
0xa5: {  	[spmem:s2] =	stream.indirect.scatter.add.f32 [tilespmem:s16], [sflag:$0x3], $0x80, s31, s11, $0xb8;
	[tilespmem:$0x1D000] =	vst v63  }
0xa6: {  	_ =	swait.ge [sflag:s10], $0x4000  }
0xa7: {  	[sflag:s10] =	ssyncset.done $0x0  }
0xa8: {  	[sflag:s10] =	ssyncadd.s32 $0xFFFFC000  }
0xa9: {  	[tilespmem:s15], [sflag:$0x1] =	stream.indirect.gather [hbm4b:s4+s11], $0x80, s1, s11, $0xb8;
	[tilespmem:$0x1D000] =	vst v63  }
0xaa: {  	_ = 	snop  }
0xab: {  	[tilespmem:s16], [sflag:$0x2] =	stream.indirect.gather [hbm4b:s4+s11], $0x80, s0, s11, $0xb8;
	[tilespmem:$0x1D000] =	vst v63  }
0xac: {  	_ =	swait.ge [sflag:s17], $0x4000  }
0xad: {  	[sflag:s17] =	ssyncset.done $0x0  }
0xae: {  	[sflag:s17] =	ssyncadd.s32 $0xFFFFC000  }
0xaf: {  	[spmem:s2] =	stream.indirect.scatter.add.f32 [tilespmem:s15], [sflag:$0x3], $0x80, s5, s11, $0xb8;
	[tilespmem:$0x1D000] =	vst v63  }
0xb0: {  	_ =	swait.ge [sflag:s10], $0x4000  }
0xb1: {  	[sflag:s10] =	ssyncset.done $0x0  }
0xb2: {  	[sflag:s10] =	ssyncadd.s32 $0xFFFFC000  }
0xb3: {  	_ =	swait.ge [sflag:s18], $0x4000  }
0xb4: {  	[sflag:s18] =	ssyncset.done $0x0  }
0xb5: {  	[sflag:s18] =	ssyncadd.s32 $0xFFFFC000  }
0xb6: {  	[spmem:s2] =	stream.indirect.scatter.add.f32 [tilespmem:s16], [sflag:$0x3], $0x80, s7, s11, $0xb8;
	[tilespmem:$0x1D000] =	vst v63  }
0xb7: {  	s6 =	simm.s32 $0x1000;
	_ =	swait.ge [sflag:s10], $0x4000  }
0xb8: {  	s8 =	simm.s32 $0x800;
	s9 =	rddreg [dreg:$0x3];
	[sflag:s10] =	ssyncset.done $0x0  }
.LBB2_2:
0xb9: {  	[sflag:s10] =	ssyncadd.s32 $0xFFFFC000;
	s9 =	sadd.s32 s8, s9  }
0xba: {  	[tilespmem:s13], [sflag:$0x3] =	stream.strided.gather [hbm4b:s9+s11], $0x800, s12, s11, $0x38;
	[tilespmem:$0x1D000] =	vst v63  }
0xbb: {  	_ =	swait.ge [sflag:s10], $0x800  }
0xbc: {  	s9 =	rddreg [dreg:$0x4];
	[sflag:s10] =	ssyncset.done $0x0  }
0xbd: {  	[sflag:s10] =	ssyncadd.s32 $0xFFFFF800;
	s9 =	sadd.s32 s8, s9  }
0xbe: {  	[tilespmem:s14], [sflag:$0x3] =	stream.strided.gather [hbm4b:s9+s11], $0x800, s12, s11, $0x38;
	[tilespmem:$0x1D000] =	vst v63  }
0xbf: {  	_ =	swait.ge [sflag:s10], $0x800  }
0xc0: {  	[sflag:s10] =	ssyncset.done $0x0  }
0xc1: {  	[sflag:s10] =	ssyncadd.s32 $0xFFFFF800  }
0xc2: {  	[tilespmem:s15], [sflag:$0x1] =	stream.indirect.gather [hbm4b:s4+s11], $0x80, s13, s11, $0xb8;
	[tilespmem:$0x1D000] =	vst v63  }
0xc3: {  	s9 =	rddreg [dreg:$0x5]  }
0xc4: {  	[tilespmem:s16], [sflag:$0x2] =	stream.indirect.gather [hbm4b:s4+s11], $0x80, s9, s11, $0xb8;
	[tilespmem:$0x1D000] =	vst v63  }
0xc5: {  	_ =	swait.ge [sflag:s17], $0x4000  }
0xc6: {  	[sflag:s17] =	ssyncset.done $0x0  }
0xc7: {  	[sflag:s17] =	ssyncadd.s32 $0xFFFFC000  }
0xc8: {  	[spmem:s2] =	stream.indirect.scatter.add.f32 [tilespmem:s15], [sflag:$0x3], $0x80, s14, s11, $0xb8;
	[tilespmem:$0x1D000] =	vst v63  }
0xc9: {  	_ =	swait.ge [sflag:s10], $0x4000  }
0xca: {  	[sflag:s10] =	ssyncset.done $0x0  }
0xcb: {  	[sflag:s10] =	ssyncadd.s32 $0xFFFFC000  }
0xcc: {  	_ =	swait.ge [sflag:s18], $0x4000  }
0xcd: {  	[sflag:s18] =	ssyncset.done $0x0  }
0xce: {  	s9 =	rddreg [dreg:$0x6];
	[sflag:s18] =	ssyncadd.s32 $0xFFFFC000  }
0xcf: {  	[spmem:s2] =	stream.indirect.scatter.add.f32 [tilespmem:s16], [sflag:$0x3], $0x80, s9, s11, $0xb8;
	[tilespmem:$0x1D000] =	vst v63  }
0xd0: {  	_ =	swait.ge [sflag:s10], $0x4000  }
0xd1: {  	s3 =	smov.u32 s6;
	[sflag:s10] =	ssyncset.done $0x0  }
0xd2: {  	s8 =	smov.u32 s3;
	s3 =	rddreg [dreg:$0x7];
	[sflag:s10] =	ssyncadd.s32 $0xFFFFC000  }
0xd3: {  	[tilespmem:s15], [sflag:$0x1] =	stream.indirect.gather [hbm4b:s4+s11], $0x80, s3, s11, $0xb8;
	[tilespmem:$0x1D000] =	vst v63  }
0xd4: {  	s9 =	rddreg [dreg:$0x8]  }
0xd5: {  	[tilespmem:s16], [sflag:$0x2] =	stream.indirect.gather [hbm4b:s4+s11], $0x80, s9, s11, $0xb8;
	[tilespmem:$0x1D000] =	vst v63  }
0xd6: {  	_ =	swait.ge [sflag:s17], $0x4000  }
0xd7: {  	[sflag:s17] =	ssyncset.done $0x0  }
0xd8: {  	s9 =	rddreg [dreg:$0x9];
	[sflag:s17] =	ssyncadd.s32 $0xFFFFC000  }
0xd9: {  	[spmem:s2] =	stream.indirect.scatter.add.f32 [tilespmem:s15], [sflag:$0x3], $0x80, s9, s11, $0xb8;
	[tilespmem:$0x1D000] =	vst v63  }
0xda: {  	_ =	swait.ge [sflag:s10], $0x4000  }
0xdb: {  	[sflag:s10] =	ssyncset.done $0x0  }
0xdc: {  	[sflag:s10] =	ssyncadd.s32 $0xFFFFC000  }
0xdd: {  	_ =	swait.ge [sflag:s18], $0x4000  }
0xde: {  	[sflag:s18] =	ssyncset.done $0x0  }
0xdf: {  	s9 =	rddreg [dreg:$0xa];
	[sflag:s18] =	ssyncadd.s32 $0xFFFFC000  }
0xe0: {  	[spmem:s2] =	stream.indirect.scatter.add.f32 [tilespmem:s16], [sflag:$0x3], $0x80, s9, s11, $0xb8;
	[tilespmem:$0x1D000] =	vst v63  }
0xe1: {  	_ =	swait.ge [sflag:s10], $0x4000  }
0xe2: {  	[sflag:s10] =	ssyncset.done $0x0  }
0xe3: {  	s3 =	rddreg [dreg:$0xb];
	[sflag:s10] =	ssyncadd.s32 $0xFFFFC000  }
0xe4: {  	[tilespmem:s15], [sflag:$0x1] =	stream.indirect.gather [hbm4b:s4+s11], $0x80, s3, s11, $0xb8;
	[tilespmem:$0x1D000] =	vst v63  }
0xe5: {  	s9 =	rddreg [dreg:$0xc]  }
0xe6: {  	[tilespmem:s16], [sflag:$0x2] =	stream.indirect.gather [hbm4b:s4+s11], $0x80, s9, s11, $0xb8;
	[tilespmem:$0x1D000] =	vst v63  }
0xe7: {  	_ =	swait.ge [sflag:s17], $0x4000  }
0xe8: {  	[sflag:s17] =	ssyncset.done $0x0  }
0xe9: {  	s9 =	rddreg [dreg:$0xd];
	[sflag:s17] =	ssyncadd.s32 $0xFFFFC000  }
0xea: {  	[spmem:s2] =	stream.indirect.scatter.add.f32 [tilespmem:s15], [sflag:$0x3], $0x80, s9, s11, $0xb8;
	[tilespmem:$0x1D000] =	vst v63  }
0xeb: {  	_ =	swait.ge [sflag:s10], $0x4000  }
0xec: {  	[sflag:s10] =	ssyncset.done $0x0  }
0xed: {  	[sflag:s10] =	ssyncadd.s32 $0xFFFFC000  }
0xee: {  	_ =	swait.ge [sflag:s18], $0x4000  }
0xef: {  	[sflag:s18] =	ssyncset.done $0x0  }
0xf0: {  	s9 =	rddreg [dreg:$0xe];
	[sflag:s18] =	ssyncadd.s32 $0xFFFFC000  }
0xf1: {  	[spmem:s2] =	stream.indirect.scatter.add.f32 [tilespmem:s16], [sflag:$0x3], $0x80, s9, s11, $0xb8;
	[tilespmem:$0x1D000] =	vst v63  }
0xf2: {  	_ =	swait.ge [sflag:s10], $0x4000  }
0xf3: {  	[sflag:s10] =	ssyncset.done $0x0  }
0xf4: {  	s3 =	rddreg [dreg:$0xf];
	[sflag:s10] =	ssyncadd.s32 $0xFFFFC000  }
0xf5: {  	[tilespmem:s15], [sflag:$0x1] =	stream.indirect.gather [hbm4b:s4+s11], $0x80, s3, s11, $0xb8;
	[tilespmem:$0x1D000] =	vst v63  }
0xf6: {  	s9 =	rddreg [dreg:$0x10]  }
0xf7: {  	[tilespmem:s16], [sflag:$0x2] =	stream.indirect.gather [hbm4b:s4+s11], $0x80, s9, s11, $0xb8;
	[tilespmem:$0x1D000] =	vst v63  }
0xf8: {  	_ =	swait.ge [sflag:s17], $0x4000  }
0xf9: {  	[sflag:s17] =	ssyncset.done $0x0  }
0xfa: {  	s9 =	rddreg [dreg:$0x11];
	[sflag:s17] =	ssyncadd.s32 $0xFFFFC000  }
0xfb: {  	[spmem:s2] =	stream.indirect.scatter.add.f32 [tilespmem:s15], [sflag:$0x3], $0x80, s9, s11, $0xb8;
	[tilespmem:$0x1D000] =	vst v63  }
0xfc: {  	_ =	swait.ge [sflag:s10], $0x4000  }
0xfd: {  	[sflag:s10] =	ssyncset.done $0x0  }
0xfe: {  	[sflag:s10] =	ssyncadd.s32 $0xFFFFC000  }
0xff: {  	_ =	swait.ge [sflag:s18], $0x4000  }
0x100: {  	[sflag:s18] =	ssyncset.done $0x0  }
0x101: {  	s9 =	rddreg [dreg:$0x12];
	[sflag:s18] =	ssyncadd.s32 $0xFFFFC000  }
0x102: {  	[spmem:s2] =	stream.indirect.scatter.add.f32 [tilespmem:s16], [sflag:$0x3], $0x80, s9, s11, $0xb8;
	[tilespmem:$0x1D000] =	vst v63  }
0x103: {  	_ =	swait.ge [sflag:s10], $0x4000  }
0x104: {  	[sflag:s10] =	ssyncset.done $0x0  }
0x105: {  	[sflag:s10] =	ssyncadd.s32 $0xFFFFC000  }
0x106: {  	[tilespmem:s15], [sflag:$0x1] =	stream.indirect.gather [hbm4b:s4+s11], $0x80, s19, s11, $0xb8;
	[tilespmem:$0x1D000] =	vst v63  }
0x107: {  	_ = 	snop  }
0x108: {  	[tilespmem:s16], [sflag:$0x2] =	stream.indirect.gather [hbm4b:s4+s11], $0x80, s20, s11, $0xb8;
	[tilespmem:$0x1D000] =	vst v63  }
0x109: {  	_ =	swait.ge [sflag:s17], $0x4000  }
0x10a: {  	[sflag:s17] =	ssyncset.done $0x0  }
0x10b: {  	[sflag:s17] =	ssyncadd.s32 $0xFFFFC000  }
0x10c: {  	[spmem:s2] =	stream.indirect.scatter.add.f32 [tilespmem:s15], [sflag:$0x3], $0x80, s21, s11, $0xb8;
	[tilespmem:$0x1D000] =	vst v63  }
0x10d: {  	_ =	swait.ge [sflag:s10], $0x4000  }
0x10e: {  	[sflag:s10] =	ssyncset.done $0x0  }
0x10f: {  	[sflag:s10] =	ssyncadd.s32 $0xFFFFC000  }
0x110: {  	_ =	swait.ge [sflag:s18], $0x4000  }
0x111: {  	[sflag:s18] =	ssyncset.done $0x0  }
0x112: {  	[sflag:s18] =	ssyncadd.s32 $0xFFFFC000  }
0x113: {  	[spmem:s2] =	stream.indirect.scatter.add.f32 [tilespmem:s16], [sflag:$0x3], $0x80, s22, s11, $0xb8;
	[tilespmem:$0x1D000] =	vst v63  }
0x114: {  	_ =	swait.ge [sflag:s10], $0x4000  }
0x115: {  	[sflag:s10] =	ssyncset.done $0x0  }
0x116: {  	[sflag:s10] =	ssyncadd.s32 $0xFFFFC000  }
0x117: {  	[tilespmem:s15], [sflag:$0x1] =	stream.indirect.gather [hbm4b:s4+s11], $0x80, s23, s11, $0xb8;
	[tilespmem:$0x1D000] =	vst v63  }
0x118: {  	_ = 	snop  }
0x119: {  	[tilespmem:s16], [sflag:$0x2] =	stream.indirect.gather [hbm4b:s4+s11], $0x80, s24, s11, $0xb8;
	[tilespmem:$0x1D000] =	vst v63  }
0x11a: {  	_ =	swait.ge [sflag:s17], $0x4000  }
0x11b: {  	[sflag:s17] =	ssyncset.done $0x0  }
0x11c: {  	[sflag:s17] =	ssyncadd.s32 $0xFFFFC000  }
0x11d: {  	[spmem:s2] =	stream.indirect.scatter.add.f32 [tilespmem:s15], [sflag:$0x3], $0x80, s25, s11, $0xb8;
	[tilespmem:$0x1D000] =	vst v63  }
0x11e: {  	_ =	swait.ge [sflag:s10], $0x4000  }
0x11f: {  	[sflag:s10] =	ssyncset.done $0x0  }
0x120: {  	[sflag:s10] =	ssyncadd.s32 $0xFFFFC000  }
0x121: {  	_ =	swait.ge [sflag:s18], $0x4000  }
0x122: {  	[sflag:s18] =	ssyncset.done $0x0  }
0x123: {  	[sflag:s18] =	ssyncadd.s32 $0xFFFFC000  }
0x124: {  	[spmem:s2] =	stream.indirect.scatter.add.f32 [tilespmem:s16], [sflag:$0x3], $0x80, s26, s11, $0xb8;
	[tilespmem:$0x1D000] =	vst v63  }
0x125: {  	_ =	swait.ge [sflag:s10], $0x4000  }
0x126: {  	[sflag:s10] =	ssyncset.done $0x0  }
0x127: {  	[sflag:s10] =	ssyncadd.s32 $0xFFFFC000  }
0x128: {  	[tilespmem:s15], [sflag:$0x1] =	stream.indirect.gather [hbm4b:s4+s11], $0x80, s28, s11, $0xb8;
	[tilespmem:$0x1D000] =	vst v63  }
0x129: {  	_ = 	snop  }
0x12a: {  	[tilespmem:s16], [sflag:$0x2] =	stream.indirect.gather [hbm4b:s4+s11], $0x80, s29, s11, $0xb8;
	[tilespmem:$0x1D000] =	vst v63  }
0x12b: {  	_ =	swait.ge [sflag:s17], $0x4000  }
0x12c: {  	[sflag:s17] =	ssyncset.done $0x0  }
0x12d: {  	[sflag:s17] =	ssyncadd.s32 $0xFFFFC000  }
0x12e: {  	[spmem:s2] =	stream.indirect.scatter.add.f32 [tilespmem:s15], [sflag:$0x3], $0x80, s30, s11, $0xb8;
	[tilespmem:$0x1D000] =	vst v63  }
0x12f: {  	_ =	swait.ge [sflag:s10], $0x4000  }
0x130: {  	[sflag:s10] =	ssyncset.done $0x0  }
0x131: {  	[sflag:s10] =	ssyncadd.s32 $0xFFFFC000  }
0x132: {  	_ =	swait.ge [sflag:s18], $0x4000  }
0x133: {  	[sflag:s18] =	ssyncset.done $0x0  }
0x134: {  	[sflag:s18] =	ssyncadd.s32 $0xFFFFC000  }
0x135: {  	[spmem:s2] =	stream.indirect.scatter.add.f32 [tilespmem:s16], [sflag:$0x3], $0x80, s31, s11, $0xb8;
	[tilespmem:$0x1D000] =	vst v63  }
0x136: {  	_ =	swait.ge [sflag:s10], $0x4000  }
0x137: {  	[sflag:s10] =	ssyncset.done $0x0  }
0x138: {  	[sflag:s10] =	ssyncadd.s32 $0xFFFFC000  }
0x139: {  	[tilespmem:s15], [sflag:$0x1] =	stream.indirect.gather [hbm4b:s4+s11], $0x80, s1, s11, $0xb8;
	[tilespmem:$0x1D000] =	vst v63  }
0x13a: {  	_ = 	snop  }
0x13b: {  	[tilespmem:s16], [sflag:$0x2] =	stream.indirect.gather [hbm4b:s4+s11], $0x80, s0, s11, $0xb8;
	[tilespmem:$0x1D000] =	vst v63  }
0x13c: {  	_ =	swait.ge [sflag:s17], $0x4000  }
0x13d: {  	[sflag:s17] =	ssyncset.done $0x0  }
0x13e: {  	[sflag:s17] =	ssyncadd.s32 $0xFFFFC000  }
0x13f: {  	[spmem:s2] =	stream.indirect.scatter.add.f32 [tilespmem:s15], [sflag:$0x3], $0x80, s5, s11, $0xb8;
	[tilespmem:$0x1D000] =	vst v63  }
0x140: {  	_ =	swait.ge [sflag:s10], $0x4000  }
0x141: {  	[sflag:s10] =	ssyncset.done $0x0  }
0x142: {  	[sflag:s10] =	ssyncadd.s32 $0xFFFFC000  }
0x143: {  	p0 =	sne.s32 s6, $0x2000;
	_ =	swait.ge [sflag:s18], $0x4000  }
.Ltmp0:
0x144: {  	[sflag:s18] =	ssyncset.done $0x0;
	(pc) =	sbr.rel @p0 .LBB2_2-.Ltmp0, $4  }
0x145: {  	[sflag:s18] =	ssyncadd.s32 $0xFFFFC000  }
0x146: {  	[spmem:s2] =	stream.indirect.scatter.add.f32 [tilespmem:s16], [sflag:$0x3], $0x80, s7, s11, $0xb8;
	[tilespmem:$0x1D000] =	vst v63  }
0x147: {  	_ =	swait.ge [sflag:s10], $0x4000  }
0x148: {  	s6 =	sadd.s32 $0x800, s6;
	s9 =	rddreg [dreg:$0x3];
	[sflag:s10] =	ssyncset.done $0x0  }
0x149: {  	[sflag:s10] =	ssyncadd.s32 $0xFFFFC000;
	s3 =	sadd.s32 s8, s9  }
0x14a: {  	[tilespmem:s13], [sflag:$0x3] =	stream.strided.gather [hbm4b:s3+s11], $0x800, s12, s11, $0x38;
	[tilespmem:$0x1D000] =	vst v63  }
0x14b: {  	_ =	swait.ge [sflag:s10], $0x800  }
0x14c: {  	s9 =	rddreg [dreg:$0x4];
	[sflag:s10] =	ssyncset.done $0x0  }
0x14d: {  	[sflag:s10] =	ssyncadd.s32 $0xFFFFF800;
	s3 =	sadd.s32 s8, s9  }
0x14e: {  	[tilespmem:s14], [sflag:$0x3] =	stream.strided.gather [hbm4b:s3+s11], $0x800, s12, s11, $0x38;
	[tilespmem:$0x1D000] =	vst v63  }
0x14f: {  	_ =	swait.ge [sflag:s10], $0x800  }
0x150: {  	[sflag:s10] =	ssyncset.done $0x0  }
0x151: {  	[sflag:s10] =	ssyncadd.s32 $0xFFFFF800  }
0x152: {  	[tilespmem:s15], [sflag:$0x1] =	stream.indirect.gather [hbm4b:s4+s11], $0x80, s13, s11, $0xb8;
	[tilespmem:$0x1D000] =	vst v63  }
0x153: {  	s6 =	rddreg [dreg:$0x5]  }
0x154: {  	[tilespmem:s16], [sflag:$0x2] =	stream.indirect.gather [hbm4b:s4+s11], $0x80, s6, s11, $0xb8;
	[tilespmem:$0x1D000] =	vst v63  }
0x155: {  	_ =	swait.ge [sflag:s17], $0x4000  }
0x156: {  	[sflag:s17] =	ssyncset.done $0x0  }
0x157: {  	[sflag:s17] =	ssyncadd.s32 $0xFFFFC000  }
0x158: {  	[spmem:s2] =	stream.indirect.scatter.add.f32 [tilespmem:s15], [sflag:$0x3], $0x80, s14, s11, $0xb8;
	[tilespmem:$0x1D000] =	vst v63  }
0x159: {  	_ =	swait.ge [sflag:s10], $0x4000  }
0x15a: {  	[sflag:s10] =	ssyncset.done $0x0  }
0x15b: {  	[sflag:s10] =	ssyncadd.s32 $0xFFFFC000  }
0x15c: {  	_ =	swait.ge [sflag:s18], $0x4000  }
0x15d: {  	[sflag:s18] =	ssyncset.done $0x0  }
0x15e: {  	s8 =	rddreg [dreg:$0x6];
	[sflag:s18] =	ssyncadd.s32 $0xFFFFC000  }
0x15f: {  	[spmem:s2] =	stream.indirect.scatter.add.f32 [tilespmem:s16], [sflag:$0x3], $0x80, s8, s11, $0xb8;
	[tilespmem:$0x1D000] =	vst v63  }
0x160: {  	_ =	swait.ge [sflag:s10], $0x4000  }
0x161: {  	[sflag:s10] =	ssyncset.done $0x0  }
0x162: {  	s9 =	rddreg [dreg:$0x7];
	[sflag:s10] =	ssyncadd.s32 $0xFFFFC000  }
0x163: {  	[tilespmem:s15], [sflag:$0x1] =	stream.indirect.gather [hbm4b:s4+s11], $0x80, s9, s11, $0xb8;
	[tilespmem:$0x1D000] =	vst v63  }
0x164: {  	s6 =	rddreg [dreg:$0x8]  }
0x165: {  	[tilespmem:s16], [sflag:$0x2] =	stream.indirect.gather [hbm4b:s4+s11], $0x80, s6, s11, $0xb8;
	[tilespmem:$0x1D000] =	vst v63  }
0x166: {  	_ =	swait.ge [sflag:s17], $0x4000  }
0x167: {  	[sflag:s17] =	ssyncset.done $0x0  }
0x168: {  	s8 =	rddreg [dreg:$0x9];
	[sflag:s17] =	ssyncadd.s32 $0xFFFFC000  }
0x169: {  	[spmem:s2] =	stream.indirect.scatter.add.f32 [tilespmem:s15], [sflag:$0x3], $0x80, s8, s11, $0xb8;
	[tilespmem:$0x1D000] =	vst v63  }
0x16a: {  	_ =	swait.ge [sflag:s10], $0x4000  }
0x16b: {  	[sflag:s10] =	ssyncset.done $0x0  }
0x16c: {  	[sflag:s10] =	ssyncadd.s32 $0xFFFFC000  }
0x16d: {  	_ =	swait.ge [sflag:s18], $0x4000  }
0x16e: {  	[sflag:s18] =	ssyncset.done $0x0  }
0x16f: {  	s9 =	rddreg [dreg:$0xa];
	[sflag:s18] =	ssyncadd.s32 $0xFFFFC000  }
0x170: {  	[spmem:s2] =	stream.indirect.scatter.add.f32 [tilespmem:s16], [sflag:$0x3], $0x80, s9, s11, $0xb8;
	[tilespmem:$0x1D000] =	vst v63  }
0x171: {  	_ =	swait.ge [sflag:s10], $0x4000  }
0x172: {  	[sflag:s10] =	ssyncset.done $0x0  }
0x173: {  	s6 =	rddreg [dreg:$0xb];
	[sflag:s10] =	ssyncadd.s32 $0xFFFFC000  }
0x174: {  	[tilespmem:s15], [sflag:$0x1] =	stream.indirect.gather [hbm4b:s4+s11], $0x80, s6, s11, $0xb8;
	[tilespmem:$0x1D000] =	vst v63  }
0x175: {  	s8 =	rddreg [dreg:$0xc]  }
0x176: {  	[tilespmem:s16], [sflag:$0x2] =	stream.indirect.gather [hbm4b:s4+s11], $0x80, s8, s11, $0xb8;
	[tilespmem:$0x1D000] =	vst v63  }
0x177: {  	_ =	swait.ge [sflag:s17], $0x4000  }
0x178: {  	[sflag:s17] =	ssyncset.done $0x0  }
0x179: {  	s9 =	rddreg [dreg:$0xd];
	[sflag:s17] =	ssyncadd.s32 $0xFFFFC000  }
0x17a: {  	[spmem:s2] =	stream.indirect.scatter.add.f32 [tilespmem:s15], [sflag:$0x3], $0x80, s9, s11, $0xb8;
	[tilespmem:$0x1D000] =	vst v63  }
0x17b: {  	_ =	swait.ge [sflag:s10], $0x4000  }
0x17c: {  	[sflag:s10] =	ssyncset.done $0x0  }
0x17d: {  	[sflag:s10] =	ssyncadd.s32 $0xFFFFC000  }
0x17e: {  	_ =	swait.ge [sflag:s18], $0x4000  }
0x17f: {  	[sflag:s18] =	ssyncset.done $0x0  }
0x180: {  	s6 =	rddreg [dreg:$0xe];
	[sflag:s18] =	ssyncadd.s32 $0xFFFFC000  }
0x181: {  	[spmem:s2] =	stream.indirect.scatter.add.f32 [tilespmem:s16], [sflag:$0x3], $0x80, s6, s11, $0xb8;
	[tilespmem:$0x1D000] =	vst v63  }
0x182: {  	_ =	swait.ge [sflag:s10], $0x4000  }
0x183: {  	[sflag:s10] =	ssyncset.done $0x0  }
0x184: {  	s8 =	rddreg [dreg:$0xf];
	[sflag:s10] =	ssyncadd.s32 $0xFFFFC000  }
0x185: {  	[tilespmem:s15], [sflag:$0x1] =	stream.indirect.gather [hbm4b:s4+s11], $0x80, s8, s11, $0xb8;
	[tilespmem:$0x1D000] =	vst v63  }
0x186: {  	s9 =	rddreg [dreg:$0x10]  }
0x187: {  	[tilespmem:s16], [sflag:$0x2] =	stream.indirect.gather [hbm4b:s4+s11], $0x80, s9, s11, $0xb8;
	[tilespmem:$0x1D000] =	vst v63  }
0x188: {  	_ =	swait.ge [sflag:s17], $0x4000  }
0x189: {  	[sflag:s17] =	ssyncset.done $0x0  }
0x18a: {  	s8 =	rddreg [dreg:$0x11];
	[sflag:s17] =	ssyncadd.s32 $0xFFFFC000  }
0x18b: {  	[spmem:s2] =	stream.indirect.scatter.add.f32 [tilespmem:s15], [sflag:$0x3], $0x80, s8, s11, $0xb8;
	[tilespmem:$0x1D000] =	vst v63  }
0x18c: {  	_ =	swait.ge [sflag:s10], $0x4000  }
0x18d: {  	[sflag:s10] =	ssyncset.done $0x0  }
0x18e: {  	[sflag:s10] =	ssyncadd.s32 $0xFFFFC000  }
0x18f: {  	_ =	swait.ge [sflag:s18], $0x4000  }
0x190: {  	[sflag:s18] =	ssyncset.done $0x0  }
0x191: {  	s9 =	rddreg [dreg:$0x12];
	[sflag:s18] =	ssyncadd.s32 $0xFFFFC000  }
0x192: {  	[spmem:s2] =	stream.indirect.scatter.add.f32 [tilespmem:s16], [sflag:$0x3], $0x80, s9, s11, $0xb8;
	[tilespmem:$0x1D000] =	vst v63  }
0x193: {  	_ =	swait.ge [sflag:s10], $0x4000  }
0x194: {  	[sflag:s10] =	ssyncset.done $0x0  }
0x195: {  	[sflag:s10] =	ssyncadd.s32 $0xFFFFC000  }
0x196: {  	[tilespmem:s15], [sflag:$0x1] =	stream.indirect.gather [hbm4b:s4+s11], $0x80, s19, s11, $0xb8;
	[tilespmem:$0x1D000] =	vst v63  }
0x197: {  	_ = 	snop  }
0x198: {  	[tilespmem:s16], [sflag:$0x2] =	stream.indirect.gather [hbm4b:s4+s11], $0x80, s20, s11, $0xb8;
	[tilespmem:$0x1D000] =	vst v63  }
0x199: {  	_ =	swait.ge [sflag:s17], $0x4000  }
0x19a: {  	[sflag:s17] =	ssyncset.done $0x0  }
0x19b: {  	[sflag:s17] =	ssyncadd.s32 $0xFFFFC000  }
0x19c: {  	[spmem:s2] =	stream.indirect.scatter.add.f32 [tilespmem:s15], [sflag:$0x3], $0x80, s21, s11, $0xb8;
	[tilespmem:$0x1D000] =	vst v63  }
0x19d: {  	_ =	swait.ge [sflag:s10], $0x4000  }
0x19e: {  	[sflag:s10] =	ssyncset.done $0x0  }
0x19f: {  	[sflag:s10] =	ssyncadd.s32 $0xFFFFC000  }
0x1a0: {  	_ =	swait.ge [sflag:s18], $0x4000  }
0x1a1: {  	[sflag:s18] =	ssyncset.done $0x0  }
0x1a2: {  	[sflag:s18] =	ssyncadd.s32 $0xFFFFC000  }
0x1a3: {  	[spmem:s2] =	stream.indirect.scatter.add.f32 [tilespmem:s16], [sflag:$0x3], $0x80, s22, s11, $0xb8;
	[tilespmem:$0x1D000] =	vst v63  }
0x1a4: {  	_ =	swait.ge [sflag:s10], $0x4000  }
0x1a5: {  	[sflag:s10] =	ssyncset.done $0x0  }
0x1a6: {  	[sflag:s10] =	ssyncadd.s32 $0xFFFFC000  }
0x1a7: {  	[tilespmem:s15], [sflag:$0x1] =	stream.indirect.gather [hbm4b:s4+s11], $0x80, s23, s11, $0xb8;
	[tilespmem:$0x1D000] =	vst v63  }
0x1a8: {  	_ = 	snop  }
0x1a9: {  	[tilespmem:s16], [sflag:$0x2] =	stream.indirect.gather [hbm4b:s4+s11], $0x80, s24, s11, $0xb8;
	[tilespmem:$0x1D000] =	vst v63  }
0x1aa: {  	_ =	swait.ge [sflag:s17], $0x4000  }
0x1ab: {  	[sflag:s17] =	ssyncset.done $0x0  }
0x1ac: {  	[sflag:s17] =	ssyncadd.s32 $0xFFFFC000  }
0x1ad: {  	[spmem:s2] =	stream.indirect.scatter.add.f32 [tilespmem:s15], [sflag:$0x3], $0x80, s25, s11, $0xb8;
	[tilespmem:$0x1D000] =	vst v63  }
0x1ae: {  	_ =	swait.ge [sflag:s10], $0x4000  }
0x1af: {  	[sflag:s10] =	ssyncset.done $0x0  }
0x1b0: {  	[sflag:s10] =	ssyncadd.s32 $0xFFFFC000  }
0x1b1: {  	_ =	swait.ge [sflag:s18], $0x4000  }
0x1b2: {  	[sflag:s18] =	ssyncset.done $0x0  }
0x1b3: {  	[sflag:s18] =	ssyncadd.s32 $0xFFFFC000  }
0x1b4: {  	[spmem:s2] =	stream.indirect.scatter.add.f32 [tilespmem:s16], [sflag:$0x3], $0x80, s26, s11, $0xb8;
	[tilespmem:$0x1D000] =	vst v63  }
0x1b5: {  	_ =	swait.ge [sflag:s10], $0x4000  }
0x1b6: {  	[sflag:s10] =	ssyncset.done $0x0  }
0x1b7: {  	[sflag:s10] =	ssyncadd.s32 $0xFFFFC000  }
0x1b8: {  	[tilespmem:s15], [sflag:$0x1] =	stream.indirect.gather [hbm4b:s4+s11], $0x80, s28, s11, $0xb8;
	[tilespmem:$0x1D000] =	vst v63  }
0x1b9: {  	_ = 	snop  }
0x1ba: {  	[tilespmem:s16], [sflag:$0x2] =	stream.indirect.gather [hbm4b:s4+s11], $0x80, s29, s11, $0xb8;
	[tilespmem:$0x1D000] =	vst v63  }
0x1bb: {  	_ =	swait.ge [sflag:s17], $0x4000  }
0x1bc: {  	[sflag:s17] =	ssyncset.done $0x0  }
0x1bd: {  	[sflag:s17] =	ssyncadd.s32 $0xFFFFC000  }
0x1be: {  	[spmem:s2] =	stream.indirect.scatter.add.f32 [tilespmem:s15], [sflag:$0x3], $0x80, s30, s11, $0xb8;
	[tilespmem:$0x1D000] =	vst v63  }
0x1bf: {  	_ =	swait.ge [sflag:s10], $0x4000  }
0x1c0: {  	[sflag:s10] =	ssyncset.done $0x0  }
0x1c1: {  	[sflag:s10] =	ssyncadd.s32 $0xFFFFC000  }
0x1c2: {  	_ =	swait.ge [sflag:s18], $0x4000  }
0x1c3: {  	[sflag:s18] =	ssyncset.done $0x0  }
0x1c4: {  	[sflag:s18] =	ssyncadd.s32 $0xFFFFC000  }
0x1c5: {  	[spmem:s2] =	stream.indirect.scatter.add.f32 [tilespmem:s16], [sflag:$0x3], $0x80, s31, s11, $0xb8;
	[tilespmem:$0x1D000] =	vst v63  }
0x1c6: {  	_ =	swait.ge [sflag:s10], $0x4000  }
0x1c7: {  	[sflag:s10] =	ssyncset.done $0x0  }
0x1c8: {  	[sflag:s10] =	ssyncadd.s32 $0xFFFFC000  }
0x1c9: {  	[tilespmem:s15], [sflag:$0x1] =	stream.indirect.gather [hbm4b:s4+s11], $0x80, s1, s11, $0xb8;
	[tilespmem:$0x1D000] =	vst v63  }
0x1ca: {  	_ = 	snop  }
0x1cb: {  	[tilespmem:s16], [sflag:$0x2] =	stream.indirect.gather [hbm4b:s4+s11], $0x80, s0, s11, $0xb8;
	[tilespmem:$0x1D000] =	vst v63  }
0x1cc: {  	_ =	swait.ge [sflag:s17], $0x4000  }
0x1cd: {  	[sflag:s17] =	ssyncset.done $0x0  }
0x1ce: {  	[sflag:s17] =	ssyncadd.s32 $0xFFFFC000  }
0x1cf: {  	[spmem:s2] =	stream.indirect.scatter.add.f32 [tilespmem:s15], [sflag:$0x3], $0x80, s5, s11, $0xb8;
	[tilespmem:$0x1D000] =	vst v63  }
0x1d0: {  	_ =	swait.ge [sflag:s10], $0x4000  }
0x1d1: {  	[sflag:s10] =	ssyncset.done $0x0  }
0x1d2: {  	[sflag:s10] =	ssyncadd.s32 $0xFFFFC000  }
0x1d3: {  	_ =	swait.ge [sflag:s18], $0x4000  }
0x1d4: {  	[sflag:s18] =	ssyncset.done $0x0  }
0x1d5: {  	[sflag:s18] =	ssyncadd.s32 $0xFFFFC000  }
0x1d6: {  	[spmem:s2] =	stream.indirect.scatter.add.f32 [tilespmem:s16], [sflag:$0x3], $0x80, s7, s11, $0xb8;
	[tilespmem:$0x1D000] =	vst v63  }
0x1d7: {  	_ =	swait.ge [sflag:s10], $0x4000  }
0x1d8: {  	[sflag:s10] =	ssyncset.done $0x0  }
0x1d9: {  	[sflag:s10] =	ssyncadd.s32 $0xFFFFC000  }
0x1da: {  	[bflag:$0x0] =	sbarrier.arrive $0xFFFF  }
0x1db: {  	s8 =	rddreg [dreg:$0x15]  }
0x1dc: {  	s6 =	rddreg [dreg:$0x16]  }
0x1dd: {  	s9 =	rddreg [dreg:$0x18]  }
0x1de: {  	[hbm:s6], [sflag:s8] =	dma.local [spmem:s9], $0x2800  }
0x1df: {  	_ =	swait.ge [sflag:s10], $0x2800  }
0x1e0: {  	s6 =	rddreg [dreg:$0x13]  }
0x1e1: {  	s3 =	sadd.s32 $0x1, s6;
	s6 =	rddreg [dreg:$0x17]  }
0x1e2: {  	p0 =	sne.s32 s3, s6  }
.Ltmp1:
0x1e3: {  	_ = 	snop;
	(pc) =	sbr.rel @p0 .LBB2_1-.Ltmp1, $3  }
0x1e4: {  	_ =	sdelay $0x1  }
0x1e5: {  	[sflag:s10] =	ssyncset.done $0x0  }
0x1e6: {  	[sflag:s10] =	ssyncadd.s32 $0xFFFFD800  }
0x1e7: {  	_ =	sfence.sel $0x180000  }
0x1e8: {  	[bflag:$0x0] =	sbarrier.arrive $0xFFFF  }
0x1e9: {  	_ =	strace $0x9000004A  }
0x1ea: {  	s0 =	stileid.u32;
	[bflag:$0x2] =	sbarrier.arrive $0xFFFF  }
0x1eb: {  	p0 =	sne.s32 s0, $0x0;
	s0 =	rddreg [dreg:$0x2]  }
0x1ec: {  	s0 =	sadd.s32 @!p0 $0x100000, s0  }
0x1ed: {  	[sflag:s0] =	ssyncadd.tile.s32 @!p0 $0x1;
	_ =	shalt  }
.Lfunc_end2:
_tile_overlayer_lowered:
.L_overlay_start_2:
0x1ee: {  	(tag) =	ssettag $0x2  }
0x1ef: {  	s0 =	rddreg [dreg:$0x0];
	s2 =	stileid.u32  }
0x1f0: {  	s1 =	rddreg [dreg:$0x1];
	p0 =	sne.s32 s2, $0x0  }
0x1f1: {  	s3 =	rddreg [dreg:$0x2];
	[bflag:$0x3] =	sbarrier.arrive $0xFFFF;
	s2 =	simm.s32 @!p0 $0x1C03  }
0x1f2: {  	[timem:s3], [sflag:s2] =	dma.local @!p0 [hbm:s0], s1  }
0x1f3: {  	s0 =	simm.s32 @!p0 $0x3  }
0x1f4: {  	_ =	swait.ge @!p0 [sflag:s0], s1  }
0x1f5: {  	s1 =	ssub.s32 @!p0 $0x0, s1;
	[sflag:s0] =	ssyncset.done @!p0 $0x0  }
0x1f6: {  	[sflag:s0] =	ssyncadd.s32 @!p0 s1  }
0x1f7: {  	[bflag:$0x3] =	sbarrier.arrive $0xFFFF  }
0x1f8: {  	_ =	shalt  }

// kernel: kernel.16.cloned.1.call-start
scs
__scs_entry_jumppad:
0x0: {  	(pc) =	sbr.rel $0x88, $3  }
0x1: {  	(tag) =	ssettag $0x0;
	lr =	simm.s32 $0x1  }
0x2: {  	[smem:$0x3F99] =	sst lr;
	_ =	strace $0xD0000000  }
0x3: {  	_ = 	snop  }
0x4: {  	_ = 	snop  }
0x5: {  	_ = 	snop  }
0x6: {  	_ = 	snop  }
0x7: {  	_ = 	snop  }
__scs_overlays_trampoline_lowered:
0x8: {  	[smem:$0x3FA8] =	sst s0  }
0x9: {  	[smem:$0x3FA9] =	sst s1  }
0xa: {  	[smem:$0x3FAA] =	sst s2  }
0xb: {  	[smem:$0x3FAB] =	sst s3  }
0xc: {  	[smem:$0x3FAC] =	sst s4  }
0xd: {  	[smem:$0x3FAD] =	sst s5  }
0xe: {  	[smem:$0x3FAE] =	sst s6  }
0xf: {  	[smem:$0x3FAF] =	sst s7  }
0x10: {  	[smem:$0x3FB0] =	sst s8  }
0x11: {  	[smem:$0x3FB1] =	sst s9;
	s0 =	simm.s32 @!p0 $0x0  }
0x12: {  	s1 =	sld [smem:$0x3F97];
	s0 =	simm.s32 @p0 $0x1  }
0x13: {  	[smem:$0x3FB2] =	sst s0;
	s0 =	simm.s32 @!p1 $0x0  }
0x14: {  	s2 =	sld [smem:$0x3F96];
	s0 =	simm.s32 @p1 $0x1  }
0x15: {  	[smem:$0x3FB3] =	sst s0;
	s0 =	simm.s32 @!p2 $0x0  }
0x16: {  	s3 =	sld [smem:$0x3FDB];
	s0 =	simm.s32 @p2 $0x1  }
0x17: {  	s4 =	simm.s32 $0x1BF5;
	[smem:$0x3FB5] =	sst s0  }
0x18: {  	s0 =	sld [smem:$0x3F98];
	_ =	swait.ge [sflag:s4], $0x0  }
0x19: {  	s7 =	sld [smem:$0x3F99]  }
0x1a: {  	s8 =	sadd.s32 $0xFFFFE003, lr  }
0x1b: {  	s9 =	sadd.s32 $0xFFFFFEF7, lr;
	s5 =	simm.s32 $0xFFFFFFFF;
	p2 =	slt.u32 s8, $0xFFFFF086  }
0x1c: {  	p1 =	slt.u32 s9, $0xF7A;
	s5 =	simm.s32 @!p2 $0x0  }
0x1d: {  	s5 =	simm.s32 @p1 $0x1;
	p0 =	seq.s32 s7, s2  }
0x1e: {  	s7 =	smul.u32 @!p0 $0xF7A, s2;
	p2 =	seq.s32 @!p0 s5, $0x0  }
0x1f: {  	s9 =	smul.u32 $0xF7A, s1;
	s8 =	simm.s32 @!p0 $0x1BF5;
	p2 =	por !p2, p0  }
0x20: {  	[sflag:s8] =	ssyncset.s32 @!p0 $0xFFFFF086;
	s6 =	sadd.s32 @!p0 s3, s7;
	s7 =	simm.s32 @!p0 $0x108  }
0x21: {  	s3 =	sadd.s32 s3, s9;
	s6 =	sadd.s32 @!p0 $0x88, s6;
	s7 =	simm.s32 @p2 $0x1082  }
0x22: {  	[simem:s7], [sflag:s8] =	dma.local @!p0 [hbm:s6], $0xF7A  }
0x23: {  	s9 =	sor.u32 $0xD0000000, s2;
	s6 =	simm.s32 $0x108;
	_ =	swait.ge @!p0 [sflag:s8], $0x0  }
0x24: {  	s3 =	sadd.s32 $0x88, s3;
	s6 =	simm.s32 @!p1 $0x1082;
	[sflag:s4] =	ssyncset.s32 $0xFFFFF086  }
0x25: {  	[simem:s6], [sflag:s4] =	dma.local [hbm:s3], $0xF7A  }
0x26: {  	[smem:$0x3F99] =	sst s1;
	(tag) =	ssettag s2;
	_ =	strace s9  }
0x27: {  	s1 =	sld [smem:$0x3FA9]  }
0x28: {  	s2 =	sld [smem:$0x3FAA]  }
0x29: {  	s4 =	sld [smem:$0x3FAC]  }
0x2a: {  	p0 =	seq.s32 s5, $0x0;
	s5 =	sld [smem:$0x3FAD]  }
0x2b: {  	s6 =	sld [smem:$0x3FAE]  }
0x2c: {  	s7 =	sld [smem:$0x3FAF]  }
0x2d: {  	s3 =	simm.s32 $0x108;
	s8 =	sld [smem:$0x3FB0]  }
0x2e: {  	s3 =	simm.s32 @!p0 $0x1082;
	s9 =	sld [smem:$0x3FB1]  }
0x2f: {  	lr =	sadd.s32 s0, s3;
	s0 =	sld [smem:$0x3FA8]  }
0x30: {  	s3 =	sld [smem:$0x3FAB]  }
0x31: {  	[smem:$0x3FB4] =	sst s10  }
0x32: {  	s10 =	sld [smem:$0x3FB2];
	_ =	sdelay $0x3  }
0x33: {  	p0 =	seq.s32 s10, $0x1;
	s10 =	sld [smem:$0x3FB4];
	_ =	sdelay $0x3  }
0x34: {  	[smem:$0x3FB4] =	sst s10  }
0x35: {  	s10 =	sld [smem:$0x3FB3];
	_ =	sdelay $0x3  }
0x36: {  	p1 =	seq.s32 s10, $0x1;
	s10 =	sld [smem:$0x3FB4];
	_ =	sdelay $0x3  }
0x37: {  	[smem:$0x3FB4] =	sst s10  }
0x38: {  	s10 =	sld [smem:$0x3FB5]  }
0x39: {  	_ = 	snop;
	(pc) =	sbr.ind lr, $3  }
0x3a: {  	_ = 	snop  }
0x3b: {  	_ = 	snop  }
0x3c: {  	p2 =	seq.s32 s10, $0x1;
	s10 =	sld [smem:$0x3FB4]  }
0x3d: {  	_ =	shalt  }
0x3e: {  	_ =	shalt  }
0x3f: {  	_ =	shalt  }
0x40: {  	_ =	shalt  }
0x41: {  	_ =	shalt  }
0x42: {  	_ =	shalt  }
0x43: {  	_ =	shalt  }
0x44: {  	_ =	shalt  }
0x45: {  	_ =	shalt  }
0x46: {  	_ =	shalt  }
0x47: {  	_ =	shalt  }
0x48: {  	_ =	shalt  }
0x49: {  	_ =	shalt  }
0x4a: {  	_ =	shalt  }
0x4b: {  	_ =	shalt  }
0x4c: {  	_ =	shalt  }
0x4d: {  	_ =	shalt  }
0x4e: {  	_ =	shalt  }
0x4f: {  	_ =	shalt  }
0x50: {  	_ =	shalt  }
0x51: {  	_ =	shalt  }
0x52: {  	_ =	shalt  }
0x53: {  	_ =	shalt  }
0x54: {  	_ =	shalt  }
0x55: {  	_ =	shalt  }
0x56: {  	_ =	shalt  }
0x57: {  	_ =	shalt  }
0x58: {  	_ =	shalt  }
0x59: {  	_ =	shalt  }
0x5a: {  	_ =	shalt  }
0x5b: {  	_ =	shalt  }
0x5c: {  	_ =	shalt  }
0x5d: {  	_ =	shalt  }
0x5e: {  	_ =	shalt  }
0x5f: {  	_ =	shalt  }
0x60: {  	_ =	shalt  }
0x61: {  	_ =	shalt  }
0x62: {  	_ =	shalt  }
0x63: {  	_ =	shalt  }
0x64: {  	_ =	shalt  }
0x65: {  	_ =	shalt  }
0x66: {  	_ =	shalt  }
0x67: {  	_ =	shalt  }
0x68: {  	_ =	shalt  }
0x69: {  	_ =	shalt  }
0x6a: {  	_ =	shalt  }
0x6b: {  	_ =	shalt  }
0x6c: {  	_ =	shalt  }
0x6d: {  	_ =	shalt  }
0x6e: {  	_ =	shalt  }
0x6f: {  	_ =	shalt  }
0x70: {  	_ =	shalt  }
0x71: {  	_ =	shalt  }
0x72: {  	_ =	shalt  }
0x73: {  	_ =	shalt  }
0x74: {  	_ =	shalt  }
0x75: {  	_ =	shalt  }
0x76: {  	_ =	shalt  }
0x77: {  	_ =	shalt  }
0x78: {  	_ =	shalt  }
0x79: {  	_ =	shalt  }
0x7a: {  	_ =	shalt  }
0x7b: {  	_ =	shalt  }
0x7c: {  	_ =	shalt  }
0x7d: {  	_ =	shalt  }
0x7e: {  	_ =	shalt  }
0x7f: {  	_ =	shalt  }
0x80: {  	_ =	shalt  }
0x81: {  	_ =	shalt  }
0x82: {  	_ =	shalt  }
0x83: {  	_ =	shalt  }
0x84: {  	_ =	shalt  }
0x85: {  	_ =	shalt  }
0x86: {  	_ =	shalt  }
0x87: {  	_ =	shalt  }
.Lfunc_end0:
.L_simem_size_0:
called_computation.2_lowered:
.L_overlay_start_0:
0x88: {  	s2 =	sld [smem:$0x3FD9]  }
0x89: {  	s3 =	sld [smem:$0x3FFE];
	_ =	sdelay $0x1  }
0x8a: {  	s1 =	srdreg.scid  }
0x8b: {  	s0 =	sand.u32 $0x1, s1  }
0x8c: {  	s17 =	sshll.u32 s0, $0xA;
	s2 =	sadd.s32 s3, s2  }
0x8d: {  	s2 =	sadd.s32 s2, s17  }
0x8e: {  	[smem:$0x3FC0] =	sst s2  }
0x8f: {  	_ = 	snop  }
0x90: {  	s2 =	sld [smem:$0x3FD0];
	(tm) =	ssettm $0x1  }
0x91: {  	s18 =	sld [smem:$0x3FFB];
	_ =	sdelay $0x3  }
0x92: {  	_ =	strace s18  }
0x93: {  	s3 =	sld [smem:$0x3FFC];
	_ =	sdelay $0x3  }
0x94: {  	_ =	strace s3  }
0x95: {  	s3 =	sld [smem:$0x3FFD];
	_ =	sdelay $0x3  }
0x96: {  	_ =	strace s3  }
0x97: {  	_ =	strace $0x8FFFFFFF  }
0x98: {  	s19 =	sld [smem:$0x3FDB];
	_ =	sdelay $0x1  }
0x99: {  	s4 =	simm.s32 $_scs_section_size  }
0x9a: {  	s5 =	simm.s32 $_size__tile_overlayer_lowered;
	s6 =	simm.s32 $_tile_overlayer_lowered  }
0x9b: {  	s22 =	simm.s32 $0x1BFF;
	s21 =	sshll.u32 s6, $0x1;
	s3 =	sadd.s32 s4, s19  }
0x9c: {  	s7 =	simm.s32 $0x0;
	s20 =	sshll.u32 s5, $0x1;
	s5 =	sadd.s32 s21, s3  }
0x9d: {  	[timem:s7], [sflag:s22] =	dma.local [hbm:s5], s20  }
0x9e: {  	_ =	swait.ge [sflag:s22], s20  }
0x9f: {  	s4 =	ssub.s32 $0x0, s20;
	[sflag:s22] =	ssyncset.done $0x0  }
0xa0: {  	[sflag:s22] =	ssyncadd.s32 s4;
	_ =	sdelay $0x1  }
0xa1: {  	s23 =	simm.s32 $0x1B8B  }
0xa2: {  	_ =	swait.ge [sflag:s23], $0x1  }
0xa3: {  	[sflag:s23] =	ssyncset.done $0x0  }
0xa4: {  	s25 =	simm.s32 $0x1B8E;
	s24 =	sld [smem:$0x3FFE];
	[sflag:s23] =	ssyncadd.s32 $0xFFFFFFFF  }
0xa5: {  	s26 =	simm.s32 $execute0_lowered;
	[smem:$0x3FD2] =	sst s25  }
0xa6: {  	s5 =	sshll.u32 s26, $0x1;
	_ =	strace $0x8000004C;
	[dreg:$0x1] =	wrdreg $0xFFFFFFFF  }
0xa7: {  	s28 =	simm.s32 $_size_execute0_lowered;
	s3 =	sadd.s32 s3, s5;
	[dreg:$0x0] =	wrdreg $0x0  }
0xa8: {  	s5 =	sshll.u32 s28, $0x1;
	[dreg:$0x2] =	wrdreg s3  }
0xa9: {  	[dreg:$0x3] =	wrdreg s5  }
0xaa: {  	[dreg:$0x4] =	wrdreg $0xC0  }
0xab: {  	_ =	task [dreg:s7], $0x5FFFF  }
0xac: {  	[dreg:$0x1] =	wrdreg $0xFFFFFFFF  }
0xad: {  	[dreg:$0x0] =	wrdreg $0x60  }
0xae: {  	[dreg:$0x2] =	wrdreg s24  }
0xaf: {  	[dreg:$0x3] =	wrdreg s2  }
0xb0: {  	[dreg:$0x4] =	wrdreg $0x0  }
0xb1: {  	[dreg:$0x5] =	wrdreg $0x9  }
0xb2: {  	_ =	task.clear_ibuf [dreg:s7], $0x6FFFF;
	_ =	strace $0x9000004C  }
0xb3: {  	s29 =	simm.s32 $0x9;
	_ =	strace $0x8000004E  }
0xb4: {  	_ =	swait.ge [sflag:s29], $0x1  }
0xb5: {  	[sflag:s29] =	ssyncadd.s32 $0xFFFFFFFF  }
0xb6: {  	_ =	strace $0x9000004E  }
0xb7: {  	_ =	sfence  }
0xb8: {  	s30 =	sld [smem:$0x0];
	_ =	sdelay $0x2  }
0xb9: {  	s31 =	sshll.u32 s1, $0xD;
	s1 =	sshrl.u32 s1, $0x2  }
0xba: {  	s3 =	sand.u32 $0x4000, s31;
	s1 =	sadd.s32 s1, s30  }
0xbb: {  	s0 =	sor.u32 s3, s0;
	s1 =	sshll.u32 s1, $0x11  }
0xbc: {  	s0 =	sor.u32 s1, s0  }
0xbd: {  	s0 =	sadd.s32 $0x8F2B, s0  }
0xbe: {  	[sflag:s0] =	ssyncadd.remote.s32 $0x1  }
0xbf: {  	_ =	sfence.sel $0xFFFF  }
0xc0: {  	[dreg:$0x0] =	wrdreg $0xFFFFFFFF;
	(pc) =	sbr.abs _section_cstart, $3  }
0xc1: {  	[dreg:$0x1] =	wrdreg $0xFFFFFFFF  }
0xc2: {  	_ =	task.clear_ibuf [dreg:s7], $0x2FFFF;
	_ =	strace $0x9FFFFFFF  }
0xc3: {  	(tm) =	ssettm $0x7FFFFFFF  }
tec
execute0_lowered:
.L_overlay_start_1:
0x0: {  	(tag) =	ssettag $0x1  }
0x1: {  	s5 =	rddreg [dreg:$0x0]  }
0x2: {  	s0 =	srdreg.scid;
	s6 =	rddreg [dreg:$0x1]  }
0x3: {  	s11 =	stileid.u32;
	s2 =	rddreg [dreg:$0x2]  }
0x4: {  	s12 =	simm.s32 $0x14080;
	s14 =	simm.s32 $0x14880;
	s0 =	sand.u32 $0x1, s0  }
0x5: {  	s15 =	simm.s32 $0x14100;
	s16 =	simm.s32 $0x14180;
	s1 =	sshll.u32 s0, $0x4  }
0x6: {  	s17 =	simm.s32 $0x14900;
	s18 =	simm.s32 $0x14980;
	s1 =	sor.u32 s11, s1  }
0x7: {  	s19 =	simm.s32 $0x14200;
	s20 =	simm.s32 $0x14280;
	s3 =	sshrl.u32 s1, $0x3  }
0x8: {  	s21 =	simm.s32 $0x14A00;
	s4 =	smul.u32 $0x28000, s3;
	s3 =	simm.s32 $0x0  }
0x9: {  	s22 =	simm.s32 $0x14A80;
	s9 =	sadd.s32 $0x90600, s5;
	[smem:$0x7FF] =	sst s3  }
0xa: {  	s0 =	ssub.s32 $0x2, s0;
	_ =	strace $0x8000004D;
	[dreg:$0x15] =	wrdreg s9  }
0xb: {  	s23 =	simm.s32 $0x14300;
	s26 =	sshrl.u32 s0, $0x1;
	[dreg:$0x6] =	wrdreg s12  }
0xc: {  	s24 =	simm.s32 $0x14380;
	s0 =	ssub.s32 s0, s26;
	[dreg:$0x7] =	wrdreg s14  }
0xd: {  	s25 =	simm.s32 $0x14B00;
	s0 =	smax.u32 s0, $0x1;
	[dreg:$0x8] =	wrdreg s15  }
0xe: {  	s28 =	simm.s32 $0x14600;
	s29 =	simm.s32 $0x14680;
	[dreg:$0x18] =	wrdreg s0  }
0xf: {  	s30 =	simm.s32 $0x14E00;
	s31 =	simm.s32 $0x14E80;
	[dreg:$0x9] =	wrdreg s16  }
0x10: {  	s7 =	sshll.u32 s11, $0x7;
	s10 =	smul.u32 $0x50000, s11;
	[dreg:$0xa] =	wrdreg s17  }
0x11: {  	s13 =	sshll.u32 s11, $0x6;
	s1 =	smul.u32 $0x2800, s1;
	[dreg:$0xb] =	wrdreg s18  }
0x12: {  	s7 =	sand.u32 $0x380, s7;
	s11 =	simm.s32 $0x80;
	[dreg:$0xc] =	wrdreg s19  }
0x13: {  	s26 =	simm.s32 $0x14B80;
	s1 =	sadd.s32 s1, s5;
	[dreg:$0xd] =	wrdreg s20  }
0x14: {  	s7 =	sor.u32 s7, s4;
	s4 =	sadd.s32 $0x92E00, s5;
	[dreg:$0xe] =	wrdreg s21  }
0x15: {  	s9 =	sshrl.u32 s10, $0x2;
	s1 =	sadd.s32 $0xF6E00, s1;
	[dreg:$0xf] =	wrdreg s22  }
0x16: {  	s12 =	simm.s32 $0x400;
	s14 =	simm.s32 $0x14800;
	[dreg:$0x10] =	wrdreg s23  }
0x17: {  	s15 =	simm.s32 $0x15000;
	s16 =	simm.s32 $0x19000;
	[dreg:$0x11] =	wrdreg s24  }
0x18: {  	s17 =	simm.s32 $0x1;
	[dreg:$0x12] =	wrdreg s25;
	s18 =	simm.s32 $0x2  }
0x19: {  	[dreg:$0x13] =	wrdreg s26;
	s19 =	simm.s32 $0x14400;
	s20 =	simm.s32 $0x14480  }
0x1a: {  	s21 =	simm.s32 $0x14C00;
	s22 =	simm.s32 $0x14C80;
	s23 =	simm.s32 $0x14500  }
0x1b: {  	s24 =	simm.s32 $0x14580;
	s25 =	simm.s32 $0x14D00;
	s26 =	simm.s32 $0x14D80  }
0x1c: {  	s0 =	simm.s32 $0x14780;
	s7 =	sshrl.u32 s7, $0x3;
	[dreg:$0x17] =	wrdreg s1  }
0x1d: {  	s1 =	simm.s32 $0x14700;
	s8 =	sadd.s32 s7, s5;
	s7 =	sadd.s32 s6, s7  }
0x1e: {  	s6 =	sadd.s32 s9, s2;
	[dreg:$0x4] =	wrdreg s7;
	s10 =	sadd.s32 $0xE2E00, s8  }
0x1f: {  	s5 =	simm.s32 $0x14F00;
	s8 =	sor.u32 $0x1C03, s13;
	[dreg:$0x5] =	wrdreg s10  }
0x20: {  	s9 =	sshrl.u32 s6, $0x3;
	s13 =	simm.s32 $0x14000;
	[dreg:$0x16] =	wrdreg s8  }
0x21: {  	s7 =	simm.s32 $0x14F80;
	s10 =	simm.s32 $0x3;
	[dreg:$0x19] =	wrdreg s9  }
.LBB2_1:
0x22: {  	[dreg:$0x14] =	wrdreg s3  }
0x23: {  	s6 =	rddreg [dreg:$0x15]  }
0x24: {  	[spmem:s9], [sflag:s8] =	dma.local [hbm:s6], $0x2800  }
0x25: {  	_ =	swait.ge [sflag:s10], $0x2800  }
0x26: {  	[sflag:s10] =	ssyncset.done $0x0  }
0x27: {  	[sflag:s10] =	ssyncadd.s32 $0xFFFFD800  }
0x28: {  	[bflag:$0x0] =	sbarrier.arrive $0xFFFF  }
0x29: {  	s6 =	rddreg [dreg:$0x4]  }
0x2a: {  	s6 =	sadd.s32 $0x0, s6  }
0x2b: {  	[tilespmem:s13], [sflag:$0x3] =	stream.strided.gather [hbm4b:s6+s11], $0x800, s12, s11, $0x38;
	[tilespmem:$0x1D000] =	vst v63  }
0x2c: {  	_ =	swait.ge [sflag:s10], $0x800  }
0x2d: {  	s9 =	rddreg [dreg:$0x5];
	[sflag:s10] =	ssyncset.done $0x0  }
0x2e: {  	[sflag:s10] =	ssyncadd.s32 $0xFFFFF800;
	s6 =	sadd.s32 $0x0, s9  }
0x2f: {  	[tilespmem:s14], [sflag:$0x3] =	stream.strided.gather [hbm4b:s6+s11], $0x800, s12, s11, $0x38;
	[tilespmem:$0x1D000] =	vst v63  }
0x30: {  	_ =	swait.ge [sflag:s10], $0x800  }
0x31: {  	[sflag:s10] =	ssyncset.done $0x0  }
0x32: {  	[sflag:s10] =	ssyncadd.s32 $0xFFFFF800  }
0x33: {  	[tilespmem:s15], [sflag:$0x1] =	stream.indirect.gather [hbm4b:s4+s11], $0x80, s13, s11, $0xb8;
	[tilespmem:$0x1D000] =	vst v63  }
0x34: {  	s3 =	rddreg [dreg:$0x6]  }
0x35: {  	[tilespmem:s16], [sflag:$0x2] =	stream.indirect.gather [hbm4b:s4+s11], $0x80, s3, s11, $0xb8;
	[tilespmem:$0x1D000] =	vst v63  }
0x36: {  	_ =	swait.ge [sflag:s17], $0x4000  }
0x37: {  	[sflag:s17] =	ssyncset.done $0x0  }
0x38: {  	[sflag:s17] =	ssyncadd.s32 $0xFFFFC000  }
0x39: {  	[spmem:s2] =	stream.indirect.scatter.add.f32 [tilespmem:s15], [sflag:$0x3], $0x80, s14, s11, $0xb8;
	[tilespmem:$0x1D000] =	vst v63  }
0x3a: {  	_ =	swait.ge [sflag:s10], $0x4000  }
0x3b: {  	[sflag:s10] =	ssyncset.done $0x0  }
0x3c: {  	[sflag:s10] =	ssyncadd.s32 $0xFFFFC000  }
0x3d: {  	_ =	swait.ge [sflag:s18], $0x4000  }
0x3e: {  	[sflag:s18] =	ssyncset.done $0x0  }
0x3f: {  	s8 =	rddreg [dreg:$0x7];
	[sflag:s18] =	ssyncadd.s32 $0xFFFFC000  }
0x40: {  	[spmem:s2] =	stream.indirect.scatter.add.f32 [tilespmem:s16], [sflag:$0x3], $0x80, s8, s11, $0xb8;
	[tilespmem:$0x1D000] =	vst v63  }
0x41: {  	_ =	swait.ge [sflag:s10], $0x4000  }
0x42: {  	[sflag:s10] =	ssyncset.done $0x0  }
0x43: {  	s9 =	rddreg [dreg:$0x8];
	[sflag:s10] =	ssyncadd.s32 $0xFFFFC000  }
0x44: {  	[tilespmem:s15], [sflag:$0x1] =	stream.indirect.gather [hbm4b:s4+s11], $0x80, s9, s11, $0xb8;
	[tilespmem:$0x1D000] =	vst v63  }
0x45: {  	s3 =	rddreg [dreg:$0x9]  }
0x46: {  	[tilespmem:s16], [sflag:$0x2] =	stream.indirect.gather [hbm4b:s4+s11], $0x80, s3, s11, $0xb8;
	[tilespmem:$0x1D000] =	vst v63  }
0x47: {  	_ =	swait.ge [sflag:s17], $0x4000  }
0x48: {  	[sflag:s17] =	ssyncset.done $0x0  }
0x49: {  	s9 =	rddreg [dreg:$0xa];
	[sflag:s17] =	ssyncadd.s32 $0xFFFFC000  }
0x4a: {  	[spmem:s2] =	stream.indirect.scatter.add.f32 [tilespmem:s15], [sflag:$0x3], $0x80, s9, s11, $0xb8;
	[tilespmem:$0x1D000] =	vst v63  }
0x4b: {  	_ =	swait.ge [sflag:s10], $0x4000  }
0x4c: {  	[sflag:s10] =	ssyncset.done $0x0  }
0x4d: {  	[sflag:s10] =	ssyncadd.s32 $0xFFFFC000  }
0x4e: {  	_ =	swait.ge [sflag:s18], $0x4000  }
0x4f: {  	[sflag:s18] =	ssyncset.done $0x0  }
0x50: {  	s3 =	rddreg [dreg:$0xb];
	[sflag:s18] =	ssyncadd.s32 $0xFFFFC000  }
0x51: {  	[spmem:s2] =	stream.indirect.scatter.add.f32 [tilespmem:s16], [sflag:$0x3], $0x80, s3, s11, $0xb8;
	[tilespmem:$0x1D000] =	vst v63  }
0x52: {  	_ =	swait.ge [sflag:s10], $0x4000  }
0x53: {  	[sflag:s10] =	ssyncset.done $0x0  }
0x54: {  	s8 =	rddreg [dreg:$0xc];
	[sflag:s10] =	ssyncadd.s32 $0xFFFFC000  }
0x55: {  	[tilespmem:s15], [sflag:$0x1] =	stream.indirect.gather [hbm4b:s4+s11], $0x80, s8, s11, $0xb8;
	[tilespmem:$0x1D000] =	vst v63  }
0x56: {  	s9 =	rddreg [dreg:$0xd]  }
0x57: {  	[tilespmem:s16], [sflag:$0x2] =	stream.indirect.gather [hbm4b:s4+s11], $0x80, s9, s11, $0xb8;
	[tilespmem:$0x1D000] =	vst v63  }
0x58: {  	_ =	swait.ge [sflag:s17], $0x4000  }
0x59: {  	[sflag:s17] =	ssyncset.done $0x0  }
0x5a: {  	s3 =	rddreg [dreg:$0xe];
	[sflag:s17] =	ssyncadd.s32 $0xFFFFC000  }
0x5b: {  	[spmem:s2] =	stream.indirect.scatter.add.f32 [tilespmem:s15], [sflag:$0x3], $0x80, s3, s11, $0xb8;
	[tilespmem:$0x1D000] =	vst v63  }
0x5c: {  	_ =	swait.ge [sflag:s10], $0x4000  }
0x5d: {  	[sflag:s10] =	ssyncset.done $0x0  }
0x5e: {  	[sflag:s10] =	ssyncadd.s32 $0xFFFFC000  }
0x5f: {  	_ =	swait.ge [sflag:s18], $0x4000  }
0x60: {  	[sflag:s18] =	ssyncset.done $0x0  }
0x61: {  	s8 =	rddreg [dreg:$0xf];
	[sflag:s18] =	ssyncadd.s32 $0xFFFFC000  }
0x62: {  	[spmem:s2] =	stream.indirect.scatter.add.f32 [tilespmem:s16], [sflag:$0x3], $0x80, s8, s11, $0xb8;
	[tilespmem:$0x1D000] =	vst v63  }
0x63: {  	_ =	swait.ge [sflag:s10], $0x4000  }
0x64: {  	[sflag:s10] =	ssyncset.done $0x0  }
0x65: {  	s9 =	rddreg [dreg:$0x10];
	[sflag:s10] =	ssyncadd.s32 $0xFFFFC000  }
0x66: {  	[tilespmem:s15], [sflag:$0x1] =	stream.indirect.gather [hbm4b:s4+s11], $0x80, s9, s11, $0xb8;
	[tilespmem:$0x1D000] =	vst v63  }
0x67: {  	s3 =	rddreg [dreg:$0x11]  }
0x68: {  	[tilespmem:s16], [sflag:$0x2] =	stream.indirect.gather [hbm4b:s4+s11], $0x80, s3, s11, $0xb8;
	[tilespmem:$0x1D000] =	vst v63  }
0x69: {  	_ =	swait.ge [sflag:s17], $0x4000  }
0x6a: {  	[sflag:s17] =	ssyncset.done $0x0  }
0x6b: {  	s8 =	rddreg [dreg:$0x12];
	[sflag:s17] =	ssyncadd.s32 $0xFFFFC000  }
0x6c: {  	[spmem:s2] =	stream.indirect.scatter.add.f32 [tilespmem:s15], [sflag:$0x3], $0x80, s8, s11, $0xb8;
	[tilespmem:$0x1D000] =	vst v63  }
0x6d: {  	_ =	swait.ge [sflag:s10], $0x4000  }
0x6e: {  	[sflag:s10] =	ssyncset.done $0x0  }
0x6f: {  	[sflag:s10] =	ssyncadd.s32 $0xFFFFC000  }
0x70: {  	_ =	swait.ge [sflag:s18], $0x4000  }
0x71: {  	[sflag:s18] =	ssyncset.done $0x0  }
0x72: {  	s9 =	rddreg [dreg:$0x13];
	[sflag:s18] =	ssyncadd.s32 $0xFFFFC000  }
0x73: {  	[spmem:s2] =	stream.indirect.scatter.add.f32 [tilespmem:s16], [sflag:$0x3], $0x80, s9, s11, $0xb8;
	[tilespmem:$0x1D000] =	vst v63  }
0x74: {  	_ =	swait.ge [sflag:s10], $0x4000  }
0x75: {  	[sflag:s10] =	ssyncset.done $0x0  }
0x76: {  	[sflag:s10] =	ssyncadd.s32 $0xFFFFC000  }
0x77: {  	[tilespmem:s15], [sflag:$0x1] =	stream.indirect.gather [hbm4b:s4+s11], $0x80, s19, s11, $0xb8;
	[tilespmem:$0x1D000] =	vst v63  }
0x78: {  	_ = 	snop  }
0x79: {  	[tilespmem:s16], [sflag:$0x2] =	stream.indirect.gather [hbm4b:s4+s11], $0x80, s20, s11, $0xb8;
	[tilespmem:$0x1D000] =	vst v63  }
0x7a: {  	_ =	swait.ge [sflag:s17], $0x4000  }
0x7b: {  	[sflag:s17] =	ssyncset.done $0x0  }
0x7c: {  	[sflag:s17] =	ssyncadd.s32 $0xFFFFC000  }
0x7d: {  	[spmem:s2] =	stream.indirect.scatter.add.f32 [tilespmem:s15], [sflag:$0x3], $0x80, s21, s11, $0xb8;
	[tilespmem:$0x1D000] =	vst v63  }
0x7e: {  	_ =	swait.ge [sflag:s10], $0x4000  }
0x7f: {  	[sflag:s10] =	ssyncset.done $0x0  }
0x80: {  	[sflag:s10] =	ssyncadd.s32 $0xFFFFC000  }
0x81: {  	_ =	swait.ge [sflag:s18], $0x4000  }
0x82: {  	[sflag:s18] =	ssyncset.done $0x0  }
0x83: {  	[sflag:s18] =	ssyncadd.s32 $0xFFFFC000  }
0x84: {  	[spmem:s2] =	stream.indirect.scatter.add.f32 [tilespmem:s16], [sflag:$0x3], $0x80, s22, s11, $0xb8;
	[tilespmem:$0x1D000] =	vst v63  }
0x85: {  	_ =	swait.ge [sflag:s10], $0x4000  }
0x86: {  	[sflag:s10] =	ssyncset.done $0x0  }
0x87: {  	[sflag:s10] =	ssyncadd.s32 $0xFFFFC000  }
0x88: {  	[tilespmem:s15], [sflag:$0x1] =	stream.indirect.gather [hbm4b:s4+s11], $0x80, s23, s11, $0xb8;
	[tilespmem:$0x1D000] =	vst v63  }
0x89: {  	_ = 	snop  }
0x8a: {  	[tilespmem:s16], [sflag:$0x2] =	stream.indirect.gather [hbm4b:s4+s11], $0x80, s24, s11, $0xb8;
	[tilespmem:$0x1D000] =	vst v63  }
0x8b: {  	_ =	swait.ge [sflag:s17], $0x4000  }
0x8c: {  	[sflag:s17] =	ssyncset.done $0x0  }
0x8d: {  	[sflag:s17] =	ssyncadd.s32 $0xFFFFC000  }
0x8e: {  	[spmem:s2] =	stream.indirect.scatter.add.f32 [tilespmem:s15], [sflag:$0x3], $0x80, s25, s11, $0xb8;
	[tilespmem:$0x1D000] =	vst v63  }
0x8f: {  	_ =	swait.ge [sflag:s10], $0x4000  }
0x90: {  	[sflag:s10] =	ssyncset.done $0x0  }
0x91: {  	[sflag:s10] =	ssyncadd.s32 $0xFFFFC000  }
0x92: {  	_ =	swait.ge [sflag:s18], $0x4000  }
0x93: {  	[sflag:s18] =	ssyncset.done $0x0  }
0x94: {  	[sflag:s18] =	ssyncadd.s32 $0xFFFFC000  }
0x95: {  	[spmem:s2] =	stream.indirect.scatter.add.f32 [tilespmem:s16], [sflag:$0x3], $0x80, s26, s11, $0xb8;
	[tilespmem:$0x1D000] =	vst v63  }
0x96: {  	_ =	swait.ge [sflag:s10], $0x4000  }
0x97: {  	[sflag:s10] =	ssyncset.done $0x0  }
0x98: {  	[sflag:s10] =	ssyncadd.s32 $0xFFFFC000  }
0x99: {  	[tilespmem:s15], [sflag:$0x1] =	stream.indirect.gather [hbm4b:s4+s11], $0x80, s28, s11, $0xb8;
	[tilespmem:$0x1D000] =	vst v63  }
0x9a: {  	_ = 	snop  }
0x9b: {  	[tilespmem:s16], [sflag:$0x2] =	stream.indirect.gather [hbm4b:s4+s11], $0x80, s29, s11, $0xb8;
	[tilespmem:$0x1D000] =	vst v63  }
0x9c: {  	_ =	swait.ge [sflag:s17], $0x4000  }
0x9d: {  	[sflag:s17] =	ssyncset.done $0x0  }
0x9e: {  	[sflag:s17] =	ssyncadd.s32 $0xFFFFC000  }
0x9f: {  	[spmem:s2] =	stream.indirect.scatter.add.f32 [tilespmem:s15], [sflag:$0x3], $0x80, s30, s11, $0xb8;
	[tilespmem:$0x1D000] =	vst v63  }
0xa0: {  	_ =	swait.ge [sflag:s10], $0x4000  }
0xa1: {  	[sflag:s10] =	ssyncset.done $0x0  }
0xa2: {  	[sflag:s10] =	ssyncadd.s32 $0xFFFFC000  }
0xa3: {  	_ =	swait.ge [sflag:s18], $0x4000  }
0xa4: {  	[sflag:s18] =	ssyncset.done $0x0  }
0xa5: {  	[sflag:s18] =	ssyncadd.s32 $0xFFFFC000  }
0xa6: {  	[spmem:s2] =	stream.indirect.scatter.add.f32 [tilespmem:s16], [sflag:$0x3], $0x80, s31, s11, $0xb8;
	[tilespmem:$0x1D000] =	vst v63  }
0xa7: {  	_ =	swait.ge [sflag:s10], $0x4000  }
0xa8: {  	[sflag:s10] =	ssyncset.done $0x0  }
0xa9: {  	[sflag:s10] =	ssyncadd.s32 $0xFFFFC000  }
0xaa: {  	[tilespmem:s15], [sflag:$0x1] =	stream.indirect.gather [hbm4b:s4+s11], $0x80, s1, s11, $0xb8;
	[tilespmem:$0x1D000] =	vst v63  }
0xab: {  	_ = 	snop  }
0xac: {  	[tilespmem:s16], [sflag:$0x2] =	stream.indirect.gather [hbm4b:s4+s11], $0x80, s0, s11, $0xb8;
	[tilespmem:$0x1D000] =	vst v63  }
0xad: {  	_ =	swait.ge [sflag:s17], $0x4000  }
0xae: {  	[sflag:s17] =	ssyncset.done $0x0  }
0xaf: {  	[sflag:s17] =	ssyncadd.s32 $0xFFFFC000  }
0xb0: {  	[spmem:s2] =	stream.indirect.scatter.add.f32 [tilespmem:s15], [sflag:$0x3], $0x80, s5, s11, $0xb8;
	[tilespmem:$0x1D000] =	vst v63  }
0xb1: {  	_ =	swait.ge [sflag:s10], $0x4000  }
0xb2: {  	[sflag:s10] =	ssyncset.done $0x0  }
0xb3: {  	[sflag:s10] =	ssyncadd.s32 $0xFFFFC000  }
0xb4: {  	_ =	swait.ge [sflag:s18], $0x4000  }
0xb5: {  	[sflag:s18] =	ssyncset.done $0x0  }
0xb6: {  	[sflag:s18] =	ssyncadd.s32 $0xFFFFC000  }
0xb7: {  	[spmem:s2] =	stream.indirect.scatter.add.f32 [tilespmem:s16], [sflag:$0x3], $0x80, s7, s11, $0xb8;
	[tilespmem:$0x1D000] =	vst v63  }
0xb8: {  	s6 =	simm.s32 $0x1000;
	_ =	swait.ge [sflag:s10], $0x4000  }
0xb9: {  	s8 =	simm.s32 $0x800;
	s9 =	rddreg [dreg:$0x4];
	[sflag:s10] =	ssyncset.done $0x0  }
.LBB2_2:
0xba: {  	[sflag:s10] =	ssyncadd.s32 $0xFFFFC000;
	s9 =	sadd.s32 s8, s9  }
0xbb: {  	[tilespmem:s13], [sflag:$0x3] =	stream.strided.gather [hbm4b:s9+s11], $0x800, s12, s11, $0x38;
	[tilespmem:$0x1D000] =	vst v63  }
0xbc: {  	_ =	swait.ge [sflag:s10], $0x800  }
0xbd: {  	s9 =	rddreg [dreg:$0x5];
	[sflag:s10] =	ssyncset.done $0x0  }
0xbe: {  	[sflag:s10] =	ssyncadd.s32 $0xFFFFF800;
	s9 =	sadd.s32 s8, s9  }
0xbf: {  	[tilespmem:s14], [sflag:$0x3] =	stream.strided.gather [hbm4b:s9+s11], $0x800, s12, s11, $0x38;
	[tilespmem:$0x1D000] =	vst v63  }
0xc0: {  	_ =	swait.ge [sflag:s10], $0x800  }
0xc1: {  	[sflag:s10] =	ssyncset.done $0x0  }
0xc2: {  	[sflag:s10] =	ssyncadd.s32 $0xFFFFF800  }
0xc3: {  	[tilespmem:s15], [sflag:$0x1] =	stream.indirect.gather [hbm4b:s4+s11], $0x80, s13, s11, $0xb8;
	[tilespmem:$0x1D000] =	vst v63  }
0xc4: {  	s9 =	rddreg [dreg:$0x6]  }
0xc5: {  	[tilespmem:s16], [sflag:$0x2] =	stream.indirect.gather [hbm4b:s4+s11], $0x80, s9, s11, $0xb8;
	[tilespmem:$0x1D000] =	vst v63  }
0xc6: {  	_ =	swait.ge [sflag:s17], $0x4000  }
0xc7: {  	[sflag:s17] =	ssyncset.done $0x0  }
0xc8: {  	[sflag:s17] =	ssyncadd.s32 $0xFFFFC000  }
0xc9: {  	[spmem:s2] =	stream.indirect.scatter.add.f32 [tilespmem:s15], [sflag:$0x3], $0x80, s14, s11, $0xb8;
	[tilespmem:$0x1D000] =	vst v63  }
0xca: {  	_ =	swait.ge [sflag:s10], $0x4000  }
0xcb: {  	[sflag:s10] =	ssyncset.done $0x0  }
0xcc: {  	[sflag:s10] =	ssyncadd.s32 $0xFFFFC000  }
0xcd: {  	_ =	swait.ge [sflag:s18], $0x4000  }
0xce: {  	[sflag:s18] =	ssyncset.done $0x0  }
0xcf: {  	s9 =	rddreg [dreg:$0x7];
	[sflag:s18] =	ssyncadd.s32 $0xFFFFC000  }
0xd0: {  	[spmem:s2] =	stream.indirect.scatter.add.f32 [tilespmem:s16], [sflag:$0x3], $0x80, s9, s11, $0xb8;
	[tilespmem:$0x1D000] =	vst v63  }
0xd1: {  	_ =	swait.ge [sflag:s10], $0x4000  }
0xd2: {  	s3 =	smov.u32 s6;
	[sflag:s10] =	ssyncset.done $0x0  }
0xd3: {  	s8 =	smov.u32 s3;
	s3 =	rddreg [dreg:$0x8];
	[sflag:s10] =	ssyncadd.s32 $0xFFFFC000  }
0xd4: {  	[tilespmem:s15], [sflag:$0x1] =	stream.indirect.gather [hbm4b:s4+s11], $0x80, s3, s11, $0xb8;
	[tilespmem:$0x1D000] =	vst v63  }
0xd5: {  	s9 =	rddreg [dreg:$0x9]  }
0xd6: {  	[tilespmem:s16], [sflag:$0x2] =	stream.indirect.gather [hbm4b:s4+s11], $0x80, s9, s11, $0xb8;
	[tilespmem:$0x1D000] =	vst v63  }
0xd7: {  	_ =	swait.ge [sflag:s17], $0x4000  }
0xd8: {  	[sflag:s17] =	ssyncset.done $0x0  }
0xd9: {  	s9 =	rddreg [dreg:$0xa];
	[sflag:s17] =	ssyncadd.s32 $0xFFFFC000  }
0xda: {  	[spmem:s2] =	stream.indirect.scatter.add.f32 [tilespmem:s15], [sflag:$0x3], $0x80, s9, s11, $0xb8;
	[tilespmem:$0x1D000] =	vst v63  }
0xdb: {  	_ =	swait.ge [sflag:s10], $0x4000  }
0xdc: {  	[sflag:s10] =	ssyncset.done $0x0  }
0xdd: {  	[sflag:s10] =	ssyncadd.s32 $0xFFFFC000  }
0xde: {  	_ =	swait.ge [sflag:s18], $0x4000  }
0xdf: {  	[sflag:s18] =	ssyncset.done $0x0  }
0xe0: {  	s9 =	rddreg [dreg:$0xb];
	[sflag:s18] =	ssyncadd.s32 $0xFFFFC000  }
0xe1: {  	[spmem:s2] =	stream.indirect.scatter.add.f32 [tilespmem:s16], [sflag:$0x3], $0x80, s9, s11, $0xb8;
	[tilespmem:$0x1D000] =	vst v63  }
0xe2: {  	_ =	swait.ge [sflag:s10], $0x4000  }
0xe3: {  	[sflag:s10] =	ssyncset.done $0x0  }
0xe4: {  	s3 =	rddreg [dreg:$0xc];
	[sflag:s10] =	ssyncadd.s32 $0xFFFFC000  }
0xe5: {  	[tilespmem:s15], [sflag:$0x1] =	stream.indirect.gather [hbm4b:s4+s11], $0x80, s3, s11, $0xb8;
	[tilespmem:$0x1D000] =	vst v63  }
0xe6: {  	s9 =	rddreg [dreg:$0xd]  }
0xe7: {  	[tilespmem:s16], [sflag:$0x2] =	stream.indirect.gather [hbm4b:s4+s11], $0x80, s9, s11, $0xb8;
	[tilespmem:$0x1D000] =	vst v63  }
0xe8: {  	_ =	swait.ge [sflag:s17], $0x4000  }
0xe9: {  	[sflag:s17] =	ssyncset.done $0x0  }
0xea: {  	s9 =	rddreg [dreg:$0xe];
	[sflag:s17] =	ssyncadd.s32 $0xFFFFC000  }
0xeb: {  	[spmem:s2] =	stream.indirect.scatter.add.f32 [tilespmem:s15], [sflag:$0x3], $0x80, s9, s11, $0xb8;
	[tilespmem:$0x1D000] =	vst v63  }
0xec: {  	_ =	swait.ge [sflag:s10], $0x4000  }
0xed: {  	[sflag:s10] =	ssyncset.done $0x0  }
0xee: {  	[sflag:s10] =	ssyncadd.s32 $0xFFFFC000  }
0xef: {  	_ =	swait.ge [sflag:s18], $0x4000  }
0xf0: {  	[sflag:s18] =	ssyncset.done $0x0  }
0xf1: {  	s9 =	rddreg [dreg:$0xf];
	[sflag:s18] =	ssyncadd.s32 $0xFFFFC000  }
0xf2: {  	[spmem:s2] =	stream.indirect.scatter.add.f32 [tilespmem:s16], [sflag:$0x3], $0x80, s9, s11, $0xb8;
	[tilespmem:$0x1D000] =	vst v63  }
0xf3: {  	_ =	swait.ge [sflag:s10], $0x4000  }
0xf4: {  	[sflag:s10] =	ssyncset.done $0x0  }
0xf5: {  	s3 =	rddreg [dreg:$0x10];
	[sflag:s10] =	ssyncadd.s32 $0xFFFFC000  }
0xf6: {  	[tilespmem:s15], [sflag:$0x1] =	stream.indirect.gather [hbm4b:s4+s11], $0x80, s3, s11, $0xb8;
	[tilespmem:$0x1D000] =	vst v63  }
0xf7: {  	s9 =	rddreg [dreg:$0x11]  }
0xf8: {  	[tilespmem:s16], [sflag:$0x2] =	stream.indirect.gather [hbm4b:s4+s11], $0x80, s9, s11, $0xb8;
	[tilespmem:$0x1D000] =	vst v63  }
0xf9: {  	_ =	swait.ge [sflag:s17], $0x4000  }
0xfa: {  	[sflag:s17] =	ssyncset.done $0x0  }
0xfb: {  	s9 =	rddreg [dreg:$0x12];
	[sflag:s17] =	ssyncadd.s32 $0xFFFFC000  }
0xfc: {  	[spmem:s2] =	stream.indirect.scatter.add.f32 [tilespmem:s15], [sflag:$0x3], $0x80, s9, s11, $0xb8;
	[tilespmem:$0x1D000] =	vst v63  }
0xfd: {  	_ =	swait.ge [sflag:s10], $0x4000  }
0xfe: {  	[sflag:s10] =	ssyncset.done $0x0  }
0xff: {  	[sflag:s10] =	ssyncadd.s32 $0xFFFFC000  }
0x100: {  	_ =	swait.ge [sflag:s18], $0x4000  }
0x101: {  	[sflag:s18] =	ssyncset.done $0x0  }
0x102: {  	s9 =	rddreg [dreg:$0x13];
	[sflag:s18] =	ssyncadd.s32 $0xFFFFC000  }
0x103: {  	[spmem:s2] =	stream.indirect.scatter.add.f32 [tilespmem:s16], [sflag:$0x3], $0x80, s9, s11, $0xb8;
	[tilespmem:$0x1D000] =	vst v63  }
0x104: {  	_ =	swait.ge [sflag:s10], $0x4000  }
0x105: {  	[sflag:s10] =	ssyncset.done $0x0  }
0x106: {  	[sflag:s10] =	ssyncadd.s32 $0xFFFFC000  }
0x107: {  	[tilespmem:s15], [sflag:$0x1] =	stream.indirect.gather [hbm4b:s4+s11], $0x80, s19, s11, $0xb8;
	[tilespmem:$0x1D000] =	vst v63  }
0x108: {  	_ = 	snop  }
0x109: {  	[tilespmem:s16], [sflag:$0x2] =	stream.indirect.gather [hbm4b:s4+s11], $0x80, s20, s11, $0xb8;
	[tilespmem:$0x1D000] =	vst v63  }
0x10a: {  	_ =	swait.ge [sflag:s17], $0x4000  }
0x10b: {  	[sflag:s17] =	ssyncset.done $0x0  }
0x10c: {  	[sflag:s17] =	ssyncadd.s32 $0xFFFFC000  }
0x10d: {  	[spmem:s2] =	stream.indirect.scatter.add.f32 [tilespmem:s15], [sflag:$0x3], $0x80, s21, s11, $0xb8;
	[tilespmem:$0x1D000] =	vst v63  }
0x10e: {  	_ =	swait.ge [sflag:s10], $0x4000  }
0x10f: {  	[sflag:s10] =	ssyncset.done $0x0  }
0x110: {  	[sflag:s10] =	ssyncadd.s32 $0xFFFFC000  }
0x111: {  	_ =	swait.ge [sflag:s18], $0x4000  }
0x112: {  	[sflag:s18] =	ssyncset.done $0x0  }
0x113: {  	[sflag:s18] =	ssyncadd.s32 $0xFFFFC000  }
0x114: {  	[spmem:s2] =	stream.indirect.scatter.add.f32 [tilespmem:s16], [sflag:$0x3], $0x80, s22, s11, $0xb8;
	[tilespmem:$0x1D000] =	vst v63  }
0x115: {  	_ =	swait.ge [sflag:s10], $0x4000  }
0x116: {  	[sflag:s10] =	ssyncset.done $0x0  }
0x117: {  	[sflag:s10] =	ssyncadd.s32 $0xFFFFC000  }
0x118: {  	[tilespmem:s15], [sflag:$0x1] =	stream.indirect.gather [hbm4b:s4+s11], $0x80, s23, s11, $0xb8;
	[tilespmem:$0x1D000] =	vst v63  }
0x119: {  	_ = 	snop  }
0x11a: {  	[tilespmem:s16], [sflag:$0x2] =	stream.indirect.gather [hbm4b:s4+s11], $0x80, s24, s11, $0xb8;
	[tilespmem:$0x1D000] =	vst v63  }
0x11b: {  	_ =	swait.ge [sflag:s17], $0x4000  }
0x11c: {  	[sflag:s17] =	ssyncset.done $0x0  }
0x11d: {  	[sflag:s17] =	ssyncadd.s32 $0xFFFFC000  }
0x11e: {  	[spmem:s2] =	stream.indirect.scatter.add.f32 [tilespmem:s15], [sflag:$0x3], $0x80, s25, s11, $0xb8;
	[tilespmem:$0x1D000] =	vst v63  }
0x11f: {  	_ =	swait.ge [sflag:s10], $0x4000  }
0x120: {  	[sflag:s10] =	ssyncset.done $0x0  }
0x121: {  	[sflag:s10] =	ssyncadd.s32 $0xFFFFC000  }
0x122: {  	_ =	swait.ge [sflag:s18], $0x4000  }
0x123: {  	[sflag:s18] =	ssyncset.done $0x0  }
0x124: {  	[sflag:s18] =	ssyncadd.s32 $0xFFFFC000  }
0x125: {  	[spmem:s2] =	stream.indirect.scatter.add.f32 [tilespmem:s16], [sflag:$0x3], $0x80, s26, s11, $0xb8;
	[tilespmem:$0x1D000] =	vst v63  }
0x126: {  	_ =	swait.ge [sflag:s10], $0x4000  }
0x127: {  	[sflag:s10] =	ssyncset.done $0x0  }
0x128: {  	[sflag:s10] =	ssyncadd.s32 $0xFFFFC000  }
0x129: {  	[tilespmem:s15], [sflag:$0x1] =	stream.indirect.gather [hbm4b:s4+s11], $0x80, s28, s11, $0xb8;
	[tilespmem:$0x1D000] =	vst v63  }
0x12a: {  	_ = 	snop  }
0x12b: {  	[tilespmem:s16], [sflag:$0x2] =	stream.indirect.gather [hbm4b:s4+s11], $0x80, s29, s11, $0xb8;
	[tilespmem:$0x1D000] =	vst v63  }
0x12c: {  	_ =	swait.ge [sflag:s17], $0x4000  }
0x12d: {  	[sflag:s17] =	ssyncset.done $0x0  }
0x12e: {  	[sflag:s17] =	ssyncadd.s32 $0xFFFFC000  }
0x12f: {  	[spmem:s2] =	stream.indirect.scatter.add.f32 [tilespmem:s15], [sflag:$0x3], $0x80, s30, s11, $0xb8;
	[tilespmem:$0x1D000] =	vst v63  }
0x130: {  	_ =	swait.ge [sflag:s10], $0x4000  }
0x131: {  	[sflag:s10] =	ssyncset.done $0x0  }
0x132: {  	[sflag:s10] =	ssyncadd.s32 $0xFFFFC000  }
0x133: {  	_ =	swait.ge [sflag:s18], $0x4000  }
0x134: {  	[sflag:s18] =	ssyncset.done $0x0  }
0x135: {  	[sflag:s18] =	ssyncadd.s32 $0xFFFFC000  }
0x136: {  	[spmem:s2] =	stream.indirect.scatter.add.f32 [tilespmem:s16], [sflag:$0x3], $0x80, s31, s11, $0xb8;
	[tilespmem:$0x1D000] =	vst v63  }
0x137: {  	_ =	swait.ge [sflag:s10], $0x4000  }
0x138: {  	[sflag:s10] =	ssyncset.done $0x0  }
0x139: {  	[sflag:s10] =	ssyncadd.s32 $0xFFFFC000  }
0x13a: {  	[tilespmem:s15], [sflag:$0x1] =	stream.indirect.gather [hbm4b:s4+s11], $0x80, s1, s11, $0xb8;
	[tilespmem:$0x1D000] =	vst v63  }
0x13b: {  	_ = 	snop  }
0x13c: {  	[tilespmem:s16], [sflag:$0x2] =	stream.indirect.gather [hbm4b:s4+s11], $0x80, s0, s11, $0xb8;
	[tilespmem:$0x1D000] =	vst v63  }
0x13d: {  	_ =	swait.ge [sflag:s17], $0x4000  }
0x13e: {  	[sflag:s17] =	ssyncset.done $0x0  }
0x13f: {  	[sflag:s17] =	ssyncadd.s32 $0xFFFFC000  }
0x140: {  	[spmem:s2] =	stream.indirect.scatter.add.f32 [tilespmem:s15], [sflag:$0x3], $0x80, s5, s11, $0xb8;
	[tilespmem:$0x1D000] =	vst v63  }
0x141: {  	_ =	swait.ge [sflag:s10], $0x4000  }
0x142: {  	[sflag:s10] =	ssyncset.done $0x0  }
0x143: {  	[sflag:s10] =	ssyncadd.s32 $0xFFFFC000  }
0x144: {  	p0 =	sne.s32 s6, $0x4800;
	_ =	swait.ge [sflag:s18], $0x4000  }
.Ltmp0:
0x145: {  	[sflag:s18] =	ssyncset.done $0x0;
	(pc) =	sbr.rel @p0 .LBB2_2-.Ltmp0, $4  }
0x146: {  	[sflag:s18] =	ssyncadd.s32 $0xFFFFC000  }
0x147: {  	[spmem:s2] =	stream.indirect.scatter.add.f32 [tilespmem:s16], [sflag:$0x3], $0x80, s7, s11, $0xb8;
	[tilespmem:$0x1D000] =	vst v63  }
0x148: {  	_ =	swait.ge [sflag:s10], $0x4000  }
0x149: {  	s6 =	sadd.s32 $0x800, s6;
	s9 =	rddreg [dreg:$0x4];
	[sflag:s10] =	ssyncset.done $0x0  }
0x14a: {  	[sflag:s10] =	ssyncadd.s32 $0xFFFFC000;
	s3 =	sadd.s32 s8, s9  }
0x14b: {  	[tilespmem:s13], [sflag:$0x3] =	stream.strided.gather [hbm4b:s3+s11], $0x800, s12, s11, $0x38;
	[tilespmem:$0x1D000] =	vst v63  }
0x14c: {  	_ =	swait.ge [sflag:s10], $0x800  }
0x14d: {  	s9 =	rddreg [dreg:$0x5];
	[sflag:s10] =	ssyncset.done $0x0  }
0x14e: {  	[sflag:s10] =	ssyncadd.s32 $0xFFFFF800;
	s3 =	sadd.s32 s8, s9  }
0x14f: {  	[tilespmem:s14], [sflag:$0x3] =	stream.strided.gather [hbm4b:s3+s11], $0x800, s12, s11, $0x38;
	[tilespmem:$0x1D000] =	vst v63  }
0x150: {  	_ =	swait.ge [sflag:s10], $0x800  }
0x151: {  	[sflag:s10] =	ssyncset.done $0x0  }
0x152: {  	[sflag:s10] =	ssyncadd.s32 $0xFFFFF800  }
0x153: {  	[tilespmem:s15], [sflag:$0x1] =	stream.indirect.gather [hbm4b:s4+s11], $0x80, s13, s11, $0xb8;
	[tilespmem:$0x1D000] =	vst v63  }
0x154: {  	s6 =	rddreg [dreg:$0x6]  }
0x155: {  	[tilespmem:s16], [sflag:$0x2] =	stream.indirect.gather [hbm4b:s4+s11], $0x80, s6, s11, $0xb8;
	[tilespmem:$0x1D000] =	vst v63  }
0x156: {  	_ =	swait.ge [sflag:s17], $0x4000  }
0x157: {  	[sflag:s17] =	ssyncset.done $0x0  }
0x158: {  	[sflag:s17] =	ssyncadd.s32 $0xFFFFC000  }
0x159: {  	[spmem:s2] =	stream.indirect.scatter.add.f32 [tilespmem:s15], [sflag:$0x3], $0x80, s14, s11, $0xb8;
	[tilespmem:$0x1D000] =	vst v63  }
0x15a: {  	_ =	swait.ge [sflag:s10], $0x4000  }
0x15b: {  	[sflag:s10] =	ssyncset.done $0x0  }
0x15c: {  	[sflag:s10] =	ssyncadd.s32 $0xFFFFC000  }
0x15d: {  	_ =	swait.ge [sflag:s18], $0x4000  }
0x15e: {  	[sflag:s18] =	ssyncset.done $0x0  }
0x15f: {  	s8 =	rddreg [dreg:$0x7];
	[sflag:s18] =	ssyncadd.s32 $0xFFFFC000  }
0x160: {  	[spmem:s2] =	stream.indirect.scatter.add.f32 [tilespmem:s16], [sflag:$0x3], $0x80, s8, s11, $0xb8;
	[tilespmem:$0x1D000] =	vst v63  }
0x161: {  	_ =	swait.ge [sflag:s10], $0x4000  }
0x162: {  	[sflag:s10] =	ssyncset.done $0x0  }
0x163: {  	s9 =	rddreg [dreg:$0x8];
	[sflag:s10] =	ssyncadd.s32 $0xFFFFC000  }
0x164: {  	[tilespmem:s15], [sflag:$0x1] =	stream.indirect.gather [hbm4b:s4+s11], $0x80, s9, s11, $0xb8;
	[tilespmem:$0x1D000] =	vst v63  }
0x165: {  	s6 =	rddreg [dreg:$0x9]  }
0x166: {  	[tilespmem:s16], [sflag:$0x2] =	stream.indirect.gather [hbm4b:s4+s11], $0x80, s6, s11, $0xb8;
	[tilespmem:$0x1D000] =	vst v63  }
0x167: {  	_ =	swait.ge [sflag:s17], $0x4000  }
0x168: {  	[sflag:s17] =	ssyncset.done $0x0  }
0x169: {  	s8 =	rddreg [dreg:$0xa];
	[sflag:s17] =	ssyncadd.s32 $0xFFFFC000  }
0x16a: {  	[spmem:s2] =	stream.indirect.scatter.add.f32 [tilespmem:s15], [sflag:$0x3], $0x80, s8, s11, $0xb8;
	[tilespmem:$0x1D000] =	vst v63  }
0x16b: {  	_ =	swait.ge [sflag:s10], $0x4000  }
0x16c: {  	[sflag:s10] =	ssyncset.done $0x0  }
0x16d: {  	[sflag:s10] =	ssyncadd.s32 $0xFFFFC000  }
0x16e: {  	_ =	swait.ge [sflag:s18], $0x4000  }
0x16f: {  	[sflag:s18] =	ssyncset.done $0x0  }
0x170: {  	s9 =	rddreg [dreg:$0xb];
	[sflag:s18] =	ssyncadd.s32 $0xFFFFC000  }
0x171: {  	[spmem:s2] =	stream.indirect.scatter.add.f32 [tilespmem:s16], [sflag:$0x3], $0x80, s9, s11, $0xb8;
	[tilespmem:$0x1D000] =	vst v63  }
0x172: {  	_ =	swait.ge [sflag:s10], $0x4000  }
0x173: {  	[sflag:s10] =	ssyncset.done $0x0  }
0x174: {  	s6 =	rddreg [dreg:$0xc];
	[sflag:s10] =	ssyncadd.s32 $0xFFFFC000  }
0x175: {  	[tilespmem:s15], [sflag:$0x1] =	stream.indirect.gather [hbm4b:s4+s11], $0x80, s6, s11, $0xb8;
	[tilespmem:$0x1D000] =	vst v63  }
0x176: {  	s8 =	rddreg [dreg:$0xd]  }
0x177: {  	[tilespmem:s16], [sflag:$0x2] =	stream.indirect.gather [hbm4b:s4+s11], $0x80, s8, s11, $0xb8;
	[tilespmem:$0x1D000] =	vst v63  }
0x178: {  	_ =	swait.ge [sflag:s17], $0x4000  }
0x179: {  	[sflag:s17] =	ssyncset.done $0x0  }
0x17a: {  	s9 =	rddreg [dreg:$0xe];
	[sflag:s17] =	ssyncadd.s32 $0xFFFFC000  }
0x17b: {  	[spmem:s2] =	stream.indirect.scatter.add.f32 [tilespmem:s15], [sflag:$0x3], $0x80, s9, s11, $0xb8;
	[tilespmem:$0x1D000] =	vst v63  }
0x17c: {  	_ =	swait.ge [sflag:s10], $0x4000  }
0x17d: {  	[sflag:s10] =	ssyncset.done $0x0  }
0x17e: {  	[sflag:s10] =	ssyncadd.s32 $0xFFFFC000  }
0x17f: {  	_ =	swait.ge [sflag:s18], $0x4000  }
0x180: {  	[sflag:s18] =	ssyncset.done $0x0  }
0x181: {  	s6 =	rddreg [dreg:$0xf];
	[sflag:s18] =	ssyncadd.s32 $0xFFFFC000  }
0x182: {  	[spmem:s2] =	stream.indirect.scatter.add.f32 [tilespmem:s16], [sflag:$0x3], $0x80, s6, s11, $0xb8;
	[tilespmem:$0x1D000] =	vst v63  }
0x183: {  	_ =	swait.ge [sflag:s10], $0x4000  }
0x184: {  	[sflag:s10] =	ssyncset.done $0x0  }
0x185: {  	s8 =	rddreg [dreg:$0x10];
	[sflag:s10] =	ssyncadd.s32 $0xFFFFC000  }
0x186: {  	[tilespmem:s15], [sflag:$0x1] =	stream.indirect.gather [hbm4b:s4+s11], $0x80, s8, s11, $0xb8;
	[tilespmem:$0x1D000] =	vst v63  }
0x187: {  	s9 =	rddreg [dreg:$0x11]  }
0x188: {  	[tilespmem:s16], [sflag:$0x2] =	stream.indirect.gather [hbm4b:s4+s11], $0x80, s9, s11, $0xb8;
	[tilespmem:$0x1D000] =	vst v63  }
0x189: {  	_ =	swait.ge [sflag:s17], $0x4000  }
0x18a: {  	[sflag:s17] =	ssyncset.done $0x0  }
0x18b: {  	s8 =	rddreg [dreg:$0x12];
	[sflag:s17] =	ssyncadd.s32 $0xFFFFC000  }
0x18c: {  	[spmem:s2] =	stream.indirect.scatter.add.f32 [tilespmem:s15], [sflag:$0x3], $0x80, s8, s11, $0xb8;
	[tilespmem:$0x1D000] =	vst v63  }
0x18d: {  	_ =	swait.ge [sflag:s10], $0x4000  }
0x18e: {  	[sflag:s10] =	ssyncset.done $0x0  }
0x18f: {  	[sflag:s10] =	ssyncadd.s32 $0xFFFFC000  }
0x190: {  	_ =	swait.ge [sflag:s18], $0x4000  }
0x191: {  	[sflag:s18] =	ssyncset.done $0x0  }
0x192: {  	s9 =	rddreg [dreg:$0x13];
	[sflag:s18] =	ssyncadd.s32 $0xFFFFC000  }
0x193: {  	[spmem:s2] =	stream.indirect.scatter.add.f32 [tilespmem:s16], [sflag:$0x3], $0x80, s9, s11, $0xb8;
	[tilespmem:$0x1D000] =	vst v63  }
0x194: {  	_ =	swait.ge [sflag:s10], $0x4000  }
0x195: {  	[sflag:s10] =	ssyncset.done $0x0  }
0x196: {  	[sflag:s10] =	ssyncadd.s32 $0xFFFFC000  }
0x197: {  	[tilespmem:s15], [sflag:$0x1] =	stream.indirect.gather [hbm4b:s4+s11], $0x80, s19, s11, $0xb8;
	[tilespmem:$0x1D000] =	vst v63  }
0x198: {  	_ = 	snop  }
0x199: {  	[tilespmem:s16], [sflag:$0x2] =	stream.indirect.gather [hbm4b:s4+s11], $0x80, s20, s11, $0xb8;
	[tilespmem:$0x1D000] =	vst v63  }
0x19a: {  	_ =	swait.ge [sflag:s17], $0x4000  }
0x19b: {  	[sflag:s17] =	ssyncset.done $0x0  }
0x19c: {  	[sflag:s17] =	ssyncadd.s32 $0xFFFFC000  }
0x19d: {  	[spmem:s2] =	stream.indirect.scatter.add.f32 [tilespmem:s15], [sflag:$0x3], $0x80, s21, s11, $0xb8;
	[tilespmem:$0x1D000] =	vst v63  }
0x19e: {  	_ =	swait.ge [sflag:s10], $0x4000  }
0x19f: {  	[sflag:s10] =	ssyncset.done $0x0  }
0x1a0: {  	[sflag:s10] =	ssyncadd.s32 $0xFFFFC000  }
0x1a1: {  	_ =	swait.ge [sflag:s18], $0x4000  }
0x1a2: {  	[sflag:s18] =	ssyncset.done $0x0  }
0x1a3: {  	[sflag:s18] =	ssyncadd.s32 $0xFFFFC000  }
0x1a4: {  	[spmem:s2] =	stream.indirect.scatter.add.f32 [tilespmem:s16], [sflag:$0x3], $0x80, s22, s11, $0xb8;
	[tilespmem:$0x1D000] =	vst v63  }
0x1a5: {  	_ =	swait.ge [sflag:s10], $0x4000  }
0x1a6: {  	[sflag:s10] =	ssyncset.done $0x0  }
0x1a7: {  	[sflag:s10] =	ssyncadd.s32 $0xFFFFC000  }
0x1a8: {  	[tilespmem:s15], [sflag:$0x1] =	stream.indirect.gather [hbm4b:s4+s11], $0x80, s23, s11, $0xb8;
	[tilespmem:$0x1D000] =	vst v63  }
0x1a9: {  	_ = 	snop  }
0x1aa: {  	[tilespmem:s16], [sflag:$0x2] =	stream.indirect.gather [hbm4b:s4+s11], $0x80, s24, s11, $0xb8;
	[tilespmem:$0x1D000] =	vst v63  }
0x1ab: {  	_ =	swait.ge [sflag:s17], $0x4000  }
0x1ac: {  	[sflag:s17] =	ssyncset.done $0x0  }
0x1ad: {  	[sflag:s17] =	ssyncadd.s32 $0xFFFFC000  }
0x1ae: {  	[spmem:s2] =	stream.indirect.scatter.add.f32 [tilespmem:s15], [sflag:$0x3], $0x80, s25, s11, $0xb8;
	[tilespmem:$0x1D000] =	vst v63  }
0x1af: {  	_ =	swait.ge [sflag:s10], $0x4000  }
0x1b0: {  	[sflag:s10] =	ssyncset.done $0x0  }
0x1b1: {  	[sflag:s10] =	ssyncadd.s32 $0xFFFFC000  }
0x1b2: {  	_ =	swait.ge [sflag:s18], $0x4000  }
0x1b3: {  	[sflag:s18] =	ssyncset.done $0x0  }
0x1b4: {  	[sflag:s18] =	ssyncadd.s32 $0xFFFFC000  }
0x1b5: {  	[spmem:s2] =	stream.indirect.scatter.add.f32 [tilespmem:s16], [sflag:$0x3], $0x80, s26, s11, $0xb8;
	[tilespmem:$0x1D000] =	vst v63  }
0x1b6: {  	_ =	swait.ge [sflag:s10], $0x4000  }
0x1b7: {  	[sflag:s10] =	ssyncset.done $0x0  }
0x1b8: {  	[sflag:s10] =	ssyncadd.s32 $0xFFFFC000  }
0x1b9: {  	[tilespmem:s15], [sflag:$0x1] =	stream.indirect.gather [hbm4b:s4+s11], $0x80, s28, s11, $0xb8;
	[tilespmem:$0x1D000] =	vst v63  }
0x1ba: {  	_ = 	snop  }
0x1bb: {  	[tilespmem:s16], [sflag:$0x2] =	stream.indirect.gather [hbm4b:s4+s11], $0x80, s29, s11, $0xb8;
	[tilespmem:$0x1D000] =	vst v63  }
0x1bc: {  	_ =	swait.ge [sflag:s17], $0x4000  }
0x1bd: {  	[sflag:s17] =	ssyncset.done $0x0  }
0x1be: {  	[sflag:s17] =	ssyncadd.s32 $0xFFFFC000  }
0x1bf: {  	[spmem:s2] =	stream.indirect.scatter.add.f32 [tilespmem:s15], [sflag:$0x3], $0x80, s30, s11, $0xb8;
	[tilespmem:$0x1D000] =	vst v63  }
0x1c0: {  	_ =	swait.ge [sflag:s10], $0x4000  }
0x1c1: {  	[sflag:s10] =	ssyncset.done $0x0  }
0x1c2: {  	[sflag:s10] =	ssyncadd.s32 $0xFFFFC000  }
0x1c3: {  	_ =	swait.ge [sflag:s18], $0x4000  }
0x1c4: {  	[sflag:s18] =	ssyncset.done $0x0  }
0x1c5: {  	[sflag:s18] =	ssyncadd.s32 $0xFFFFC000  }
0x1c6: {  	[spmem:s2] =	stream.indirect.scatter.add.f32 [tilespmem:s16], [sflag:$0x3], $0x80, s31, s11, $0xb8;
	[tilespmem:$0x1D000] =	vst v63  }
0x1c7: {  	_ =	swait.ge [sflag:s10], $0x4000  }
0x1c8: {  	[sflag:s10] =	ssyncset.done $0x0  }
0x1c9: {  	[sflag:s10] =	ssyncadd.s32 $0xFFFFC000  }
0x1ca: {  	[tilespmem:s15], [sflag:$0x1] =	stream.indirect.gather [hbm4b:s4+s11], $0x80, s1, s11, $0xb8;
	[tilespmem:$0x1D000] =	vst v63  }
0x1cb: {  	_ = 	snop  }
0x1cc: {  	[tilespmem:s16], [sflag:$0x2] =	stream.indirect.gather [hbm4b:s4+s11], $0x80, s0, s11, $0xb8;
	[tilespmem:$0x1D000] =	vst v63  }
0x1cd: {  	_ =	swait.ge [sflag:s17], $0x4000  }
0x1ce: {  	[sflag:s17] =	ssyncset.done $0x0  }
0x1cf: {  	[sflag:s17] =	ssyncadd.s32 $0xFFFFC000  }
0x1d0: {  	[spmem:s2] =	stream.indirect.scatter.add.f32 [tilespmem:s15], [sflag:$0x3], $0x80, s5, s11, $0xb8;
	[tilespmem:$0x1D000] =	vst v63  }
0x1d1: {  	_ =	swait.ge [sflag:s10], $0x4000  }
0x1d2: {  	[sflag:s10] =	ssyncset.done $0x0  }
0x1d3: {  	[sflag:s10] =	ssyncadd.s32 $0xFFFFC000  }
0x1d4: {  	_ =	swait.ge [sflag:s18], $0x4000  }
0x1d5: {  	[sflag:s18] =	ssyncset.done $0x0  }
0x1d6: {  	[sflag:s18] =	ssyncadd.s32 $0xFFFFC000  }
0x1d7: {  	[spmem:s2] =	stream.indirect.scatter.add.f32 [tilespmem:s16], [sflag:$0x3], $0x80, s7, s11, $0xb8;
	[tilespmem:$0x1D000] =	vst v63  }
0x1d8: {  	_ =	swait.ge [sflag:s10], $0x4000  }
0x1d9: {  	[sflag:s10] =	ssyncset.done $0x0  }
0x1da: {  	[sflag:s10] =	ssyncadd.s32 $0xFFFFC000  }
0x1db: {  	[bflag:$0x0] =	sbarrier.arrive $0xFFFF  }
0x1dc: {  	s8 =	rddreg [dreg:$0x16]  }
0x1dd: {  	s6 =	rddreg [dreg:$0x17]  }
0x1de: {  	s9 =	rddreg [dreg:$0x19]  }
0x1df: {  	[hbm:s6], [sflag:s8] =	dma.local [spmem:s9], $0x2800  }
0x1e0: {  	_ =	swait.ge [sflag:s10], $0x2800  }
0x1e1: {  	s6 =	rddreg [dreg:$0x14]  }
0x1e2: {  	s3 =	sadd.s32 $0x1, s6;
	s6 =	rddreg [dreg:$0x18]  }
0x1e3: {  	p0 =	sne.s32 s3, s6  }
.Ltmp1:
0x1e4: {  	_ = 	snop;
	(pc) =	sbr.rel @p0 .LBB2_1-.Ltmp1, $3  }
0x1e5: {  	_ =	sdelay $0x1  }
0x1e6: {  	[sflag:s10] =	ssyncset.done $0x0  }
0x1e7: {  	[sflag:s10] =	ssyncadd.s32 $0xFFFFD800  }
0x1e8: {  	_ =	sfence.sel $0x180000  }
0x1e9: {  	[bflag:$0x0] =	sbarrier.arrive $0xFFFF  }
0x1ea: {  	_ =	strace $0x9000004D  }
0x1eb: {  	s0 =	stileid.u32;
	[bflag:$0x2] =	sbarrier.arrive $0xFFFF  }
0x1ec: {  	p0 =	sne.s32 s0, $0x0;
	s0 =	rddreg [dreg:$0x3]  }
0x1ed: {  	s0 =	sadd.s32 @!p0 $0x100000, s0  }
0x1ee: {  	[sflag:s0] =	ssyncadd.tile.s32 @!p0 $0x1;
	_ =	shalt  }
.Lfunc_end2:
_tile_overlayer_lowered:
.L_overlay_start_2:
0x1ef: {  	(tag) =	ssettag $0x2  }
0x1f0: {  	s0 =	rddreg [dreg:$0x0];
	s2 =	stileid.u32  }
0x1f1: {  	s1 =	rddreg [dreg:$0x1];
	p0 =	sne.s32 s2, $0x0  }
0x1f2: {  	s3 =	rddreg [dreg:$0x2];
	[bflag:$0x3] =	sbarrier.arrive $0xFFFF;
	s2 =	simm.s32 @!p0 $0x1C03  }
0x1f3: {  	[timem:s3], [sflag:s2] =	dma.local @!p0 [hbm:s0], s1  }
0x1f4: {  	s0 =	simm.s32 @!p0 $0x3  }
0x1f5: {  	_ =	swait.ge @!p0 [sflag:s0], s1  }
0x1f6: {  	s1 =	ssub.s32 @!p0 $0x0, s1;
	[sflag:s0] =	ssyncset.done @!p0 $0x0  }
0x1f7: {  	[sflag:s0] =	ssyncadd.s32 @!p0 s1  }
0x1f8: {  	[bflag:$0x3] =	sbarrier.arrive $0xFFFF  }
0x1f9: {  	_ =	shalt  }

// kernel: kernel.19.cloned.1.call-start
scs
__scs_entry_jumppad:
0x0: {  	(pc) =	sbr.rel $0x88, $3  }
0x1: {  	(tag) =	ssettag $0x0;
	lr =	simm.s32 $0x1  }
0x2: {  	[smem:$0x3F99] =	sst lr;
	_ =	strace $0xD0000000  }
0x3: {  	_ = 	snop  }
0x4: {  	_ = 	snop  }
0x5: {  	_ = 	snop  }
0x6: {  	_ = 	snop  }
0x7: {  	_ = 	snop  }
__scs_overlays_trampoline_lowered:
0x8: {  	[smem:$0x3FA8] =	sst s0  }
0x9: {  	[smem:$0x3FA9] =	sst s1  }
0xa: {  	[smem:$0x3FAA] =	sst s2  }
0xb: {  	[smem:$0x3FAB] =	sst s3  }
0xc: {  	[smem:$0x3FAC] =	sst s4  }
0xd: {  	[smem:$0x3FAD] =	sst s5  }
0xe: {  	[smem:$0x3FAE] =	sst s6  }
0xf: {  	[smem:$0x3FAF] =	sst s7  }
0x10: {  	[smem:$0x3FB0] =	sst s8  }
0x11: {  	[smem:$0x3FB1] =	sst s9;
	s0 =	simm.s32 @!p0 $0x0  }
0x12: {  	s1 =	sld [smem:$0x3F97];
	s0 =	simm.s32 @p0 $0x1  }
0x13: {  	[smem:$0x3FB2] =	sst s0;
	s0 =	simm.s32 @!p1 $0x0  }
0x14: {  	s2 =	sld [smem:$0x3F96];
	s0 =	simm.s32 @p1 $0x1  }
0x15: {  	[smem:$0x3FB3] =	sst s0;
	s0 =	simm.s32 @!p2 $0x0  }
0x16: {  	s3 =	sld [smem:$0x3FDB];
	s0 =	simm.s32 @p2 $0x1  }
0x17: {  	s4 =	simm.s32 $0x1BF5;
	[smem:$0x3FB5] =	sst s0  }
0x18: {  	s0 =	sld [smem:$0x3F98];
	_ =	swait.ge [sflag:s4], $0x0  }
0x19: {  	s7 =	sld [smem:$0x3F99]  }
0x1a: {  	s8 =	sadd.s32 $0xFFFFE003, lr  }
0x1b: {  	s9 =	sadd.s32 $0xFFFFFEF7, lr;
	s5 =	simm.s32 $0xFFFFFFFF;
	p2 =	slt.u32 s8, $0xFFFFF086  }
0x1c: {  	p1 =	slt.u32 s9, $0xF7A;
	s5 =	simm.s32 @!p2 $0x0  }
0x1d: {  	s5 =	simm.s32 @p1 $0x1;
	p0 =	seq.s32 s7, s2  }
0x1e: {  	s7 =	smul.u32 @!p0 $0xF7A, s2;
	p2 =	seq.s32 @!p0 s5, $0x0  }
0x1f: {  	s9 =	smul.u32 $0xF7A, s1;
	s8 =	simm.s32 @!p0 $0x1BF5;
	p2 =	por !p2, p0  }
0x20: {  	[sflag:s8] =	ssyncset.s32 @!p0 $0xFFFFF086;
	s6 =	sadd.s32 @!p0 s3, s7;
	s7 =	simm.s32 @!p0 $0x108  }
0x21: {  	s3 =	sadd.s32 s3, s9;
	s6 =	sadd.s32 @!p0 $0x88, s6;
	s7 =	simm.s32 @p2 $0x1082  }
0x22: {  	[simem:s7], [sflag:s8] =	dma.local @!p0 [hbm:s6], $0xF7A  }
0x23: {  	s9 =	sor.u32 $0xD0000000, s2;
	s6 =	simm.s32 $0x108;
	_ =	swait.ge @!p0 [sflag:s8], $0x0  }
0x24: {  	s3 =	sadd.s32 $0x88, s3;
	s6 =	simm.s32 @!p1 $0x1082;
	[sflag:s4] =	ssyncset.s32 $0xFFFFF086  }
0x25: {  	[simem:s6], [sflag:s4] =	dma.local [hbm:s3], $0xF7A  }
0x26: {  	[smem:$0x3F99] =	sst s1;
	(tag) =	ssettag s2;
	_ =	strace s9  }
0x27: {  	s1 =	sld [smem:$0x3FA9]  }
0x28: {  	s2 =	sld [smem:$0x3FAA]  }
0x29: {  	s4 =	sld [smem:$0x3FAC]  }
0x2a: {  	p0 =	seq.s32 s5, $0x0;
	s5 =	sld [smem:$0x3FAD]  }
0x2b: {  	s6 =	sld [smem:$0x3FAE]  }
0x2c: {  	s7 =	sld [smem:$0x3FAF]  }
0x2d: {  	s3 =	simm.s32 $0x108;
	s8 =	sld [smem:$0x3FB0]  }
0x2e: {  	s3 =	simm.s32 @!p0 $0x1082;
	s9 =	sld [smem:$0x3FB1]  }
0x2f: {  	lr =	sadd.s32 s0, s3;
	s0 =	sld [smem:$0x3FA8]  }
0x30: {  	s3 =	sld [smem:$0x3FAB]  }
0x31: {  	[smem:$0x3FB4] =	sst s10  }
0x32: {  	s10 =	sld [smem:$0x3FB2];
	_ =	sdelay $0x3  }
0x33: {  	p0 =	seq.s32 s10, $0x1;
	s10 =	sld [smem:$0x3FB4];
	_ =	sdelay $0x3  }
0x34: {  	[smem:$0x3FB4] =	sst s10  }
0x35: {  	s10 =	sld [smem:$0x3FB3];
	_ =	sdelay $0x3  }
0x36: {  	p1 =	seq.s32 s10, $0x1;
	s10 =	sld [smem:$0x3FB4];
	_ =	sdelay $0x3  }
0x37: {  	[smem:$0x3FB4] =	sst s10  }
0x38: {  	s10 =	sld [smem:$0x3FB5]  }
0x39: {  	_ = 	snop;
	(pc) =	sbr.ind lr, $3  }
0x3a: {  	_ = 	snop  }
0x3b: {  	_ = 	snop  }
0x3c: {  	p2 =	seq.s32 s10, $0x1;
	s10 =	sld [smem:$0x3FB4]  }
0x3d: {  	_ =	shalt  }
0x3e: {  	_ =	shalt  }
0x3f: {  	_ =	shalt  }
0x40: {  	_ =	shalt  }
0x41: {  	_ =	shalt  }
0x42: {  	_ =	shalt  }
0x43: {  	_ =	shalt  }
0x44: {  	_ =	shalt  }
0x45: {  	_ =	shalt  }
0x46: {  	_ =	shalt  }
0x47: {  	_ =	shalt  }
0x48: {  	_ =	shalt  }
0x49: {  	_ =	shalt  }
0x4a: {  	_ =	shalt  }
0x4b: {  	_ =	shalt  }
0x4c: {  	_ =	shalt  }
0x4d: {  	_ =	shalt  }
0x4e: {  	_ =	shalt  }
0x4f: {  	_ =	shalt  }
0x50: {  	_ =	shalt  }
0x51: {  	_ =	shalt  }
0x52: {  	_ =	shalt  }
0x53: {  	_ =	shalt  }
0x54: {  	_ =	shalt  }
0x55: {  	_ =	shalt  }
0x56: {  	_ =	shalt  }
0x57: {  	_ =	shalt  }
0x58: {  	_ =	shalt  }
0x59: {  	_ =	shalt  }
0x5a: {  	_ =	shalt  }
0x5b: {  	_ =	shalt  }
0x5c: {  	_ =	shalt  }
0x5d: {  	_ =	shalt  }
0x5e: {  	_ =	shalt  }
0x5f: {  	_ =	shalt  }
0x60: {  	_ =	shalt  }
0x61: {  	_ =	shalt  }
0x62: {  	_ =	shalt  }
0x63: {  	_ =	shalt  }
0x64: {  	_ =	shalt  }
0x65: {  	_ =	shalt  }
0x66: {  	_ =	shalt  }
0x67: {  	_ =	shalt  }
0x68: {  	_ =	shalt  }
0x69: {  	_ =	shalt  }
0x6a: {  	_ =	shalt  }
0x6b: {  	_ =	shalt  }
0x6c: {  	_ =	shalt  }
0x6d: {  	_ =	shalt  }
0x6e: {  	_ =	shalt  }
0x6f: {  	_ =	shalt  }
0x70: {  	_ =	shalt  }
0x71: {  	_ =	shalt  }
0x72: {  	_ =	shalt  }
0x73: {  	_ =	shalt  }
0x74: {  	_ =	shalt  }
0x75: {  	_ =	shalt  }
0x76: {  	_ =	shalt  }
0x77: {  	_ =	shalt  }
0x78: {  	_ =	shalt  }
0x79: {  	_ =	shalt  }
0x7a: {  	_ =	shalt  }
0x7b: {  	_ =	shalt  }
0x7c: {  	_ =	shalt  }
0x7d: {  	_ =	shalt  }
0x7e: {  	_ =	shalt  }
0x7f: {  	_ =	shalt  }
0x80: {  	_ =	shalt  }
0x81: {  	_ =	shalt  }
0x82: {  	_ =	shalt  }
0x83: {  	_ =	shalt  }
0x84: {  	_ =	shalt  }
0x85: {  	_ =	shalt  }
0x86: {  	_ =	shalt  }
0x87: {  	_ =	shalt  }
.Lfunc_end0:
.L_simem_size_0:
called_computation.3_lowered:
.L_overlay_start_0:
0x88: {  	s2 =	sld [smem:$0x3FD9]  }
0x89: {  	s3 =	sld [smem:$0x3FFE];
	_ =	sdelay $0x1  }
0x8a: {  	s1 =	srdreg.scid  }
0x8b: {  	s0 =	sand.u32 $0x1, s1  }
0x8c: {  	s16 =	sshll.u32 s0, $0xA;
	s2 =	sadd.s32 s3, s2  }
0x8d: {  	s2 =	sadd.s32 s2, s16  }
0x8e: {  	[smem:$0x3FC0] =	sst s2  }
0x8f: {  	_ = 	snop  }
0x90: {  	(tm) =	ssettm $0x1  }
0x91: {  	s17 =	sld [smem:$0x3FFB];
	_ =	sdelay $0x3  }
0x92: {  	_ =	strace s17  }
0x93: {  	s2 =	sld [smem:$0x3FFC];
	_ =	sdelay $0x3  }
0x94: {  	_ =	strace s2  }
0x95: {  	s2 =	sld [smem:$0x3FFD];
	_ =	sdelay $0x3  }
0x96: {  	_ =	strace s2  }
0x97: {  	_ =	strace $0x8FFFFFFF  }
0x98: {  	s18 =	sld [smem:$0x3FDB];
	_ =	sdelay $0x1  }
0x99: {  	s19 =	simm.s32 $_scs_section_size  }
0x9a: {  	s4 =	simm.s32 $_size__tile_overlayer_lowered;
	s5 =	simm.s32 $_tile_overlayer_lowered  }
0x9b: {  	s22 =	simm.s32 $0x1BFF;
	s21 =	sshll.u32 s5, $0x1;
	s2 =	sadd.s32 s19, s18  }
0x9c: {  	s6 =	simm.s32 $0x0;
	s20 =	sshll.u32 s4, $0x1;
	s4 =	sadd.s32 s21, s2  }
0x9d: {  	[timem:s6], [sflag:s22] =	dma.local [hbm:s4], s20  }
0x9e: {  	_ =	swait.ge [sflag:s22], s20  }
0x9f: {  	s3 =	ssub.s32 $0x0, s20;
	[sflag:s22] =	ssyncset.done $0x0  }
0xa0: {  	[sflag:s22] =	ssyncadd.s32 s3;
	_ =	sdelay $0x1  }
0xa1: {  	s23 =	simm.s32 $0x1B8B  }
0xa2: {  	_ =	swait.ge [sflag:s23], $0x1  }
0xa3: {  	[sflag:s23] =	ssyncset.done $0x0  }
0xa4: {  	s25 =	simm.s32 $0x1B8E;
	s24 =	sld [smem:$0x3FFE];
	[sflag:s23] =	ssyncadd.s32 $0xFFFFFFFF  }
0xa5: {  	s26 =	simm.s32 $execute0_lowered;
	[smem:$0x3FD2] =	sst s25  }
0xa6: {  	s4 =	sshll.u32 s26, $0x1;
	_ =	strace $0x8000004F;
	[dreg:$0x1] =	wrdreg $0xFFFFFFFF  }
0xa7: {  	s28 =	simm.s32 $_size_execute0_lowered;
	s2 =	sadd.s32 s2, s4;
	[dreg:$0x0] =	wrdreg $0x0  }
0xa8: {  	s4 =	sshll.u32 s28, $0x1;
	[dreg:$0x2] =	wrdreg s2  }
0xa9: {  	[dreg:$0x3] =	wrdreg s4  }
0xaa: {  	[dreg:$0x4] =	wrdreg $0xC0  }
0xab: {  	_ =	task [dreg:s6], $0x5FFFF  }
0xac: {  	[dreg:$0x1] =	wrdreg $0xFFFFFFFF  }
0xad: {  	[dreg:$0x0] =	wrdreg $0x60  }
0xae: {  	[dreg:$0x2] =	wrdreg s24  }
0xaf: {  	[dreg:$0x3] =	wrdreg $0x0  }
0xb0: {  	[dreg:$0x4] =	wrdreg $0x9  }
0xb1: {  	_ =	task.clear_ibuf [dreg:s6], $0x5FFFF;
	_ =	strace $0x9000004F  }
0xb2: {  	s29 =	simm.s32 $0x9;
	_ =	strace $0x80000051  }
0xb3: {  	_ =	swait.ge [sflag:s29], $0x1  }
0xb4: {  	[sflag:s29] =	ssyncadd.s32 $0xFFFFFFFF  }
0xb5: {  	_ =	strace $0x90000051  }
0xb6: {  	_ =	sfence  }
0xb7: {  	s30 =	sld [smem:$0x0];
	_ =	sdelay $0x2  }
0xb8: {  	s31 =	sshll.u32 s1, $0xD;
	s1 =	sshrl.u32 s1, $0x2  }
0xb9: {  	s3 =	sand.u32 $0x4000, s31;
	s1 =	sadd.s32 s1, s30  }
0xba: {  	s0 =	sor.u32 s3, s0;
	s1 =	sshll.u32 s1, $0x11  }
0xbb: {  	s0 =	sor.u32 s1, s0  }
0xbc: {  	s0 =	sadd.s32 $0x8F2B, s0  }
0xbd: {  	[sflag:s0] =	ssyncadd.remote.s32 $0x1  }
0xbe: {  	_ =	sfence.sel $0xFFFF  }
0xbf: {  	[dreg:$0x0] =	wrdreg $0xFFFFFFFF;
	(pc) =	sbr.abs _section_cstart, $3  }
0xc0: {  	[dreg:$0x1] =	wrdreg $0xFFFFFFFF  }
0xc1: {  	_ =	task.clear_ibuf [dreg:s6], $0x2FFFF;
	_ =	strace $0x9FFFFFFF  }
0xc2: {  	(tm) =	ssettm $0x7FFFFFFF  }
0xc3: {  	_ =	shalt  }
tec
execute0_lowered:
.L_overlay_start_1:
0x0: {  	(tag) =	ssettag $0x1  }
0x1: {  	s0 =	srdreg.scid;
	s5 =	rddreg [dreg:$0x0]  }
0x2: {  	s9 =	stileid.u32;
	s2 =	rddreg [dreg:$0x1]  }
0x3: {  	s12 =	simm.s32 $0x14080;
	s14 =	simm.s32 $0x14880;
	s15 =	simm.s32 $0x14100  }
0x4: {  	s16 =	simm.s32 $0x14180;
	s17 =	simm.s32 $0x14900;
	s0 =	sand.u32 $0x1, s0  }
0x5: {  	s18 =	simm.s32 $0x14980;
	s19 =	simm.s32 $0x14200;
	s1 =	sshll.u32 s0, $0x4  }
0x6: {  	s20 =	simm.s32 $0x14280;
	s21 =	simm.s32 $0x14A00;
	s1 =	sor.u32 s9, s1  }
0x7: {  	s22 =	simm.s32 $0x14A80;
	s23 =	simm.s32 $0x14300;
	s3 =	sshrl.u32 s1, $0x3  }
0x8: {  	s24 =	simm.s32 $0x14380;
	s4 =	smul.u32 $0x14000, s3;
	s3 =	simm.s32 $0x0  }
0x9: {  	s25 =	simm.s32 $0x14B00;
	s7 =	sadd.s32 $0x90600, s5;
	[smem:$0x7FF] =	sst s3  }
0xa: {  	s0 =	ssub.s32 $0x2, s0;
	_ =	strace $0x80000050;
	[dreg:$0x14] =	wrdreg s7  }
0xb: {  	s28 =	simm.s32 $0x14600;
	s26 =	sshrl.u32 s0, $0x1;
	[dreg:$0x5] =	wrdreg s12  }
0xc: {  	s29 =	simm.s32 $0x14680;
	s0 =	ssub.s32 s0, s26;
	[dreg:$0x6] =	wrdreg s14  }
0xd: {  	s30 =	simm.s32 $0x14E00;
	s0 =	smax.u32 s0, $0x1;
	[dreg:$0x7] =	wrdreg s15  }
0xe: {  	s31 =	simm.s32 $0x14E80;
	s8 =	smul.u32 $0x50000, s9;
	[dreg:$0x17] =	wrdreg s0  }
0xf: {  	s6 =	sshll.u32 s9, $0x7;
	s13 =	sshll.u32 s9, $0x6;
	[dreg:$0x8] =	wrdreg s16  }
0x10: {  	s6 =	sand.u32 $0x380, s6;
	s8 =	sshrl.u32 s8, $0x2;
	[dreg:$0x9] =	wrdreg s17  }
0x11: {  	s1 =	smul.u32 $0x2800, s1;
	s11 =	sadd.s32 s8, s2;
	[dreg:$0xa] =	wrdreg s18  }
0x12: {  	s8 =	sor.u32 $0x1C03, s13;
	s13 =	simm.s32 $0x14000;
	[dreg:$0xb] =	wrdreg s19  }
0x13: {  	s26 =	simm.s32 $0x14B80;
	s9 =	sshrl.u32 s11, $0x3;
	[dreg:$0xc] =	wrdreg s20  }
0x14: {  	s11 =	simm.s32 $0x80;
	s1 =	sadd.s32 s1, s5;
	[dreg:$0xd] =	wrdreg s21  }
0x15: {  	s6 =	sor.u32 s6, s4;
	s4 =	sadd.s32 $0x68600, s5;
	[dreg:$0xe] =	wrdreg s22  }
0x16: {  	s1 =	sadd.s32 $0xDE00, s1;
	s12 =	simm.s32 $0x400;
	[dreg:$0xf] =	wrdreg s23  }
0x17: {  	s14 =	simm.s32 $0x14800;
	s15 =	simm.s32 $0x15000;
	[dreg:$0x10] =	wrdreg s24  }
0x18: {  	s16 =	simm.s32 $0x19000;
	s17 =	simm.s32 $0x1;
	[dreg:$0x11] =	wrdreg s25  }
0x19: {  	s18 =	simm.s32 $0x2;
	[dreg:$0x12] =	wrdreg s26;
	s19 =	simm.s32 $0x14400  }
0x1a: {  	s20 =	simm.s32 $0x14480;
	s21 =	simm.s32 $0x14C00;
	s22 =	simm.s32 $0x14C80  }
0x1b: {  	s23 =	simm.s32 $0x14500;
	s24 =	simm.s32 $0x14580;
	s25 =	simm.s32 $0x14D00  }
0x1c: {  	s26 =	simm.s32 $0x14D80;
	[dreg:$0x15] =	wrdreg s8;
	s6 =	sshrl.u32 s6, $0x3  }
0x1d: {  	s0 =	simm.s32 $0x14780;
	[dreg:$0x18] =	wrdreg s9;
	s6 =	sadd.s32 s6, s5  }
0x1e: {  	[dreg:$0x16] =	wrdreg s1;
	s1 =	simm.s32 $0x14700;
	s7 =	sadd.s32 $0x5E600, s6  }
0x1f: {  	s5 =	simm.s32 $0x14F00;
	s10 =	sadd.s32 $0x3E00, s6;
	[dreg:$0x3] =	wrdreg s7  }
0x20: {  	[dreg:$0x4] =	wrdreg s10;
	s10 =	simm.s32 $0x3;
	s7 =	simm.s32 $0x14F80  }
.LBB2_1:
0x21: {  	[dreg:$0x13] =	wrdreg s3  }
0x22: {  	s6 =	rddreg [dreg:$0x14]  }
0x23: {  	[spmem:s9], [sflag:s8] =	dma.local [hbm:s6], $0x2800  }
0x24: {  	_ =	swait.ge [sflag:s10], $0x2800  }
0x25: {  	[sflag:s10] =	ssyncset.done $0x0  }
0x26: {  	[sflag:s10] =	ssyncadd.s32 $0xFFFFD800  }
0x27: {  	[bflag:$0x0] =	sbarrier.arrive $0xFFFF  }
0x28: {  	s6 =	rddreg [dreg:$0x3]  }
0x29: {  	s6 =	sadd.s32 $0x0, s6  }
0x2a: {  	[tilespmem:s13], [sflag:$0x3] =	stream.strided.gather [hbm4b:s6+s11], $0x800, s12, s11, $0x38;
	[tilespmem:$0x1D000] =	vst v63  }
0x2b: {  	_ =	swait.ge [sflag:s10], $0x800  }
0x2c: {  	s9 =	rddreg [dreg:$0x4];
	[sflag:s10] =	ssyncset.done $0x0  }
0x2d: {  	[sflag:s10] =	ssyncadd.s32 $0xFFFFF800;
	s6 =	sadd.s32 $0x0, s9  }
0x2e: {  	[tilespmem:s14], [sflag:$0x3] =	stream.strided.gather [hbm4b:s6+s11], $0x800, s12, s11, $0x38;
	[tilespmem:$0x1D000] =	vst v63  }
0x2f: {  	_ =	swait.ge [sflag:s10], $0x800  }
0x30: {  	[sflag:s10] =	ssyncset.done $0x0  }
0x31: {  	[sflag:s10] =	ssyncadd.s32 $0xFFFFF800  }
0x32: {  	[tilespmem:s15], [sflag:$0x1] =	stream.indirect.gather [hbm4b:s4+s11], $0x80, s13, s11, $0xb8;
	[tilespmem:$0x1D000] =	vst v63  }
0x33: {  	s3 =	rddreg [dreg:$0x5]  }
0x34: {  	[tilespmem:s16], [sflag:$0x2] =	stream.indirect.gather [hbm4b:s4+s11], $0x80, s3, s11, $0xb8;
	[tilespmem:$0x1D000] =	vst v63  }
0x35: {  	_ =	swait.ge [sflag:s17], $0x4000  }
0x36: {  	[sflag:s17] =	ssyncset.done $0x0  }
0x37: {  	[sflag:s17] =	ssyncadd.s32 $0xFFFFC000  }
0x38: {  	[spmem:s2] =	stream.indirect.scatter.add.f32 [tilespmem:s15], [sflag:$0x3], $0x80, s14, s11, $0xb8;
	[tilespmem:$0x1D000] =	vst v63  }
0x39: {  	_ =	swait.ge [sflag:s10], $0x4000  }
0x3a: {  	[sflag:s10] =	ssyncset.done $0x0  }
0x3b: {  	[sflag:s10] =	ssyncadd.s32 $0xFFFFC000  }
0x3c: {  	_ =	swait.ge [sflag:s18], $0x4000  }
0x3d: {  	[sflag:s18] =	ssyncset.done $0x0  }
0x3e: {  	s8 =	rddreg [dreg:$0x6];
	[sflag:s18] =	ssyncadd.s32 $0xFFFFC000  }
0x3f: {  	[spmem:s2] =	stream.indirect.scatter.add.f32 [tilespmem:s16], [sflag:$0x3], $0x80, s8, s11, $0xb8;
	[tilespmem:$0x1D000] =	vst v63  }
0x40: {  	_ =	swait.ge [sflag:s10], $0x4000  }
0x41: {  	[sflag:s10] =	ssyncset.done $0x0  }
0x42: {  	s9 =	rddreg [dreg:$0x7];
	[sflag:s10] =	ssyncadd.s32 $0xFFFFC000  }
0x43: {  	[tilespmem:s15], [sflag:$0x1] =	stream.indirect.gather [hbm4b:s4+s11], $0x80, s9, s11, $0xb8;
	[tilespmem:$0x1D000] =	vst v63  }
0x44: {  	s3 =	rddreg [dreg:$0x8]  }
0x45: {  	[tilespmem:s16], [sflag:$0x2] =	stream.indirect.gather [hbm4b:s4+s11], $0x80, s3, s11, $0xb8;
	[tilespmem:$0x1D000] =	vst v63  }
0x46: {  	_ =	swait.ge [sflag:s17], $0x4000  }
0x47: {  	[sflag:s17] =	ssyncset.done $0x0  }
0x48: {  	s9 =	rddreg [dreg:$0x9];
	[sflag:s17] =	ssyncadd.s32 $0xFFFFC000  }
0x49: {  	[spmem:s2] =	stream.indirect.scatter.add.f32 [tilespmem:s15], [sflag:$0x3], $0x80, s9, s11, $0xb8;
	[tilespmem:$0x1D000] =	vst v63  }
0x4a: {  	_ =	swait.ge [sflag:s10], $0x4000  }
0x4b: {  	[sflag:s10] =	ssyncset.done $0x0  }
0x4c: {  	[sflag:s10] =	ssyncadd.s32 $0xFFFFC000  }
0x4d: {  	_ =	swait.ge [sflag:s18], $0x4000  }
0x4e: {  	[sflag:s18] =	ssyncset.done $0x0  }
0x4f: {  	s3 =	rddreg [dreg:$0xa];
	[sflag:s18] =	ssyncadd.s32 $0xFFFFC000  }
0x50: {  	[spmem:s2] =	stream.indirect.scatter.add.f32 [tilespmem:s16], [sflag:$0x3], $0x80, s3, s11, $0xb8;
	[tilespmem:$0x1D000] =	vst v63  }
0x51: {  	_ =	swait.ge [sflag:s10], $0x4000  }
0x52: {  	[sflag:s10] =	ssyncset.done $0x0  }
0x53: {  	s8 =	rddreg [dreg:$0xb];
	[sflag:s10] =	ssyncadd.s32 $0xFFFFC000  }
0x54: {  	[tilespmem:s15], [sflag:$0x1] =	stream.indirect.gather [hbm4b:s4+s11], $0x80, s8, s11, $0xb8;
	[tilespmem:$0x1D000] =	vst v63  }
0x55: {  	s9 =	rddreg [dreg:$0xc]  }
0x56: {  	[tilespmem:s16], [sflag:$0x2] =	stream.indirect.gather [hbm4b:s4+s11], $0x80, s9, s11, $0xb8;
	[tilespmem:$0x1D000] =	vst v63  }
0x57: {  	_ =	swait.ge [sflag:s17], $0x4000  }
0x58: {  	[sflag:s17] =	ssyncset.done $0x0  }
0x59: {  	s3 =	rddreg [dreg:$0xd];
	[sflag:s17] =	ssyncadd.s32 $0xFFFFC000  }
0x5a: {  	[spmem:s2] =	stream.indirect.scatter.add.f32 [tilespmem:s15], [sflag:$0x3], $0x80, s3, s11, $0xb8;
	[tilespmem:$0x1D000] =	vst v63  }
0x5b: {  	_ =	swait.ge [sflag:s10], $0x4000  }
0x5c: {  	[sflag:s10] =	ssyncset.done $0x0  }
0x5d: {  	[sflag:s10] =	ssyncadd.s32 $0xFFFFC000  }
0x5e: {  	_ =	swait.ge [sflag:s18], $0x4000  }
0x5f: {  	[sflag:s18] =	ssyncset.done $0x0  }
0x60: {  	s8 =	rddreg [dreg:$0xe];
	[sflag:s18] =	ssyncadd.s32 $0xFFFFC000  }
0x61: {  	[spmem:s2] =	stream.indirect.scatter.add.f32 [tilespmem:s16], [sflag:$0x3], $0x80, s8, s11, $0xb8;
	[tilespmem:$0x1D000] =	vst v63  }
0x62: {  	_ =	swait.ge [sflag:s10], $0x4000  }
0x63: {  	[sflag:s10] =	ssyncset.done $0x0  }
0x64: {  	s9 =	rddreg [dreg:$0xf];
	[sflag:s10] =	ssyncadd.s32 $0xFFFFC000  }
0x65: {  	[tilespmem:s15], [sflag:$0x1] =	stream.indirect.gather [hbm4b:s4+s11], $0x80, s9, s11, $0xb8;
	[tilespmem:$0x1D000] =	vst v63  }
0x66: {  	s3 =	rddreg [dreg:$0x10]  }
0x67: {  	[tilespmem:s16], [sflag:$0x2] =	stream.indirect.gather [hbm4b:s4+s11], $0x80, s3, s11, $0xb8;
	[tilespmem:$0x1D000] =	vst v63  }
0x68: {  	_ =	swait.ge [sflag:s17], $0x4000  }
0x69: {  	[sflag:s17] =	ssyncset.done $0x0  }
0x6a: {  	s8 =	rddreg [dreg:$0x11];
	[sflag:s17] =	ssyncadd.s32 $0xFFFFC000  }
0x6b: {  	[spmem:s2] =	stream.indirect.scatter.add.f32 [tilespmem:s15], [sflag:$0x3], $0x80, s8, s11, $0xb8;
	[tilespmem:$0x1D000] =	vst v63  }
0x6c: {  	_ =	swait.ge [sflag:s10], $0x4000  }
0x6d: {  	[sflag:s10] =	ssyncset.done $0x0  }
0x6e: {  	[sflag:s10] =	ssyncadd.s32 $0xFFFFC000  }
0x6f: {  	_ =	swait.ge [sflag:s18], $0x4000  }
0x70: {  	[sflag:s18] =	ssyncset.done $0x0  }
0x71: {  	s9 =	rddreg [dreg:$0x12];
	[sflag:s18] =	ssyncadd.s32 $0xFFFFC000  }
0x72: {  	[spmem:s2] =	stream.indirect.scatter.add.f32 [tilespmem:s16], [sflag:$0x3], $0x80, s9, s11, $0xb8;
	[tilespmem:$0x1D000] =	vst v63  }
0x73: {  	_ =	swait.ge [sflag:s10], $0x4000  }
0x74: {  	[sflag:s10] =	ssyncset.done $0x0  }
0x75: {  	[sflag:s10] =	ssyncadd.s32 $0xFFFFC000  }
0x76: {  	[tilespmem:s15], [sflag:$0x1] =	stream.indirect.gather [hbm4b:s4+s11], $0x80, s19, s11, $0xb8;
	[tilespmem:$0x1D000] =	vst v63  }
0x77: {  	_ = 	snop  }
0x78: {  	[tilespmem:s16], [sflag:$0x2] =	stream.indirect.gather [hbm4b:s4+s11], $0x80, s20, s11, $0xb8;
	[tilespmem:$0x1D000] =	vst v63  }
0x79: {  	_ =	swait.ge [sflag:s17], $0x4000  }
0x7a: {  	[sflag:s17] =	ssyncset.done $0x0  }
0x7b: {  	[sflag:s17] =	ssyncadd.s32 $0xFFFFC000  }
0x7c: {  	[spmem:s2] =	stream.indirect.scatter.add.f32 [tilespmem:s15], [sflag:$0x3], $0x80, s21, s11, $0xb8;
	[tilespmem:$0x1D000] =	vst v63  }
0x7d: {  	_ =	swait.ge [sflag:s10], $0x4000  }
0x7e: {  	[sflag:s10] =	ssyncset.done $0x0  }
0x7f: {  	[sflag:s10] =	ssyncadd.s32 $0xFFFFC000  }
0x80: {  	_ =	swait.ge [sflag:s18], $0x4000  }
0x81: {  	[sflag:s18] =	ssyncset.done $0x0  }
0x82: {  	[sflag:s18] =	ssyncadd.s32 $0xFFFFC000  }
0x83: {  	[spmem:s2] =	stream.indirect.scatter.add.f32 [tilespmem:s16], [sflag:$0x3], $0x80, s22, s11, $0xb8;
	[tilespmem:$0x1D000] =	vst v63  }
0x84: {  	_ =	swait.ge [sflag:s10], $0x4000  }
0x85: {  	[sflag:s10] =	ssyncset.done $0x0  }
0x86: {  	[sflag:s10] =	ssyncadd.s32 $0xFFFFC000  }
0x87: {  	[tilespmem:s15], [sflag:$0x1] =	stream.indirect.gather [hbm4b:s4+s11], $0x80, s23, s11, $0xb8;
	[tilespmem:$0x1D000] =	vst v63  }
0x88: {  	_ = 	snop  }
0x89: {  	[tilespmem:s16], [sflag:$0x2] =	stream.indirect.gather [hbm4b:s4+s11], $0x80, s24, s11, $0xb8;
	[tilespmem:$0x1D000] =	vst v63  }
0x8a: {  	_ =	swait.ge [sflag:s17], $0x4000  }
0x8b: {  	[sflag:s17] =	ssyncset.done $0x0  }
0x8c: {  	[sflag:s17] =	ssyncadd.s32 $0xFFFFC000  }
0x8d: {  	[spmem:s2] =	stream.indirect.scatter.add.f32 [tilespmem:s15], [sflag:$0x3], $0x80, s25, s11, $0xb8;
	[tilespmem:$0x1D000] =	vst v63  }
0x8e: {  	_ =	swait.ge [sflag:s10], $0x4000  }
0x8f: {  	[sflag:s10] =	ssyncset.done $0x0  }
0x90: {  	[sflag:s10] =	ssyncadd.s32 $0xFFFFC000  }
0x91: {  	_ =	swait.ge [sflag:s18], $0x4000  }
0x92: {  	[sflag:s18] =	ssyncset.done $0x0  }
0x93: {  	[sflag:s18] =	ssyncadd.s32 $0xFFFFC000  }
0x94: {  	[spmem:s2] =	stream.indirect.scatter.add.f32 [tilespmem:s16], [sflag:$0x3], $0x80, s26, s11, $0xb8;
	[tilespmem:$0x1D000] =	vst v63  }
0x95: {  	_ =	swait.ge [sflag:s10], $0x4000  }
0x96: {  	[sflag:s10] =	ssyncset.done $0x0  }
0x97: {  	[sflag:s10] =	ssyncadd.s32 $0xFFFFC000  }
0x98: {  	[tilespmem:s15], [sflag:$0x1] =	stream.indirect.gather [hbm4b:s4+s11], $0x80, s28, s11, $0xb8;
	[tilespmem:$0x1D000] =	vst v63  }
0x99: {  	_ = 	snop  }
0x9a: {  	[tilespmem:s16], [sflag:$0x2] =	stream.indirect.gather [hbm4b:s4+s11], $0x80, s29, s11, $0xb8;
	[tilespmem:$0x1D000] =	vst v63  }
0x9b: {  	_ =	swait.ge [sflag:s17], $0x4000  }
0x9c: {  	[sflag:s17] =	ssyncset.done $0x0  }
0x9d: {  	[sflag:s17] =	ssyncadd.s32 $0xFFFFC000  }
0x9e: {  	[spmem:s2] =	stream.indirect.scatter.add.f32 [tilespmem:s15], [sflag:$0x3], $0x80, s30, s11, $0xb8;
	[tilespmem:$0x1D000] =	vst v63  }
0x9f: {  	_ =	swait.ge [sflag:s10], $0x4000  }
0xa0: {  	[sflag:s10] =	ssyncset.done $0x0  }
0xa1: {  	[sflag:s10] =	ssyncadd.s32 $0xFFFFC000  }
0xa2: {  	_ =	swait.ge [sflag:s18], $0x4000  }
0xa3: {  	[sflag:s18] =	ssyncset.done $0x0  }
0xa4: {  	[sflag:s18] =	ssyncadd.s32 $0xFFFFC000  }
0xa5: {  	[spmem:s2] =	stream.indirect.scatter.add.f32 [tilespmem:s16], [sflag:$0x3], $0x80, s31, s11, $0xb8;
	[tilespmem:$0x1D000] =	vst v63  }
0xa6: {  	_ =	swait.ge [sflag:s10], $0x4000  }
0xa7: {  	[sflag:s10] =	ssyncset.done $0x0  }
0xa8: {  	[sflag:s10] =	ssyncadd.s32 $0xFFFFC000  }
0xa9: {  	[tilespmem:s15], [sflag:$0x1] =	stream.indirect.gather [hbm4b:s4+s11], $0x80, s1, s11, $0xb8;
	[tilespmem:$0x1D000] =	vst v63  }
0xaa: {  	_ = 	snop  }
0xab: {  	[tilespmem:s16], [sflag:$0x2] =	stream.indirect.gather [hbm4b:s4+s11], $0x80, s0, s11, $0xb8;
	[tilespmem:$0x1D000] =	vst v63  }
0xac: {  	_ =	swait.ge [sflag:s17], $0x4000  }
0xad: {  	[sflag:s17] =	ssyncset.done $0x0  }
0xae: {  	[sflag:s17] =	ssyncadd.s32 $0xFFFFC000  }
0xaf: {  	[spmem:s2] =	stream.indirect.scatter.add.f32 [tilespmem:s15], [sflag:$0x3], $0x80, s5, s11, $0xb8;
	[tilespmem:$0x1D000] =	vst v63  }
0xb0: {  	_ =	swait.ge [sflag:s10], $0x4000  }
0xb1: {  	[sflag:s10] =	ssyncset.done $0x0  }
0xb2: {  	[sflag:s10] =	ssyncadd.s32 $0xFFFFC000  }
0xb3: {  	_ =	swait.ge [sflag:s18], $0x4000  }
0xb4: {  	[sflag:s18] =	ssyncset.done $0x0  }
0xb5: {  	[sflag:s18] =	ssyncadd.s32 $0xFFFFC000  }
0xb6: {  	[spmem:s2] =	stream.indirect.scatter.add.f32 [tilespmem:s16], [sflag:$0x3], $0x80, s7, s11, $0xb8;
	[tilespmem:$0x1D000] =	vst v63  }
0xb7: {  	s6 =	simm.s32 $0x1000;
	_ =	swait.ge [sflag:s10], $0x4000  }
0xb8: {  	s8 =	simm.s32 $0x800;
	s9 =	rddreg [dreg:$0x3];
	[sflag:s10] =	ssyncset.done $0x0  }
.LBB2_2:
0xb9: {  	[sflag:s10] =	ssyncadd.s32 $0xFFFFC000;
	s9 =	sadd.s32 s8, s9  }
0xba: {  	[tilespmem:s13], [sflag:$0x3] =	stream.strided.gather [hbm4b:s9+s11], $0x800, s12, s11, $0x38;
	[tilespmem:$0x1D000] =	vst v63  }
0xbb: {  	_ =	swait.ge [sflag:s10], $0x800  }
0xbc: {  	s9 =	rddreg [dreg:$0x4];
	[sflag:s10] =	ssyncset.done $0x0  }
0xbd: {  	[sflag:s10] =	ssyncadd.s32 $0xFFFFF800;
	s9 =	sadd.s32 s8, s9  }
0xbe: {  	[tilespmem:s14], [sflag:$0x3] =	stream.strided.gather [hbm4b:s9+s11], $0x800, s12, s11, $0x38;
	[tilespmem:$0x1D000] =	vst v63  }
0xbf: {  	_ =	swait.ge [sflag:s10], $0x800  }
0xc0: {  	[sflag:s10] =	ssyncset.done $0x0  }
0xc1: {  	[sflag:s10] =	ssyncadd.s32 $0xFFFFF800  }
0xc2: {  	[tilespmem:s15], [sflag:$0x1] =	stream.indirect.gather [hbm4b:s4+s11], $0x80, s13, s11, $0xb8;
	[tilespmem:$0x1D000] =	vst v63  }
0xc3: {  	s9 =	rddreg [dreg:$0x5]  }
0xc4: {  	[tilespmem:s16], [sflag:$0x2] =	stream.indirect.gather [hbm4b:s4+s11], $0x80, s9, s11, $0xb8;
	[tilespmem:$0x1D000] =	vst v63  }
0xc5: {  	_ =	swait.ge [sflag:s17], $0x4000  }
0xc6: {  	[sflag:s17] =	ssyncset.done $0x0  }
0xc7: {  	[sflag:s17] =	ssyncadd.s32 $0xFFFFC000  }
0xc8: {  	[spmem:s2] =	stream.indirect.scatter.add.f32 [tilespmem:s15], [sflag:$0x3], $0x80, s14, s11, $0xb8;
	[tilespmem:$0x1D000] =	vst v63  }
0xc9: {  	_ =	swait.ge [sflag:s10], $0x4000  }
0xca: {  	[sflag:s10] =	ssyncset.done $0x0  }
0xcb: {  	[sflag:s10] =	ssyncadd.s32 $0xFFFFC000  }
0xcc: {  	_ =	swait.ge [sflag:s18], $0x4000  }
0xcd: {  	[sflag:s18] =	ssyncset.done $0x0  }
0xce: {  	s9 =	rddreg [dreg:$0x6];
	[sflag:s18] =	ssyncadd.s32 $0xFFFFC000  }
0xcf: {  	[spmem:s2] =	stream.indirect.scatter.add.f32 [tilespmem:s16], [sflag:$0x3], $0x80, s9, s11, $0xb8;
	[tilespmem:$0x1D000] =	vst v63  }
0xd0: {  	_ =	swait.ge [sflag:s10], $0x4000  }
0xd1: {  	s3 =	smov.u32 s6;
	[sflag:s10] =	ssyncset.done $0x0  }
0xd2: {  	s8 =	smov.u32 s3;
	s3 =	rddreg [dreg:$0x7];
	[sflag:s10] =	ssyncadd.s32 $0xFFFFC000  }
0xd3: {  	[tilespmem:s15], [sflag:$0x1] =	stream.indirect.gather [hbm4b:s4+s11], $0x80, s3, s11, $0xb8;
	[tilespmem:$0x1D000] =	vst v63  }
0xd4: {  	s9 =	rddreg [dreg:$0x8]  }
0xd5: {  	[tilespmem:s16], [sflag:$0x2] =	stream.indirect.gather [hbm4b:s4+s11], $0x80, s9, s11, $0xb8;
	[tilespmem:$0x1D000] =	vst v63  }
0xd6: {  	_ =	swait.ge [sflag:s17], $0x4000  }
0xd7: {  	[sflag:s17] =	ssyncset.done $0x0  }
0xd8: {  	s9 =	rddreg [dreg:$0x9];
	[sflag:s17] =	ssyncadd.s32 $0xFFFFC000  }
0xd9: {  	[spmem:s2] =	stream.indirect.scatter.add.f32 [tilespmem:s15], [sflag:$0x3], $0x80, s9, s11, $0xb8;
	[tilespmem:$0x1D000] =	vst v63  }
0xda: {  	_ =	swait.ge [sflag:s10], $0x4000  }
0xdb: {  	[sflag:s10] =	ssyncset.done $0x0  }
0xdc: {  	[sflag:s10] =	ssyncadd.s32 $0xFFFFC000  }
0xdd: {  	_ =	swait.ge [sflag:s18], $0x4000  }
0xde: {  	[sflag:s18] =	ssyncset.done $0x0  }
0xdf: {  	s9 =	rddreg [dreg:$0xa];
	[sflag:s18] =	ssyncadd.s32 $0xFFFFC000  }
0xe0: {  	[spmem:s2] =	stream.indirect.scatter.add.f32 [tilespmem:s16], [sflag:$0x3], $0x80, s9, s11, $0xb8;
	[tilespmem:$0x1D000] =	vst v63  }
0xe1: {  	_ =	swait.ge [sflag:s10], $0x4000  }
0xe2: {  	[sflag:s10] =	ssyncset.done $0x0  }
0xe3: {  	s3 =	rddreg [dreg:$0xb];
	[sflag:s10] =	ssyncadd.s32 $0xFFFFC000  }
0xe4: {  	[tilespmem:s15], [sflag:$0x1] =	stream.indirect.gather [hbm4b:s4+s11], $0x80, s3, s11, $0xb8;
	[tilespmem:$0x1D000] =	vst v63  }
0xe5: {  	s9 =	rddreg [dreg:$0xc]  }
0xe6: {  	[tilespmem:s16], [sflag:$0x2] =	stream.indirect.gather [hbm4b:s4+s11], $0x80, s9, s11, $0xb8;
	[tilespmem:$0x1D000] =	vst v63  }
0xe7: {  	_ =	swait.ge [sflag:s17], $0x4000  }
0xe8: {  	[sflag:s17] =	ssyncset.done $0x0  }
0xe9: {  	s9 =	rddreg [dreg:$0xd];
	[sflag:s17] =	ssyncadd.s32 $0xFFFFC000  }
0xea: {  	[spmem:s2] =	stream.indirect.scatter.add.f32 [tilespmem:s15], [sflag:$0x3], $0x80, s9, s11, $0xb8;
	[tilespmem:$0x1D000] =	vst v63  }
0xeb: {  	_ =	swait.ge [sflag:s10], $0x4000  }
0xec: {  	[sflag:s10] =	ssyncset.done $0x0  }
0xed: {  	[sflag:s10] =	ssyncadd.s32 $0xFFFFC000  }
0xee: {  	_ =	swait.ge [sflag:s18], $0x4000  }
0xef: {  	[sflag:s18] =	ssyncset.done $0x0  }
0xf0: {  	s9 =	rddreg [dreg:$0xe];
	[sflag:s18] =	ssyncadd.s32 $0xFFFFC000  }
0xf1: {  	[spmem:s2] =	stream.indirect.scatter.add.f32 [tilespmem:s16], [sflag:$0x3], $0x80, s9, s11, $0xb8;
	[tilespmem:$0x1D000] =	vst v63  }
0xf2: {  	_ =	swait.ge [sflag:s10], $0x4000  }
0xf3: {  	[sflag:s10] =	ssyncset.done $0x0  }
0xf4: {  	s3 =	rddreg [dreg:$0xf];
	[sflag:s10] =	ssyncadd.s32 $0xFFFFC000  }
0xf5: {  	[tilespmem:s15], [sflag:$0x1] =	stream.indirect.gather [hbm4b:s4+s11], $0x80, s3, s11, $0xb8;
	[tilespmem:$0x1D000] =	vst v63  }
0xf6: {  	s9 =	rddreg [dreg:$0x10]  }
0xf7: {  	[tilespmem:s16], [sflag:$0x2] =	stream.indirect.gather [hbm4b:s4+s11], $0x80, s9, s11, $0xb8;
	[tilespmem:$0x1D000] =	vst v63  }
0xf8: {  	_ =	swait.ge [sflag:s17], $0x4000  }
0xf9: {  	[sflag:s17] =	ssyncset.done $0x0  }
0xfa: {  	s9 =	rddreg [dreg:$0x11];
	[sflag:s17] =	ssyncadd.s32 $0xFFFFC000  }
0xfb: {  	[spmem:s2] =	stream.indirect.scatter.add.f32 [tilespmem:s15], [sflag:$0x3], $0x80, s9, s11, $0xb8;
	[tilespmem:$0x1D000] =	vst v63  }
0xfc: {  	_ =	swait.ge [sflag:s10], $0x4000  }
0xfd: {  	[sflag:s10] =	ssyncset.done $0x0  }
0xfe: {  	[sflag:s10] =	ssyncadd.s32 $0xFFFFC000  }
0xff: {  	_ =	swait.ge [sflag:s18], $0x4000  }
0x100: {  	[sflag:s18] =	ssyncset.done $0x0  }
0x101: {  	s9 =	rddreg [dreg:$0x12];
	[sflag:s18] =	ssyncadd.s32 $0xFFFFC000  }
0x102: {  	[spmem:s2] =	stream.indirect.scatter.add.f32 [tilespmem:s16], [sflag:$0x3], $0x80, s9, s11, $0xb8;
	[tilespmem:$0x1D000] =	vst v63  }
0x103: {  	_ =	swait.ge [sflag:s10], $0x4000  }
0x104: {  	[sflag:s10] =	ssyncset.done $0x0  }
0x105: {  	[sflag:s10] =	ssyncadd.s32 $0xFFFFC000  }
0x106: {  	[tilespmem:s15], [sflag:$0x1] =	stream.indirect.gather [hbm4b:s4+s11], $0x80, s19, s11, $0xb8;
	[tilespmem:$0x1D000] =	vst v63  }
0x107: {  	_ = 	snop  }
0x108: {  	[tilespmem:s16], [sflag:$0x2] =	stream.indirect.gather [hbm4b:s4+s11], $0x80, s20, s11, $0xb8;
	[tilespmem:$0x1D000] =	vst v63  }
0x109: {  	_ =	swait.ge [sflag:s17], $0x4000  }
0x10a: {  	[sflag:s17] =	ssyncset.done $0x0  }
0x10b: {  	[sflag:s17] =	ssyncadd.s32 $0xFFFFC000  }
0x10c: {  	[spmem:s2] =	stream.indirect.scatter.add.f32 [tilespmem:s15], [sflag:$0x3], $0x80, s21, s11, $0xb8;
	[tilespmem:$0x1D000] =	vst v63  }
0x10d: {  	_ =	swait.ge [sflag:s10], $0x4000  }
0x10e: {  	[sflag:s10] =	ssyncset.done $0x0  }
0x10f: {  	[sflag:s10] =	ssyncadd.s32 $0xFFFFC000  }
0x110: {  	_ =	swait.ge [sflag:s18], $0x4000  }
0x111: {  	[sflag:s18] =	ssyncset.done $0x0  }
0x112: {  	[sflag:s18] =	ssyncadd.s32 $0xFFFFC000  }
0x113: {  	[spmem:s2] =	stream.indirect.scatter.add.f32 [tilespmem:s16], [sflag:$0x3], $0x80, s22, s11, $0xb8;
	[tilespmem:$0x1D000] =	vst v63  }
0x114: {  	_ =	swait.ge [sflag:s10], $0x4000  }
0x115: {  	[sflag:s10] =	ssyncset.done $0x0  }
0x116: {  	[sflag:s10] =	ssyncadd.s32 $0xFFFFC000  }
0x117: {  	[tilespmem:s15], [sflag:$0x1] =	stream.indirect.gather [hbm4b:s4+s11], $0x80, s23, s11, $0xb8;
	[tilespmem:$0x1D000] =	vst v63  }
0x118: {  	_ = 	snop  }
0x119: {  	[tilespmem:s16], [sflag:$0x2] =	stream.indirect.gather [hbm4b:s4+s11], $0x80, s24, s11, $0xb8;
	[tilespmem:$0x1D000] =	vst v63  }
0x11a: {  	_ =	swait.ge [sflag:s17], $0x4000  }
0x11b: {  	[sflag:s17] =	ssyncset.done $0x0  }
0x11c: {  	[sflag:s17] =	ssyncadd.s32 $0xFFFFC000  }
0x11d: {  	[spmem:s2] =	stream.indirect.scatter.add.f32 [tilespmem:s15], [sflag:$0x3], $0x80, s25, s11, $0xb8;
	[tilespmem:$0x1D000] =	vst v63  }
0x11e: {  	_ =	swait.ge [sflag:s10], $0x4000  }
0x11f: {  	[sflag:s10] =	ssyncset.done $0x0  }
0x120: {  	[sflag:s10] =	ssyncadd.s32 $0xFFFFC000  }
0x121: {  	_ =	swait.ge [sflag:s18], $0x4000  }
0x122: {  	[sflag:s18] =	ssyncset.done $0x0  }
0x123: {  	[sflag:s18] =	ssyncadd.s32 $0xFFFFC000  }
0x124: {  	[spmem:s2] =	stream.indirect.scatter.add.f32 [tilespmem:s16], [sflag:$0x3], $0x80, s26, s11, $0xb8;
	[tilespmem:$0x1D000] =	vst v63  }
0x125: {  	_ =	swait.ge [sflag:s10], $0x4000  }
0x126: {  	[sflag:s10] =	ssyncset.done $0x0  }
0x127: {  	[sflag:s10] =	ssyncadd.s32 $0xFFFFC000  }
0x128: {  	[tilespmem:s15], [sflag:$0x1] =	stream.indirect.gather [hbm4b:s4+s11], $0x80, s28, s11, $0xb8;
	[tilespmem:$0x1D000] =	vst v63  }
0x129: {  	_ = 	snop  }
0x12a: {  	[tilespmem:s16], [sflag:$0x2] =	stream.indirect.gather [hbm4b:s4+s11], $0x80, s29, s11, $0xb8;
	[tilespmem:$0x1D000] =	vst v63  }
0x12b: {  	_ =	swait.ge [sflag:s17], $0x4000  }
0x12c: {  	[sflag:s17] =	ssyncset.done $0x0  }
0x12d: {  	[sflag:s17] =	ssyncadd.s32 $0xFFFFC000  }
0x12e: {  	[spmem:s2] =	stream.indirect.scatter.add.f32 [tilespmem:s15], [sflag:$0x3], $0x80, s30, s11, $0xb8;
	[tilespmem:$0x1D000] =	vst v63  }
0x12f: {  	_ =	swait.ge [sflag:s10], $0x4000  }
0x130: {  	[sflag:s10] =	ssyncset.done $0x0  }
0x131: {  	[sflag:s10] =	ssyncadd.s32 $0xFFFFC000  }
0x132: {  	_ =	swait.ge [sflag:s18], $0x4000  }
0x133: {  	[sflag:s18] =	ssyncset.done $0x0  }
0x134: {  	[sflag:s18] =	ssyncadd.s32 $0xFFFFC000  }
0x135: {  	[spmem:s2] =	stream.indirect.scatter.add.f32 [tilespmem:s16], [sflag:$0x3], $0x80, s31, s11, $0xb8;
	[tilespmem:$0x1D000] =	vst v63  }
0x136: {  	_ =	swait.ge [sflag:s10], $0x4000  }
0x137: {  	[sflag:s10] =	ssyncset.done $0x0  }
0x138: {  	[sflag:s10] =	ssyncadd.s32 $0xFFFFC000  }
0x139: {  	[tilespmem:s15], [sflag:$0x1] =	stream.indirect.gather [hbm4b:s4+s11], $0x80, s1, s11, $0xb8;
	[tilespmem:$0x1D000] =	vst v63  }
0x13a: {  	_ = 	snop  }
0x13b: {  	[tilespmem:s16], [sflag:$0x2] =	stream.indirect.gather [hbm4b:s4+s11], $0x80, s0, s11, $0xb8;
	[tilespmem:$0x1D000] =	vst v63  }
0x13c: {  	_ =	swait.ge [sflag:s17], $0x4000  }
0x13d: {  	[sflag:s17] =	ssyncset.done $0x0  }
0x13e: {  	[sflag:s17] =	ssyncadd.s32 $0xFFFFC000  }
0x13f: {  	[spmem:s2] =	stream.indirect.scatter.add.f32 [tilespmem:s15], [sflag:$0x3], $0x80, s5, s11, $0xb8;
	[tilespmem:$0x1D000] =	vst v63  }
0x140: {  	_ =	swait.ge [sflag:s10], $0x4000  }
0x141: {  	[sflag:s10] =	ssyncset.done $0x0  }
0x142: {  	[sflag:s10] =	ssyncadd.s32 $0xFFFFC000  }
0x143: {  	p0 =	sne.s32 s6, $0x2000;
	_ =	swait.ge [sflag:s18], $0x4000  }
.Ltmp0:
0x144: {  	[sflag:s18] =	ssyncset.done $0x0;
	(pc) =	sbr.rel @p0 .LBB2_2-.Ltmp0, $4  }
0x145: {  	[sflag:s18] =	ssyncadd.s32 $0xFFFFC000  }
0x146: {  	[spmem:s2] =	stream.indirect.scatter.add.f32 [tilespmem:s16], [sflag:$0x3], $0x80, s7, s11, $0xb8;
	[tilespmem:$0x1D000] =	vst v63  }
0x147: {  	_ =	swait.ge [sflag:s10], $0x4000  }
0x148: {  	s6 =	sadd.s32 $0x800, s6;
	s9 =	rddreg [dreg:$0x3];
	[sflag:s10] =	ssyncset.done $0x0  }
0x149: {  	[sflag:s10] =	ssyncadd.s32 $0xFFFFC000;
	s3 =	sadd.s32 s8, s9  }
0x14a: {  	[tilespmem:s13], [sflag:$0x3] =	stream.strided.gather [hbm4b:s3+s11], $0x800, s12, s11, $0x38;
	[tilespmem:$0x1D000] =	vst v63  }
0x14b: {  	_ =	swait.ge [sflag:s10], $0x800  }
0x14c: {  	s9 =	rddreg [dreg:$0x4];
	[sflag:s10] =	ssyncset.done $0x0  }
0x14d: {  	[sflag:s10] =	ssyncadd.s32 $0xFFFFF800;
	s3 =	sadd.s32 s8, s9  }
0x14e: {  	[tilespmem:s14], [sflag:$0x3] =	stream.strided.gather [hbm4b:s3+s11], $0x800, s12, s11, $0x38;
	[tilespmem:$0x1D000] =	vst v63  }
0x14f: {  	_ =	swait.ge [sflag:s10], $0x800  }
0x150: {  	[sflag:s10] =	ssyncset.done $0x0  }
0x151: {  	[sflag:s10] =	ssyncadd.s32 $0xFFFFF800  }
0x152: {  	[tilespmem:s15], [sflag:$0x1] =	stream.indirect.gather [hbm4b:s4+s11], $0x80, s13, s11, $0xb8;
	[tilespmem:$0x1D000] =	vst v63  }
0x153: {  	s6 =	rddreg [dreg:$0x5]  }
0x154: {  	[tilespmem:s16], [sflag:$0x2] =	stream.indirect.gather [hbm4b:s4+s11], $0x80, s6, s11, $0xb8;
	[tilespmem:$0x1D000] =	vst v63  }
0x155: {  	_ =	swait.ge [sflag:s17], $0x4000  }
0x156: {  	[sflag:s17] =	ssyncset.done $0x0  }
0x157: {  	[sflag:s17] =	ssyncadd.s32 $0xFFFFC000  }
0x158: {  	[spmem:s2] =	stream.indirect.scatter.add.f32 [tilespmem:s15], [sflag:$0x3], $0x80, s14, s11, $0xb8;
	[tilespmem:$0x1D000] =	vst v63  }
0x159: {  	_ =	swait.ge [sflag:s10], $0x4000  }
0x15a: {  	[sflag:s10] =	ssyncset.done $0x0  }
0x15b: {  	[sflag:s10] =	ssyncadd.s32 $0xFFFFC000  }
0x15c: {  	_ =	swait.ge [sflag:s18], $0x4000  }
0x15d: {  	[sflag:s18] =	ssyncset.done $0x0  }
0x15e: {  	s8 =	rddreg [dreg:$0x6];
	[sflag:s18] =	ssyncadd.s32 $0xFFFFC000  }
0x15f: {  	[spmem:s2] =	stream.indirect.scatter.add.f32 [tilespmem:s16], [sflag:$0x3], $0x80, s8, s11, $0xb8;
	[tilespmem:$0x1D000] =	vst v63  }
0x160: {  	_ =	swait.ge [sflag:s10], $0x4000  }
0x161: {  	[sflag:s10] =	ssyncset.done $0x0  }
0x162: {  	s9 =	rddreg [dreg:$0x7];
	[sflag:s10] =	ssyncadd.s32 $0xFFFFC000  }
0x163: {  	[tilespmem:s15], [sflag:$0x1] =	stream.indirect.gather [hbm4b:s4+s11], $0x80, s9, s11, $0xb8;
	[tilespmem:$0x1D000] =	vst v63  }
0x164: {  	s6 =	rddreg [dreg:$0x8]  }
0x165: {  	[tilespmem:s16], [sflag:$0x2] =	stream.indirect.gather [hbm4b:s4+s11], $0x80, s6, s11, $0xb8;
	[tilespmem:$0x1D000] =	vst v63  }
0x166: {  	_ =	swait.ge [sflag:s17], $0x4000  }
0x167: {  	[sflag:s17] =	ssyncset.done $0x0  }
0x168: {  	s8 =	rddreg [dreg:$0x9];
	[sflag:s17] =	ssyncadd.s32 $0xFFFFC000  }
0x169: {  	[spmem:s2] =	stream.indirect.scatter.add.f32 [tilespmem:s15], [sflag:$0x3], $0x80, s8, s11, $0xb8;
	[tilespmem:$0x1D000] =	vst v63  }
0x16a: {  	_ =	swait.ge [sflag:s10], $0x4000  }
0x16b: {  	[sflag:s10] =	ssyncset.done $0x0  }
0x16c: {  	[sflag:s10] =	ssyncadd.s32 $0xFFFFC000  }
0x16d: {  	_ =	swait.ge [sflag:s18], $0x4000  }
0x16e: {  	[sflag:s18] =	ssyncset.done $0x0  }
0x16f: {  	s9 =	rddreg [dreg:$0xa];
	[sflag:s18] =	ssyncadd.s32 $0xFFFFC000  }
0x170: {  	[spmem:s2] =	stream.indirect.scatter.add.f32 [tilespmem:s16], [sflag:$0x3], $0x80, s9, s11, $0xb8;
	[tilespmem:$0x1D000] =	vst v63  }
0x171: {  	_ =	swait.ge [sflag:s10], $0x4000  }
0x172: {  	[sflag:s10] =	ssyncset.done $0x0  }
0x173: {  	s6 =	rddreg [dreg:$0xb];
	[sflag:s10] =	ssyncadd.s32 $0xFFFFC000  }
0x174: {  	[tilespmem:s15], [sflag:$0x1] =	stream.indirect.gather [hbm4b:s4+s11], $0x80, s6, s11, $0xb8;
	[tilespmem:$0x1D000] =	vst v63  }
0x175: {  	s8 =	rddreg [dreg:$0xc]  }
0x176: {  	[tilespmem:s16], [sflag:$0x2] =	stream.indirect.gather [hbm4b:s4+s11], $0x80, s8, s11, $0xb8;
	[tilespmem:$0x1D000] =	vst v63  }
0x177: {  	_ =	swait.ge [sflag:s17], $0x4000  }
0x178: {  	[sflag:s17] =	ssyncset.done $0x0  }
0x179: {  	s9 =	rddreg [dreg:$0xd];
	[sflag:s17] =	ssyncadd.s32 $0xFFFFC000  }
0x17a: {  	[spmem:s2] =	stream.indirect.scatter.add.f32 [tilespmem:s15], [sflag:$0x3], $0x80, s9, s11, $0xb8;
	[tilespmem:$0x1D000] =	vst v63  }
0x17b: {  	_ =	swait.ge [sflag:s10], $0x4000  }
0x17c: {  	[sflag:s10] =	ssyncset.done $0x0  }
0x17d: {  	[sflag:s10] =	ssyncadd.s32 $0xFFFFC000  }
0x17e: {  	_ =	swait.ge [sflag:s18], $0x4000  }
0x17f: {  	[sflag:s18] =	ssyncset.done $0x0  }
0x180: {  	s6 =	rddreg [dreg:$0xe];
	[sflag:s18] =	ssyncadd.s32 $0xFFFFC000  }
0x181: {  	[spmem:s2] =	stream.indirect.scatter.add.f32 [tilespmem:s16], [sflag:$0x3], $0x80, s6, s11, $0xb8;
	[tilespmem:$0x1D000] =	vst v63  }
0x182: {  	_ =	swait.ge [sflag:s10], $0x4000  }
0x183: {  	[sflag:s10] =	ssyncset.done $0x0  }
0x184: {  	s8 =	rddreg [dreg:$0xf];
	[sflag:s10] =	ssyncadd.s32 $0xFFFFC000  }
0x185: {  	[tilespmem:s15], [sflag:$0x1] =	stream.indirect.gather [hbm4b:s4+s11], $0x80, s8, s11, $0xb8;
	[tilespmem:$0x1D000] =	vst v63  }
0x186: {  	s9 =	rddreg [dreg:$0x10]  }
0x187: {  	[tilespmem:s16], [sflag:$0x2] =	stream.indirect.gather [hbm4b:s4+s11], $0x80, s9, s11, $0xb8;
	[tilespmem:$0x1D000] =	vst v63  }
0x188: {  	_ =	swait.ge [sflag:s17], $0x4000  }
0x189: {  	[sflag:s17] =	ssyncset.done $0x0  }
0x18a: {  	s8 =	rddreg [dreg:$0x11];
	[sflag:s17] =	ssyncadd.s32 $0xFFFFC000  }
0x18b: {  	[spmem:s2] =	stream.indirect.scatter.add.f32 [tilespmem:s15], [sflag:$0x3], $0x80, s8, s11, $0xb8;
	[tilespmem:$0x1D000] =	vst v63  }
0x18c: {  	_ =	swait.ge [sflag:s10], $0x4000  }
0x18d: {  	[sflag:s10] =	ssyncset.done $0x0  }
0x18e: {  	[sflag:s10] =	ssyncadd.s32 $0xFFFFC000  }
0x18f: {  	_ =	swait.ge [sflag:s18], $0x4000  }
0x190: {  	[sflag:s18] =	ssyncset.done $0x0  }
0x191: {  	s9 =	rddreg [dreg:$0x12];
	[sflag:s18] =	ssyncadd.s32 $0xFFFFC000  }
0x192: {  	[spmem:s2] =	stream.indirect.scatter.add.f32 [tilespmem:s16], [sflag:$0x3], $0x80, s9, s11, $0xb8;
	[tilespmem:$0x1D000] =	vst v63  }
0x193: {  	_ =	swait.ge [sflag:s10], $0x4000  }
0x194: {  	[sflag:s10] =	ssyncset.done $0x0  }
0x195: {  	[sflag:s10] =	ssyncadd.s32 $0xFFFFC000  }
0x196: {  	[tilespmem:s15], [sflag:$0x1] =	stream.indirect.gather [hbm4b:s4+s11], $0x80, s19, s11, $0xb8;
	[tilespmem:$0x1D000] =	vst v63  }
0x197: {  	_ = 	snop  }
0x198: {  	[tilespmem:s16], [sflag:$0x2] =	stream.indirect.gather [hbm4b:s4+s11], $0x80, s20, s11, $0xb8;
	[tilespmem:$0x1D000] =	vst v63  }
0x199: {  	_ =	swait.ge [sflag:s17], $0x4000  }
0x19a: {  	[sflag:s17] =	ssyncset.done $0x0  }
0x19b: {  	[sflag:s17] =	ssyncadd.s32 $0xFFFFC000  }
0x19c: {  	[spmem:s2] =	stream.indirect.scatter.add.f32 [tilespmem:s15], [sflag:$0x3], $0x80, s21, s11, $0xb8;
	[tilespmem:$0x1D000] =	vst v63  }
0x19d: {  	_ =	swait.ge [sflag:s10], $0x4000  }
0x19e: {  	[sflag:s10] =	ssyncset.done $0x0  }
0x19f: {  	[sflag:s10] =	ssyncadd.s32 $0xFFFFC000  }
0x1a0: {  	_ =	swait.ge [sflag:s18], $0x4000  }
0x1a1: {  	[sflag:s18] =	ssyncset.done $0x0  }
0x1a2: {  	[sflag:s18] =	ssyncadd.s32 $0xFFFFC000  }
0x1a3: {  	[spmem:s2] =	stream.indirect.scatter.add.f32 [tilespmem:s16], [sflag:$0x3], $0x80, s22, s11, $0xb8;
	[tilespmem:$0x1D000] =	vst v63  }
0x1a4: {  	_ =	swait.ge [sflag:s10], $0x4000  }
0x1a5: {  	[sflag:s10] =	ssyncset.done $0x0  }
0x1a6: {  	[sflag:s10] =	ssyncadd.s32 $0xFFFFC000  }
0x1a7: {  	[tilespmem:s15], [sflag:$0x1] =	stream.indirect.gather [hbm4b:s4+s11], $0x80, s23, s11, $0xb8;
	[tilespmem:$0x1D000] =	vst v63  }
0x1a8: {  	_ = 	snop  }
0x1a9: {  	[tilespmem:s16], [sflag:$0x2] =	stream.indirect.gather [hbm4b:s4+s11], $0x80, s24, s11, $0xb8;
	[tilespmem:$0x1D000] =	vst v63  }
0x1aa: {  	_ =	swait.ge [sflag:s17], $0x4000  }
0x1ab: {  	[sflag:s17] =	ssyncset.done $0x0  }
0x1ac: {  	[sflag:s17] =	ssyncadd.s32 $0xFFFFC000  }
0x1ad: {  	[spmem:s2] =	stream.indirect.scatter.add.f32 [tilespmem:s15], [sflag:$0x3], $0x80, s25, s11, $0xb8;
	[tilespmem:$0x1D000] =	vst v63  }
0x1ae: {  	_ =	swait.ge [sflag:s10], $0x4000  }
0x1af: {  	[sflag:s10] =	ssyncset.done $0x0  }
0x1b0: {  	[sflag:s10] =	ssyncadd.s32 $0xFFFFC000  }
0x1b1: {  	_ =	swait.ge [sflag:s18], $0x4000  }
0x1b2: {  	[sflag:s18] =	ssyncset.done $0x0  }
0x1b3: {  	[sflag:s18] =	ssyncadd.s32 $0xFFFFC000  }
0x1b4: {  	[spmem:s2] =	stream.indirect.scatter.add.f32 [tilespmem:s16], [sflag:$0x3], $0x80, s26, s11, $0xb8;
	[tilespmem:$0x1D000] =	vst v63  }
0x1b5: {  	_ =	swait.ge [sflag:s10], $0x4000  }
0x1b6: {  	[sflag:s10] =	ssyncset.done $0x0  }
0x1b7: {  	[sflag:s10] =	ssyncadd.s32 $0xFFFFC000  }
0x1b8: {  	[tilespmem:s15], [sflag:$0x1] =	stream.indirect.gather [hbm4b:s4+s11], $0x80, s28, s11, $0xb8;
	[tilespmem:$0x1D000] =	vst v63  }
0x1b9: {  	_ = 	snop  }
0x1ba: {  	[tilespmem:s16], [sflag:$0x2] =	stream.indirect.gather [hbm4b:s4+s11], $0x80, s29, s11, $0xb8;
	[tilespmem:$0x1D000] =	vst v63  }
0x1bb: {  	_ =	swait.ge [sflag:s17], $0x4000  }
0x1bc: {  	[sflag:s17] =	ssyncset.done $0x0  }
0x1bd: {  	[sflag:s17] =	ssyncadd.s32 $0xFFFFC000  }
0x1be: {  	[spmem:s2] =	stream.indirect.scatter.add.f32 [tilespmem:s15], [sflag:$0x3], $0x80, s30, s11, $0xb8;
	[tilespmem:$0x1D000] =	vst v63  }
0x1bf: {  	_ =	swait.ge [sflag:s10], $0x4000  }
0x1c0: {  	[sflag:s10] =	ssyncset.done $0x0  }
0x1c1: {  	[sflag:s10] =	ssyncadd.s32 $0xFFFFC000  }
0x1c2: {  	_ =	swait.ge [sflag:s18], $0x4000  }
0x1c3: {  	[sflag:s18] =	ssyncset.done $0x0  }
0x1c4: {  	[sflag:s18] =	ssyncadd.s32 $0xFFFFC000  }
0x1c5: {  	[spmem:s2] =	stream.indirect.scatter.add.f32 [tilespmem:s16], [sflag:$0x3], $0x80, s31, s11, $0xb8;
	[tilespmem:$0x1D000] =	vst v63  }
0x1c6: {  	_ =	swait.ge [sflag:s10], $0x4000  }
0x1c7: {  	[sflag:s10] =	ssyncset.done $0x0  }
0x1c8: {  	[sflag:s10] =	ssyncadd.s32 $0xFFFFC000  }
0x1c9: {  	[tilespmem:s15], [sflag:$0x1] =	stream.indirect.gather [hbm4b:s4+s11], $0x80, s1, s11, $0xb8;
	[tilespmem:$0x1D000] =	vst v63  }
0x1ca: {  	_ = 	snop  }
0x1cb: {  	[tilespmem:s16], [sflag:$0x2] =	stream.indirect.gather [hbm4b:s4+s11], $0x80, s0, s11, $0xb8;
	[tilespmem:$0x1D000] =	vst v63  }
0x1cc: {  	_ =	swait.ge [sflag:s17], $0x4000  }
0x1cd: {  	[sflag:s17] =	ssyncset.done $0x0  }
0x1ce: {  	[sflag:s17] =	ssyncadd.s32 $0xFFFFC000  }
0x1cf: {  	[spmem:s2] =	stream.indirect.scatter.add.f32 [tilespmem:s15], [sflag:$0x3], $0x80, s5, s11, $0xb8;
	[tilespmem:$0x1D000] =	vst v63  }
0x1d0: {  	_ =	swait.ge [sflag:s10], $0x4000  }
0x1d1: {  	[sflag:s10] =	ssyncset.done $0x0  }
0x1d2: {  	[sflag:s10] =	ssyncadd.s32 $0xFFFFC000  }
0x1d3: {  	_ =	swait.ge [sflag:s18], $0x4000  }
0x1d4: {  	[sflag:s18] =	ssyncset.done $0x0  }
0x1d5: {  	[sflag:s18] =	ssyncadd.s32 $0xFFFFC000  }
0x1d6: {  	[spmem:s2] =	stream.indirect.scatter.add.f32 [tilespmem:s16], [sflag:$0x3], $0x80, s7, s11, $0xb8;
	[tilespmem:$0x1D000] =	vst v63  }
0x1d7: {  	_ =	swait.ge [sflag:s10], $0x4000  }
0x1d8: {  	[sflag:s10] =	ssyncset.done $0x0  }
0x1d9: {  	[sflag:s10] =	ssyncadd.s32 $0xFFFFC000  }
0x1da: {  	[bflag:$0x0] =	sbarrier.arrive $0xFFFF  }
0x1db: {  	s8 =	rddreg [dreg:$0x15]  }
0x1dc: {  	s6 =	rddreg [dreg:$0x16]  }
0x1dd: {  	s9 =	rddreg [dreg:$0x18]  }
0x1de: {  	[hbm:s6], [sflag:s8] =	dma.local [spmem:s9], $0x2800  }
0x1df: {  	_ =	swait.ge [sflag:s10], $0x2800  }
0x1e0: {  	s6 =	rddreg [dreg:$0x13]  }
0x1e1: {  	s3 =	sadd.s32 $0x1, s6;
	s6 =	rddreg [dreg:$0x17]  }
0x1e2: {  	p0 =	sne.s32 s3, s6  }
.Ltmp1:
0x1e3: {  	_ = 	snop;
	(pc) =	sbr.rel @p0 .LBB2_1-.Ltmp1, $3  }
0x1e4: {  	_ =	sdelay $0x1  }
0x1e5: {  	[sflag:s10] =	ssyncset.done $0x0  }
0x1e6: {  	[sflag:s10] =	ssyncadd.s32 $0xFFFFD800  }
0x1e7: {  	_ =	sfence.sel $0x180000  }
0x1e8: {  	[bflag:$0x0] =	sbarrier.arrive $0xFFFF  }
0x1e9: {  	_ =	strace $0x90000050  }
0x1ea: {  	s0 =	stileid.u32;
	[bflag:$0x2] =	sbarrier.arrive $0xFFFF  }
0x1eb: {  	p0 =	sne.s32 s0, $0x0;
	s0 =	rddreg [dreg:$0x2]  }
0x1ec: {  	s0 =	sadd.s32 @!p0 $0x100000, s0  }
0x1ed: {  	[sflag:s0] =	ssyncadd.tile.s32 @!p0 $0x1;
	_ =	shalt  }
.Lfunc_end2:
_tile_overlayer_lowered:
.L_overlay_start_2:
0x1ee: {  	(tag) =	ssettag $0x2  }
0x1ef: {  	s0 =	rddreg [dreg:$0x0];
	s2 =	stileid.u32  }
0x1f0: {  	s1 =	rddreg [dreg:$0x1];
	p0 =	sne.s32 s2, $0x0  }
0x1f1: {  	s3 =	rddreg [dreg:$0x2];
	[bflag:$0x3] =	sbarrier.arrive $0xFFFF;
	s2 =	simm.s32 @!p0 $0x1C03  }
0x1f2: {  	[timem:s3], [sflag:s2] =	dma.local @!p0 [hbm:s0], s1  }
0x1f3: {  	s0 =	simm.s32 @!p0 $0x3  }
0x1f4: {  	_ =	swait.ge @!p0 [sflag:s0], s1  }
0x1f5: {  	s1 =	ssub.s32 @!p0 $0x0, s1;
	[sflag:s0] =	ssyncset.done @!p0 $0x0  }
0x1f6: {  	[sflag:s0] =	ssyncadd.s32 @!p0 s1  }
0x1f7: {  	[bflag:$0x3] =	sbarrier.arrive $0xFFFF  }
0x1f8: {  	_ =	shalt  }

</sc_bundles>
